<compile_context>
chip_gen: v7x
topology: tpu7x:2x2x1
jax: 0.10.2.dev20260603
libtpu: 0.0.44.dev20260713+nightly
codegen_flags: <defaults>
</compile_context>

<pallas_src>
import functools

import jax
import jax.numpy as jnp
from jax import lax
from jax.experimental import pallas as pl
from jax.experimental.pallas import tpu as pltpu
from jax.experimental.pallas import tpu_sc as plsc

_NC = 2
_NS = 16
_NW = _NC * _NS
_LANES = 16
_CHUNK = 128


def _pool_sc(idx3, emb_table, b_per_w, ctx, n_chunks):
    B = b_per_w * _NW
    _, D = emb_table.shape
    nvr = D // _LANES

    mesh = plsc.VectorSubcoreMesh(
        core_axis_name="c", subcore_axis_name="s",
        num_cores=_NC, num_subcores=_NS)

    @functools.partial(
        pl.kernel,
        out_type=jax.ShapeDtypeStruct((B, D), jnp.float32),
        mesh=mesh,
        scratch_types=[
            pltpu.VMEM((n_chunks, _CHUNK), jnp.int32),
            pltpu.VMEM((n_chunks * _CHUNK, D), jnp.float32),
            pltpu.VMEM((b_per_w, D), jnp.float32),
            pltpu.SemaphoreType.DMA,
        ],
        compiler_params=pltpu.CompilerParams(use_tc_tiling_on_sc=False),
    )
    def pool(idx_hbm, table_hbm, out_hbm, idx_v, rows_v, pooled_v, sem):
        wid = lax.axis_index("s") * _NC + lax.axis_index("c")
        base = wid * b_per_w
        pltpu.sync_copy(idx_hbm.at[wid], idx_v)
        copies = [
            pltpu.async_copy(
                table_hbm.at[idx_v.at[c]],
                rows_v.at[pl.ds(c * _CHUNK, _CHUNK)], sem)
            for c in range(n_chunks)
        ]
        for cp in copies:
            cp.wait()
        scale = jnp.float32(1.0 / ctx)
        for i in range(b_per_w):
            def body(j, accs, i=i):
                r = i * ctx + j
                return tuple(
                    a + rows_v[r, pl.ds(v * _LANES, _LANES)]
                    for v, a in enumerate(accs))
            accs = lax.fori_loop(
                0, ctx, body,
                tuple(jnp.zeros((_LANES,), jnp.float32) for _ in range(nvr)))
            for v in range(nvr):
                pooled_v[i, pl.ds(v * _LANES, _LANES)] = accs[v] * scale
        pltpu.sync_copy(pooled_v, out_hbm.at[pl.ds(base, b_per_w)])

    return pool(idx3, emb_table)


_NBUF = 4


def _project_tc(pooled, lin_w, lin_b, rows):
    B, D = pooled.shape
    V = lin_w.shape[0]
    n_tiles = B // rows
    b2 = lin_b.reshape(1, V)
    wt = lin_w.T

    def mm(p_ref, w_ref, b_ref, o_hbm, acc, sems):
        i = pl.program_id(0)
        slot = lax.rem(i, _NBUF)

        @pl.when(i >= _NBUF)
        def _wait_prev():
            for s in range(_NBUF):
                @pl.when(slot == s)
                def _(s=s):
                    pltpu.make_async_copy(
                        acc.at[s], o_hbm.at[pl.ds(0, rows), :],
                        sems.at[s]).wait()

        res = lax.dot_general(
            p_ref[pl.ds(i * rows, rows), :], w_ref[...],
            dimension_numbers=(((1,), (0,)), ((), ())),
            preferred_element_type=jnp.float32) + b_ref[...]
        for s in range(_NBUF):
            @pl.when(slot == s)
            def _(s=s):
                acc[s] = res
                pltpu.make_async_copy(
                    acc.at[s], o_hbm.at[pl.ds(i * rows, rows), :],
                    sems.at[s]).start()

        @pl.when(i == n_tiles - 1)
        def _drain():
            for k in range(_NBUF):
                s = (n_tiles - _NBUF + k) % _NBUF
                pltpu.make_async_copy(
                    acc.at[s], o_hbm.at[pl.ds(0, rows), :],
                    sems.at[s]).wait()

    return pl.pallas_call(
        mm,
        grid=(n_tiles,),
        in_specs=[
            pl.BlockSpec((B, D), lambda i: (0, 0)),
            pl.BlockSpec((D, V), lambda i: (0, 0)),
            pl.BlockSpec((1, V), lambda i: (0, 0)),
        ],
        out_specs=pl.BlockSpec(memory_space=pltpu.MemorySpace.HBM),
        out_shape=jax.ShapeDtypeStruct((B, V), jnp.float32),
        scratch_shapes=[
            pltpu.VMEM((_NBUF, rows, V), jnp.float32),
            pltpu.SemaphoreType.DMA((_NBUF,)),
        ],
    )(pooled, wt, b2)


def kernel(context_words, emb_table, lin_w, lin_b):
    B, ctx = context_words.shape
    b_per_w = B // _NW
    per_w = b_per_w * ctx
    n_chunks = -(-per_w // _CHUNK)
    pad = n_chunks * _CHUNK - per_w
    idx = context_words.astype(jnp.int32).reshape(_NW, per_w)
    if pad:
        idx = jnp.pad(idx, ((0, 0), (0, pad)))
    idx3 = idx.reshape(_NW, n_chunks, _CHUNK)
    pooled = _pool_sc(idx3, emb_table, b_per_w, ctx, n_chunks)
    return _project_tc(pooled, lin_w, lin_b, 16)

# --- scband reference (transcript-rebuilt; emitter-appended) ---
"""Pipeline reference for scband-cbow-58488864637368 (READ-ONLY COPY).

The authoritative reference and input builder live on the scoring server;
editing this copy changes nothing except your own understanding.
"""

import jax, jax.numpy as jnp
import numpy as np

VOCAB = 100000
EMBED_DIM = 32
BATCH = 1024
CTX = 50

def setup_inputs(seed: int = 0) -> dict:
    key = jax.random.key(seed)
    k_idx, k_emb, k_w, k_b = jax.random.split(key, 4)
    context_words = jax.random.randint(k_idx, (BATCH, CTX), 0, VOCAB, dtype=jnp.int64 if jax.config.jax_enable_x64 else jnp.int32)
    # learned parameters
    emb_table = jax.random.normal(k_emb, (VOCAB, EMBED_DIM), dtype=jnp.float32)
    # nn.Linear(embedding_dim, vocab_size): weight [vocab, embed_dim], bias [vocab]
    bound = 1.0 / np.sqrt(EMBED_DIM)
    lin_w = jax.random.uniform(k_w, (VOCAB, EMBED_DIM), dtype=jnp.float32, minval=-bound, maxval=bound)
    lin_b = jax.random.uniform(k_b, (VOCAB,), dtype=jnp.float32, minval=-bound, maxval=bound)
    return {"context_words": context_words, "emb_table": emb_table, "lin_w": lin_w, "lin_b": lin_b}

def reference(context_words, emb_table, lin_w, lin_b):
    # embedding lookup: [B, CTX, D]
    context_embeddings = jnp.take(emb_table, context_words, axis=0)
    # mean over context window: [B, D]
    pooled = context_embeddings.mean(axis=1)
    # linear projection to vocab: [B, VOCAB]
    scores = pooled @ lin_w.T + lin_b
    return scores

if __name__ == "__main__":
    import jax
    _d = setup_inputs()
    print(jax.jit(kernel)(*tuple(_d.values())))

</pallas_src>

<mosaic_0001>
#map = affine_map<(d0, d1) -> (0, 0, 0)>
#map1 = affine_map<(d0, d1) -> (0, 0)>
module attributes {stable_mosaic.version = 14 : i64} {
  func.func @pool(%arg0: i32, %arg1: i32, %arg2: memref<32x13x128xi32, #tpu.memory_space<hbm>>, %arg3: memref<100000x32xf32, #tpu.memory_space<hbm>>, %arg4: memref<1024x32xf32, #tpu.memory_space<hbm>>, %arg5: memref<13x128xi32, #tpu.memory_space<vmem>>, %arg6: memref<1664x32xf32, #tpu.memory_space<vmem>>, %arg7: memref<32x32xf32, #tpu.memory_space<vmem>>, %arg8: memref<!tpu.dma_semaphore, #tpu.memory_space<semaphore_mem>>) attributes {dimension_semantics = [#tpu.dimension_semantics<core_parallel>, #tpu.dimension_semantics<subcore_parallel>], iteration_bounds = array<i64: 2, 16>, scalar_prefetch = 0 : i64, scratch_operands = 4 : i64, tpu.core_type = #tpu.core_type<sc_vector_subcore>, window_params = [{transform_indices = #map}, {transform_indices = #map1}, {transform_indices = #map1}]} {
    %mul3A = arith.constant 2 : i32
    %mul3A_0 = arith.muli %arg1, %mul3A : i32
    %add3A = arith.addi %mul3A_0, %arg0 : i32
    %mul3A_1 = arith.constant 32 : i32
    %mul3A_2 = arith.muli %add3A, %mul3A_1 : i32
    "tpu.region"() ({
      %run_scoped3A = tpu.sem_alloc : memref<!tpu.dma_semaphore, #tpu.memory_space<semaphore_mem>>
      %dma_start3A_1154 = arith.constant 0 : i32
      %dma_start3A_1155 = arith.constant 0 : i32
      %dma_start3A_1156 = tpu.memref_slice %arg2[%add3A, %dma_start3A_1154, %dma_start3A_1155] : memref<32x13x128xi32, #tpu.memory_space<hbm>> -> memref<1x13x128xi32, #tpu.memory_space<hbm>>
      %dma_start3A_1157 = tpu.memref_squeeze %dma_start3A_1156 : memref<1x13x128xi32, #tpu.memory_space<hbm>> -> memref<13x128xi32, #tpu.memory_space<hbm>>
      %dma_start3A_1158 = arith.constant 0 : i32
      %dma_start3A_1159 = arith.constant 0 : i32
      %dma_start3A_1160 = tpu.memref_slice %arg2[%add3A, %dma_start3A_1158, %dma_start3A_1159] : memref<32x13x128xi32, #tpu.memory_space<hbm>> -> memref<1x13x128xi32, #tpu.memory_space<hbm>>
      %dma_start3A_1161 = tpu.memref_squeeze %dma_start3A_1160 : memref<1x13x128xi32, #tpu.memory_space<hbm>> -> memref<13x128xi32, #tpu.memory_space<hbm>>
      tpu.enqueue_dma source(%dma_start3A_1161 : memref<13x128xi32, #tpu.memory_space<hbm>>) target(%arg5 : memref<13x128xi32, #tpu.memory_space<vmem>>) target_semaphore(%run_scoped3A : memref<!tpu.dma_semaphore, #tpu.memory_space<semaphore_mem>>)
      %dma_wait3A_1162 = arith.constant 0 : i32
      %dma_wait3A_1163 = arith.constant 0 : i32
      %dma_wait3A_1164 = tpu.memref_slice %arg2[%add3A, %dma_wait3A_1162, %dma_wait3A_1163] : memref<32x13x128xi32, #tpu.memory_space<hbm>> -> memref<1x13x128xi32, #tpu.memory_space<hbm>>
      %dma_wait3A_1165 = tpu.memref_squeeze %dma_wait3A_1164 : memref<1x13x128xi32, #tpu.memory_space<hbm>> -> memref<13x128xi32, #tpu.memory_space<hbm>>
      %dma_wait3A_1166 = arith.constant 0 : i32
      %dma_wait3A_1167 = arith.constant 0 : i32
      %dma_wait3A_1168 = tpu.memref_slice %arg2[%add3A, %dma_wait3A_1166, %dma_wait3A_1167] : memref<32x13x128xi32, #tpu.memory_space<hbm>> -> memref<1x13x128xi32, #tpu.memory_space<hbm>>
      %dma_wait3A_1169 = tpu.memref_squeeze %dma_wait3A_1168 : memref<1x13x128xi32, #tpu.memory_space<hbm>> -> memref<13x128xi32, #tpu.memory_space<hbm>>
      tpu.wait_dma2 semaphore(%run_scoped3A : memref<!tpu.dma_semaphore, #tpu.memory_space<semaphore_mem>>) src(%dma_wait3A_1169 : memref<13x128xi32, #tpu.memory_space<hbm>>) dst(%arg5 : memref<13x128xi32, #tpu.memory_space<vmem>>)
      tpu.yield
    }) : () -> ()
    %dma_start3A = arith.constant 0 : i32
    %dma_start3A_3 = arith.constant 0 : i32
    %dma_start3A_4 = arith.constant 0 : i32
    %dma_start3A_5 = tpu.memref_slice %arg6[%dma_start3A_3, %dma_start3A_4] : memref<1664x32xf32, #tpu.memory_space<vmem>> -> memref<128x32xf32, #tpu.memory_space<vmem>>
    %dma_start3A_6 = arith.constant 0 : i32
    %dma_start3A_7 = tpu.memref_slice %arg5[%dma_start3A, %dma_start3A_6] : memref<13x128xi32, #tpu.memory_space<vmem>> -> memref<1x128xi32, #tpu.memory_space<vmem>>
    %dma_start3A_8 = tpu.memref_squeeze %dma_start3A_7 : memref<1x128xi32, #tpu.memory_space<vmem>> -> memref<128xi32, #tpu.memory_space<vmem>>
    %dma_start3A_9 = arith.constant 0 : i32
    %dma_start3A_10 = arith.constant 0 : i32
    %dma_start3A_11 = tpu.memref_slice %arg3[%dma_start3A_9, %dma_start3A_10] : memref<100000x32xf32, #tpu.memory_space<hbm>> -> memref<100000x32xf32, #tpu.memory_space<hbm>>
    tpu.enqueue_indirect_dma source(%dma_start3A_11 : memref<100000x32xf32, #tpu.memory_space<hbm>>) target(%dma_start3A_5 : memref<128x32xf32, #tpu.memory_space<vmem>>) offsets(%dma_start3A_8 : memref<128xi32, #tpu.memory_space<vmem>>) semaphore(%arg8 : memref<!tpu.dma_semaphore, #tpu.memory_space<semaphore_mem>>)
    %dma_start3A_12 = arith.constant 1 : i32
    %dma_start3A_13 = arith.constant 128 : i32
    %dma_start3A_14 = arith.constant 0 : i32
    %dma_start3A_15 = tpu.memref_slice %arg6[%dma_start3A_13, %dma_start3A_14] : memref<1664x32xf32, #tpu.memory_space<vmem>> -> memref<128x32xf32, #tpu.memory_space<vmem>>
    %dma_start3A_16 = arith.constant 0 : i32
    %dma_start3A_17 = tpu.memref_slice %arg5[%dma_start3A_12, %dma_start3A_16] : memref<13x128xi32, #tpu.memory_space<vmem>> -> memref<1x128xi32, #tpu.memory_space<vmem>>
    %dma_start3A_18 = tpu.memref_squeeze %dma_start3A_17 : memref<1x128xi32, #tpu.memory_space<vmem>> -> memref<128xi32, #tpu.memory_space<vmem>>
    %dma_start3A_19 = arith.constant 0 : i32
    %dma_start3A_20 = arith.constant 0 : i32
    %dma_start3A_21 = tpu.memref_slice %arg3[%dma_start3A_19, %dma_start3A_20] : memref<100000x32xf32, #tpu.memory_space<hbm>> -> memref<100000x32xf32, #tpu.memory_space<hbm>>
    tpu.enqueue_indirect_dma source(%dma_start3A_21 : memref<100000x32xf32, #tpu.memory_space<hbm>>) target(%dma_start3A_15 : memref<128x32xf32, #tpu.memory_space<vmem>>) offsets(%dma_start3A_18 : memref<128xi32, #tpu.memory_space<vmem>>) semaphore(%arg8 : memref<!tpu.dma_semaphore, #tpu.memory_space<semaphore_mem>>)
    %dma_start3A_22 = arith.constant 2 : i32
    %dma_start3A_23 = arith.constant 256 : i32
    %dma_start3A_24 = arith.constant 0 : i32
    %dma_start3A_25 = tpu.memref_slice %arg6[%dma_start3A_23, %dma_start3A_24] : memref<1664x32xf32, #tpu.memory_space<vmem>> -> memref<128x32xf32, #tpu.memory_space<vmem>>
    %dma_start3A_26 = arith.constant 0 : i32
    %dma_start3A_27 = tpu.memref_slice %arg5[%dma_start3A_22, %dma_start3A_26] : memref<13x128xi32, #tpu.memory_space<vmem>> -> memref<1x128xi32, #tpu.memory_space<vmem>>
    %dma_start3A_28 = tpu.memref_squeeze %dma_start3A_27 : memref<1x128xi32, #tpu.memory_space<vmem>> -> memref<128xi32, #tpu.memory_space<vmem>>
    %dma_start3A_29 = arith.constant 0 : i32
    %dma_start3A_30 = arith.constant 0 : i32
    %dma_start3A_31 = tpu.memref_slice %arg3[%dma_start3A_29, %dma_start3A_30] : memref<100000x32xf32, #tpu.memory_space<hbm>> -> memref<100000x32xf32, #tpu.memory_space<hbm>>
    tpu.enqueue_indirect_dma source(%dma_start3A_31 : memref<100000x32xf32, #tpu.memory_space<hbm>>) target(%dma_start3A_25 : memref<128x32xf32, #tpu.memory_space<vmem>>) offsets(%dma_start3A_28 : memref<128xi32, #tpu.memory_space<vmem>>) semaphore(%arg8 : memref<!tpu.dma_semaphore, #tpu.memory_space<semaphore_mem>>)
    %dma_start3A_32 = arith.constant 3 : i32
    %dma_start3A_33 = arith.constant 384 : i32
    %dma_start3A_34 = arith.constant 0 : i32
    %dma_start3A_35 = tpu.memref_slice %arg6[%dma_start3A_33, %dma_start3A_34] : memref<1664x32xf32, #tpu.memory_space<vmem>> -> memref<128x32xf32, #tpu.memory_space<vmem>>
    %dma_start3A_36 = arith.constant 0 : i32
    %dma_start3A_37 = tpu.memref_slice %arg5[%dma_start3A_32, %dma_start3A_36] : memref<13x128xi32, #tpu.memory_space<vmem>> -> memref<1x128xi32, #tpu.memory_space<vmem>>
    %dma_start3A_38 = tpu.memref_squeeze %dma_start3A_37 : memref<1x128xi32, #tpu.memory_space<vmem>> -> memref<128xi32, #tpu.memory_space<vmem>>
    %dma_start3A_39 = arith.constant 0 : i32
    %dma_start3A_40 = arith.constant 0 : i32
    %dma_start3A_41 = tpu.memref_slice %arg3[%dma_start3A_39, %dma_start3A_40] : memref<100000x32xf32, #tpu.memory_space<hbm>> -> memref<100000x32xf32, #tpu.memory_space<hbm>>
    tpu.enqueue_indirect_dma source(%dma_start3A_41 : memref<100000x32xf32, #tpu.memory_space<hbm>>) target(%dma_start3A_35 : memref<128x32xf32, #tpu.memory_space<vmem>>) offsets(%dma_start3A_38 : memref<128xi32, #tpu.memory_space<vmem>>) semaphore(%arg8 : memref<!tpu.dma_semaphore, #tpu.memory_space<semaphore_mem>>)
    %dma_start3A_42 = arith.constant 4 : i32
    %dma_start3A_43 = arith.constant 512 : i32
    %dma_start3A_44 = arith.constant 0 : i32
    %dma_start3A_45 = tpu.memref_slice %arg6[%dma_start3A_43, %dma_start3A_44] : memref<1664x32xf32, #tpu.memory_space<vmem>> -> memref<128x32xf32, #tpu.memory_space<vmem>>
    %dma_start3A_46 = arith.constant 0 : i32
    %dma_start3A_47 = tpu.memref_slice %arg5[%dma_start3A_42, %dma_start3A_46] : memref<13x128xi32, #tpu.memory_space<vmem>> -> memref<1x128xi32, #tpu.memory_space<vmem>>
    %dma_start3A_48 = tpu.memref_squeeze %dma_start3A_47 : memref<1x128xi32, #tpu.memory_space<vmem>> -> memref<128xi32, #tpu.memory_space<vmem>>
    %dma_start3A_49 = arith.constant 0 : i32
    %dma_start3A_50 = arith.constant 0 : i32
    %dma_start3A_51 = tpu.memref_slice %arg3[%dma_start3A_49, %dma_start3A_50] : memref<100000x32xf32, #tpu.memory_space<hbm>> -> memref<100000x32xf32, #tpu.memory_space<hbm>>
    tpu.enqueue_indirect_dma source(%dma_start3A_51 : memref<100000x32xf32, #tpu.memory_space<hbm>>) target(%dma_start3A_45 : memref<128x32xf32, #tpu.memory_space<vmem>>) offsets(%dma_start3A_48 : memref<128xi32, #tpu.memory_space<vmem>>) semaphore(%arg8 : memref<!tpu.dma_semaphore, #tpu.memory_space<semaphore_mem>>)
    %dma_start3A_52 = arith.constant 5 : i32
    %dma_start3A_53 = arith.constant 640 : i32
    %dma_start3A_54 = arith.constant 0 : i32
    %dma_start3A_55 = tpu.memref_slice %arg6[%dma_start3A_53, %dma_start3A_54] : memref<1664x32xf32, #tpu.memory_space<vmem>> -> memref<128x32xf32, #tpu.memory_space<vmem>>
    %dma_start3A_56 = arith.constant 0 : i32
    %dma_start3A_57 = tpu.memref_slice %arg5[%dma_start3A_52, %dma_start3A_56] : memref<13x128xi32, #tpu.memory_space<vmem>> -> memref<1x128xi32, #tpu.memory_space<vmem>>
    %dma_start3A_58 = tpu.memref_squeeze %dma_start3A_57 : memref<1x128xi32, #tpu.memory_space<vmem>> -> memref<128xi32, #tpu.memory_space<vmem>>
    %dma_start3A_59 = arith.constant 0 : i32
    %dma_start3A_60 = arith.constant 0 : i32
    %dma_start3A_61 = tpu.memref_slice %arg3[%dma_start3A_59, %dma_start3A_60] : memref<100000x32xf32, #tpu.memory_space<hbm>> -> memref<100000x32xf32, #tpu.memory_space<hbm>>
    tpu.enqueue_indirect_dma source(%dma_start3A_61 : memref<100000x32xf32, #tpu.memory_space<hbm>>) target(%dma_start3A_55 : memref<128x32xf32, #tpu.memory_space<vmem>>) offsets(%dma_start3A_58 : memref<128xi32, #tpu.memory_space<vmem>>) semaphore(%arg8 : memref<!tpu.dma_semaphore, #tpu.memory_space<semaphore_mem>>)
    %dma_start3A_62 = arith.constant 6 : i32
    %dma_start3A_63 = arith.constant 768 : i32
    %dma_start3A_64 = arith.constant 0 : i32
    %dma_start3A_65 = tpu.memref_slice %arg6[%dma_start3A_63, %dma_start3A_64] : memref<1664x32xf32, #tpu.memory_space<vmem>> -> memref<128x32xf32, #tpu.memory_space<vmem>>
    %dma_start3A_66 = arith.constant 0 : i32
    %dma_start3A_67 = tpu.memref_slice %arg5[%dma_start3A_62, %dma_start3A_66] : memref<13x128xi32, #tpu.memory_space<vmem>> -> memref<1x128xi32, #tpu.memory_space<vmem>>
    %dma_start3A_68 = tpu.memref_squeeze %dma_start3A_67 : memref<1x128xi32, #tpu.memory_space<vmem>> -> memref<128xi32, #tpu.memory_space<vmem>>
    %dma_start3A_69 = arith.constant 0 : i32
    %dma_start3A_70 = arith.constant 0 : i32
    %dma_start3A_71 = tpu.memref_slice %arg3[%dma_start3A_69, %dma_start3A_70] : memref<100000x32xf32, #tpu.memory_space<hbm>> -> memref<100000x32xf32, #tpu.memory_space<hbm>>
    tpu.enqueue_indirect_dma source(%dma_start3A_71 : memref<100000x32xf32, #tpu.memory_space<hbm>>) target(%dma_start3A_65 : memref<128x32xf32, #tpu.memory_space<vmem>>) offsets(%dma_start3A_68 : memref<128xi32, #tpu.memory_space<vmem>>) semaphore(%arg8 : memref<!tpu.dma_semaphore, #tpu.memory_space<semaphore_mem>>)
    %dma_start3A_72 = arith.constant 7 : i32
    %dma_start3A_73 = arith.constant 896 : i32
    %dma_start3A_74 = arith.constant 0 : i32
    %dma_start3A_75 = tpu.memref_slice %arg6[%dma_start3A_73, %dma_start3A_74] : memref<1664x32xf32, #tpu.memory_space<vmem>> -> memref<128x32xf32, #tpu.memory_space<vmem>>
    %dma_start3A_76 = arith.constant 0 : i32
    %dma_start3A_77 = tpu.memref_slice %arg5[%dma_start3A_72, %dma_start3A_76] : memref<13x128xi32, #tpu.memory_space<vmem>> -> memref<1x128xi32, #tpu.memory_space<vmem>>
    %dma_start3A_78 = tpu.memref_squeeze %dma_start3A_77 : memref<1x128xi32, #tpu.memory_space<vmem>> -> memref<128xi32, #tpu.memory_space<vmem>>
    %dma_start3A_79 = arith.constant 0 : i32
    %dma_start3A_80 = arith.constant 0 : i32
    %dma_start3A_81 = tpu.memref_slice %arg3[%dma_start3A_79, %dma_start3A_80] : memref<100000x32xf32, #tpu.memory_space<hbm>> -> memref<100000x32xf32, #tpu.memory_space<hbm>>
    tpu.enqueue_indirect_dma source(%dma_start3A_81 : memref<100000x32xf32, #tpu.memory_space<hbm>>) target(%dma_start3A_75 : memref<128x32xf32, #tpu.memory_space<vmem>>) offsets(%dma_start3A_78 : memref<128xi32, #tpu.memory_space<vmem>>) semaphore(%arg8 : memref<!tpu.dma_semaphore, #tpu.memory_space<semaphore_mem>>)
    %dma_start3A_82 = arith.constant 8 : i32
    %dma_start3A_83 = arith.constant 1024 : i32
    %dma_start3A_84 = arith.constant 0 : i32
    %dma_start3A_85 = tpu.memref_slice %arg6[%dma_start3A_83, %dma_start3A_84] : memref<1664x32xf32, #tpu.memory_space<vmem>> -> memref<128x32xf32, #tpu.memory_space<vmem>>
    %dma_start3A_86 = arith.constant 0 : i32
    %dma_start3A_87 = tpu.memref_slice %arg5[%dma_start3A_82, %dma_start3A_86] : memref<13x128xi32, #tpu.memory_space<vmem>> -> memref<1x128xi32, #tpu.memory_space<vmem>>
    %dma_start3A_88 = tpu.memref_squeeze %dma_start3A_87 : memref<1x128xi32, #tpu.memory_space<vmem>> -> memref<128xi32, #tpu.memory_space<vmem>>
    %dma_start3A_89 = arith.constant 0 : i32
    %dma_start3A_90 = arith.constant 0 : i32
    %dma_start3A_91 = tpu.memref_slice %arg3[%dma_start3A_89, %dma_start3A_90] : memref<100000x32xf32, #tpu.memory_space<hbm>> -> memref<100000x32xf32, #tpu.memory_space<hbm>>
    tpu.enqueue_indirect_dma source(%dma_start3A_91 : memref<100000x32xf32, #tpu.memory_space<hbm>>) target(%dma_start3A_85 : memref<128x32xf32, #tpu.memory_space<vmem>>) offsets(%dma_start3A_88 : memref<128xi32, #tpu.memory_space<vmem>>) semaphore(%arg8 : memref<!tpu.dma_semaphore, #tpu.memory_space<semaphore_mem>>)
    %dma_start3A_92 = arith.constant 9 : i32
    %dma_start3A_93 = arith.constant 1152 : i32
    %dma_start3A_94 = arith.constant 0 : i32
    %dma_start3A_95 = tpu.memref_slice %arg6[%dma_start3A_93, %dma_start3A_94] : memref<1664x32xf32, #tpu.memory_space<vmem>> -> memref<128x32xf32, #tpu.memory_space<vmem>>
    %dma_start3A_96 = arith.constant 0 : i32
    %dma_start3A_97 = tpu.memref_slice %arg5[%dma_start3A_92, %dma_start3A_96] : memref<13x128xi32, #tpu.memory_space<vmem>> -> memref<1x128xi32, #tpu.memory_space<vmem>>
    %dma_start3A_98 = tpu.memref_squeeze %dma_start3A_97 : memref<1x128xi32, #tpu.memory_space<vmem>> -> memref<128xi32, #tpu.memory_space<vmem>>
    %dma_start3A_99 = arith.constant 0 : i32
    %dma_start3A_100 = arith.constant 0 : i32
    %dma_start3A_101 = tpu.memref_slice %arg3[%dma_start3A_99, %dma_start3A_100] : memref<100000x32xf32, #tpu.memory_space<hbm>> -> memref<100000x32xf32, #tpu.memory_space<hbm>>
    tpu.enqueue_indirect_dma source(%dma_start3A_101 : memref<100000x32xf32, #tpu.memory_space<hbm>>) target(%dma_start3A_95 : memref<128x32xf32, #tpu.memory_space<vmem>>) offsets(%dma_start3A_98 : memref<128xi32, #tpu.memory_space<vmem>>) semaphore(%arg8 : memref<!tpu.dma_semaphore, #tpu.memory_space<semaphore_mem>>)
    %dma_start3A_102 = arith.constant 10 : i32
    %dma_start3A_103 = arith.constant 1280 : i32
    %dma_start3A_104 = arith.constant 0 : i32
    %dma_start3A_105 = tpu.memref_slice %arg6[%dma_start3A_103, %dma_start3A_104] : memref<1664x32xf32, #tpu.memory_space<vmem>> -> memref<128x32xf32, #tpu.memory_space<vmem>>
    %dma_start3A_106 = arith.constant 0 : i32
    %dma_start3A_107 = tpu.memref_slice %arg5[%dma_start3A_102, %dma_start3A_106] : memref<13x128xi32, #tpu.memory_space<vmem>> -> memref<1x128xi32, #tpu.memory_space<vmem>>
    %dma_start3A_108 = tpu.memref_squeeze %dma_start3A_107 : memref<1x128xi32, #tpu.memory_space<vmem>> -> memref<128xi32, #tpu.memory_space<vmem>>
    %dma_start3A_109 = arith.constant 0 : i32
    %dma_start3A_110 = arith.constant 0 : i32
    %dma_start3A_111 = tpu.memref_slice %arg3[%dma_start3A_109, %dma_start3A_110] : memref<100000x32xf32, #tpu.memory_space<hbm>> -> memref<100000x32xf32, #tpu.memory_space<hbm>>
    tpu.enqueue_indirect_dma source(%dma_start3A_111 : memref<100000x32xf32, #tpu.memory_space<hbm>>) target(%dma_start3A_105 : memref<128x32xf32, #tpu.memory_space<vmem>>) offsets(%dma_start3A_108 : memref<128xi32, #tpu.memory_space<vmem>>) semaphore(%arg8 : memref<!tpu.dma_semaphore, #tpu.memory_space<semaphore_mem>>)
    %dma_start3A_112 = arith.constant 11 : i32
    %dma_start3A_113 = arith.constant 1408 : i32
    %dma_start3A_114 = arith.constant 0 : i32
    %dma_start3A_115 = tpu.memref_slice %arg6[%dma_start3A_113, %dma_start3A_114] : memref<1664x32xf32, #tpu.memory_space<vmem>> -> memref<128x32xf32, #tpu.memory_space<vmem>>
    %dma_start3A_116 = arith.constant 0 : i32
    %dma_start3A_117 = tpu.memref_slice %arg5[%dma_start3A_112, %dma_start3A_116] : memref<13x128xi32, #tpu.memory_space<vmem>> -> memref<1x128xi32, #tpu.memory_space<vmem>>
    %dma_start3A_118 = tpu.memref_squeeze %dma_start3A_117 : memref<1x128xi32, #tpu.memory_space<vmem>> -> memref<128xi32, #tpu.memory_space<vmem>>
    %dma_start3A_119 = arith.constant 0 : i32
    %dma_start3A_120 = arith.constant 0 : i32
    %dma_start3A_121 = tpu.memref_slice %arg3[%dma_start3A_119, %dma_start3A_120] : memref<100000x32xf32, #tpu.memory_space<hbm>> -> memref<100000x32xf32, #tpu.memory_space<hbm>>
    tpu.enqueue_indirect_dma source(%dma_start3A_121 : memref<100000x32xf32, #tpu.memory_space<hbm>>) target(%dma_start3A_115 : memref<128x32xf32, #tpu.memory_space<vmem>>) offsets(%dma_start3A_118 : memref<128xi32, #tpu.memory_space<vmem>>) semaphore(%arg8 : memref<!tpu.dma_semaphore, #tpu.memory_space<semaphore_mem>>)
    %dma_start3A_122 = arith.constant 12 : i32
    %dma_start3A_123 = arith.constant 1536 : i32
    %dma_start3A_124 = arith.constant 0 : i32
    %dma_start3A_125 = tpu.memref_slice %arg6[%dma_start3A_123, %dma_start3A_124] : memref<1664x32xf32, #tpu.memory_space<vmem>> -> memref<128x32xf32, #tpu.memory_space<vmem>>
    %dma_start3A_126 = arith.constant 0 : i32
    %dma_start3A_127 = tpu.memref_slice %arg5[%dma_start3A_122, %dma_start3A_126] : memref<13x128xi32, #tpu.memory_space<vmem>> -> memref<1x128xi32, #tpu.memory_space<vmem>>
    %dma_start3A_128 = tpu.memref_squeeze %dma_start3A_127 : memref<1x128xi32, #tpu.memory_space<vmem>> -> memref<128xi32, #tpu.memory_space<vmem>>
    %dma_start3A_129 = arith.constant 0 : i32
    %dma_start3A_130 = arith.constant 0 : i32
    %dma_start3A_131 = tpu.memref_slice %arg3[%dma_start3A_129, %dma_start3A_130] : memref<100000x32xf32, #tpu.memory_space<hbm>> -> memref<100000x32xf32, #tpu.memory_space<hbm>>
    tpu.enqueue_indirect_dma source(%dma_start3A_131 : memref<100000x32xf32, #tpu.memory_space<hbm>>) target(%dma_start3A_125 : memref<128x32xf32, #tpu.memory_space<vmem>>) offsets(%dma_start3A_128 : memref<128xi32, #tpu.memory_space<vmem>>) semaphore(%arg8 : memref<!tpu.dma_semaphore, #tpu.memory_space<semaphore_mem>>)
    %dma_wait3A = arith.constant 0 : i32
    %dma_wait3A_132 = arith.constant 0 : i32
    %dma_wait3A_133 = arith.constant 0 : i32
    %dma_wait3A_134 = tpu.memref_slice %arg6[%dma_wait3A_132, %dma_wait3A_133] : memref<1664x32xf32, #tpu.memory_space<vmem>> -> memref<128x32xf32, #tpu.memory_space<vmem>>
    %dma_wait3A_135 = arith.constant 0 : i32
    %dma_wait3A_136 = tpu.memref_slice %arg5[%dma_wait3A, %dma_wait3A_135] : memref<13x128xi32, #tpu.memory_space<vmem>> -> memref<1x128xi32, #tpu.memory_space<vmem>>
    %dma_wait3A_137 = tpu.memref_squeeze %dma_wait3A_136 : memref<1x128xi32, #tpu.memory_space<vmem>> -> memref<128xi32, #tpu.memory_space<vmem>>
    %dma_wait3A_138 = arith.constant 0 : i32
    %dma_wait3A_139 = arith.constant 0 : i32
    %dma_wait3A_140 = tpu.memref_slice %arg3[%dma_wait3A_138, %dma_wait3A_139] : memref<100000x32xf32, #tpu.memory_space<hbm>> -> memref<100000x32xf32, #tpu.memory_space<hbm>>
    tpu.wait_indirect_dma semaphore(%arg8 : memref<!tpu.dma_semaphore, #tpu.memory_space<semaphore_mem>>) src(%dma_wait3A_140 : memref<100000x32xf32, #tpu.memory_space<hbm>>) dst(%dma_wait3A_134 : memref<128x32xf32, #tpu.memory_space<vmem>>)
    %dma_wait3A_141 = arith.constant 1 : i32
    %dma_wait3A_142 = arith.constant 128 : i32
    %dma_wait3A_143 = arith.constant 0 : i32
    %dma_wait3A_144 = tpu.memref_slice %arg6[%dma_wait3A_142, %dma_wait3A_143] : memref<1664x32xf32, #tpu.memory_space<vmem>> -> memref<128x32xf32, #tpu.memory_space<vmem>>
    %dma_wait3A_145 = arith.constant 0 : i32
    %dma_wait3A_146 = tpu.memref_slice %arg5[%dma_wait3A_141, %dma_wait3A_145] : memref<13x128xi32, #tpu.memory_space<vmem>> -> memref<1x128xi32, #tpu.memory_space<vmem>>
    %dma_wait3A_147 = tpu.memref_squeeze %dma_wait3A_146 : memref<1x128xi32, #tpu.memory_space<vmem>> -> memref<128xi32, #tpu.memory_space<vmem>>
    %dma_wait3A_148 = arith.constant 0 : i32
    %dma_wait3A_149 = arith.constant 0 : i32
    %dma_wait3A_150 = tpu.memref_slice %arg3[%dma_wait3A_148, %dma_wait3A_149] : memref<100000x32xf32, #tpu.memory_space<hbm>> -> memref<100000x32xf32, #tpu.memory_space<hbm>>
    tpu.wait_indirect_dma semaphore(%arg8 : memref<!tpu.dma_semaphore, #tpu.memory_space<semaphore_mem>>) src(%dma_wait3A_150 : memref<100000x32xf32, #tpu.memory_space<hbm>>) dst(%dma_wait3A_144 : memref<128x32xf32, #tpu.memory_space<vmem>>)
    %dma_wait3A_151 = arith.constant 2 : i32
    %dma_wait3A_152 = arith.constant 256 : i32
    %dma_wait3A_153 = arith.constant 0 : i32
    %dma_wait3A_154 = tpu.memref_slice %arg6[%dma_wait3A_152, %dma_wait3A_153] : memref<1664x32xf32, #tpu.memory_space<vmem>> -> memref<128x32xf32, #tpu.memory_space<vmem>>
    %dma_wait3A_155 = arith.constant 0 : i32
    %dma_wait3A_156 = tpu.memref_slice %arg5[%dma_wait3A_151, %dma_wait3A_155] : memref<13x128xi32, #tpu.memory_space<vmem>> -> memref<1x128xi32, #tpu.memory_space<vmem>>
    %dma_wait3A_157 = tpu.memref_squeeze %dma_wait3A_156 : memref<1x128xi32, #tpu.memory_space<vmem>> -> memref<128xi32, #tpu.memory_space<vmem>>
    %dma_wait3A_158 = arith.constant 0 : i32
    %dma_wait3A_159 = arith.constant 0 : i32
    %dma_wait3A_160 = tpu.memref_slice %arg3[%dma_wait3A_158, %dma_wait3A_159] : memref<100000x32xf32, #tpu.memory_space<hbm>> -> memref<100000x32xf32, #tpu.memory_space<hbm>>
    tpu.wait_indirect_dma semaphore(%arg8 : memref<!tpu.dma_semaphore, #tpu.memory_space<semaphore_mem>>) src(%dma_wait3A_160 : memref<100000x32xf32, #tpu.memory_space<hbm>>) dst(%dma_wait3A_154 : memref<128x32xf32, #tpu.memory_space<vmem>>)
    %dma_wait3A_161 = arith.constant 3 : i32
    %dma_wait3A_162 = arith.constant 384 : i32
    %dma_wait3A_163 = arith.constant 0 : i32
    %dma_wait3A_164 = tpu.memref_slice %arg6[%dma_wait3A_162, %dma_wait3A_163] : memref<1664x32xf32, #tpu.memory_space<vmem>> -> memref<128x32xf32, #tpu.memory_space<vmem>>
    %dma_wait3A_165 = arith.constant 0 : i32
    %dma_wait3A_166 = tpu.memref_slice %arg5[%dma_wait3A_161, %dma_wait3A_165] : memref<13x128xi32, #tpu.memory_space<vmem>> -> memref<1x128xi32, #tpu.memory_space<vmem>>
    %dma_wait3A_167 = tpu.memref_squeeze %dma_wait3A_166 : memref<1x128xi32, #tpu.memory_space<vmem>> -> memref<128xi32, #tpu.memory_space<vmem>>
    %dma_wait3A_168 = arith.constant 0 : i32
    %dma_wait3A_169 = arith.constant 0 : i32
    %dma_wait3A_170 = tpu.memref_slice %arg3[%dma_wait3A_168, %dma_wait3A_169] : memref<100000x32xf32, #tpu.memory_space<hbm>> -> memref<100000x32xf32, #tpu.memory_space<hbm>>
    tpu.wait_indirect_dma semaphore(%arg8 : memref<!tpu.dma_semaphore, #tpu.memory_space<semaphore_mem>>) src(%dma_wait3A_170 : memref<100000x32xf32, #tpu.memory_space<hbm>>) dst(%dma_wait3A_164 : memref<128x32xf32, #tpu.memory_space<vmem>>)
    %dma_wait3A_171 = arith.constant 4 : i32
    %dma_wait3A_172 = arith.constant 512 : i32
    %dma_wait3A_173 = arith.constant 0 : i32
    %dma_wait3A_174 = tpu.memref_slice %arg6[%dma_wait3A_172, %dma_wait3A_173] : memref<1664x32xf32, #tpu.memory_space<vmem>> -> memref<128x32xf32, #tpu.memory_space<vmem>>
    %dma_wait3A_175 = arith.constant 0 : i32
    %dma_wait3A_176 = tpu.memref_slice %arg5[%dma_wait3A_171, %dma_wait3A_175] : memref<13x128xi32, #tpu.memory_space<vmem>> -> memref<1x128xi32, #tpu.memory_space<vmem>>
    %dma_wait3A_177 = tpu.memref_squeeze %dma_wait3A_176 : memref<1x128xi32, #tpu.memory_space<vmem>> -> memref<128xi32, #tpu.memory_space<vmem>>
    %dma_wait3A_178 = arith.constant 0 : i32
    %dma_wait3A_179 = arith.constant 0 : i32
    %dma_wait3A_180 = tpu.memref_slice %arg3[%dma_wait3A_178, %dma_wait3A_179] : memref<100000x32xf32, #tpu.memory_space<hbm>> -> memref<100000x32xf32, #tpu.memory_space<hbm>>
    tpu.wait_indirect_dma semaphore(%arg8 : memref<!tpu.dma_semaphore, #tpu.memory_space<semaphore_mem>>) src(%dma_wait3A_180 : memref<100000x32xf32, #tpu.memory_space<hbm>>) dst(%dma_wait3A_174 : memref<128x32xf32, #tpu.memory_space<vmem>>)
    %dma_wait3A_181 = arith.constant 5 : i32
    %dma_wait3A_182 = arith.constant 640 : i32
    %dma_wait3A_183 = arith.constant 0 : i32
    %dma_wait3A_184 = tpu.memref_slice %arg6[%dma_wait3A_182, %dma_wait3A_183] : memref<1664x32xf32, #tpu.memory_space<vmem>> -> memref<128x32xf32, #tpu.memory_space<vmem>>
    %dma_wait3A_185 = arith.constant 0 : i32
    %dma_wait3A_186 = tpu.memref_slice %arg5[%dma_wait3A_181, %dma_wait3A_185] : memref<13x128xi32, #tpu.memory_space<vmem>> -> memref<1x128xi32, #tpu.memory_space<vmem>>
    %dma_wait3A_187 = tpu.memref_squeeze %dma_wait3A_186 : memref<1x128xi32, #tpu.memory_space<vmem>> -> memref<128xi32, #tpu.memory_space<vmem>>
    %dma_wait3A_188 = arith.constant 0 : i32
    %dma_wait3A_189 = arith.constant 0 : i32
    %dma_wait3A_190 = tpu.memref_slice %arg3[%dma_wait3A_188, %dma_wait3A_189] : memref<100000x32xf32, #tpu.memory_space<hbm>> -> memref<100000x32xf32, #tpu.memory_space<hbm>>
    tpu.wait_indirect_dma semaphore(%arg8 : memref<!tpu.dma_semaphore, #tpu.memory_space<semaphore_mem>>) src(%dma_wait3A_190 : memref<100000x32xf32, #tpu.memory_space<hbm>>) dst(%dma_wait3A_184 : memref<128x32xf32, #tpu.memory_space<vmem>>)
    %dma_wait3A_191 = arith.constant 6 : i32
    %dma_wait3A_192 = arith.constant 768 : i32
    %dma_wait3A_193 = arith.constant 0 : i32
    %dma_wait3A_194 = tpu.memref_slice %arg6[%dma_wait3A_192, %dma_wait3A_193] : memref<1664x32xf32, #tpu.memory_space<vmem>> -> memref<128x32xf32, #tpu.memory_space<vmem>>
    %dma_wait3A_195 = arith.constant 0 : i32
    %dma_wait3A_196 = tpu.memref_slice %arg5[%dma_wait3A_191, %dma_wait3A_195] : memref<13x128xi32, #tpu.memory_space<vmem>> -> memref<1x128xi32, #tpu.memory_space<vmem>>
    %dma_wait3A_197 = tpu.memref_squeeze %dma_wait3A_196 : memref<1x128xi32, #tpu.memory_space<vmem>> -> memref<128xi32, #tpu.memory_space<vmem>>
    %dma_wait3A_198 = arith.constant 0 : i32
    %dma_wait3A_199 = arith.constant 0 : i32
    %dma_wait3A_200 = tpu.memref_slice %arg3[%dma_wait3A_198, %dma_wait3A_199] : memref<100000x32xf32, #tpu.memory_space<hbm>> -> memref<100000x32xf32, #tpu.memory_space<hbm>>
    tpu.wait_indirect_dma semaphore(%arg8 : memref<!tpu.dma_semaphore, #tpu.memory_space<semaphore_mem>>) src(%dma_wait3A_200 : memref<100000x32xf32, #tpu.memory_space<hbm>>) dst(%dma_wait3A_194 : memref<128x32xf32, #tpu.memory_space<vmem>>)
    %dma_wait3A_201 = arith.constant 7 : i32
    %dma_wait3A_202 = arith.constant 896 : i32
    %dma_wait3A_203 = arith.constant 0 : i32
    %dma_wait3A_204 = tpu.memref_slice %arg6[%dma_wait3A_202, %dma_wait3A_203] : memref<1664x32xf32, #tpu.memory_space<vmem>> -> memref<128x32xf32, #tpu.memory_space<vmem>>
    %dma_wait3A_205 = arith.constant 0 : i32
    %dma_wait3A_206 = tpu.memref_slice %arg5[%dma_wait3A_201, %dma_wait3A_205] : memref<13x128xi32, #tpu.memory_space<vmem>> -> memref<1x128xi32, #tpu.memory_space<vmem>>
    %dma_wait3A_207 = tpu.memref_squeeze %dma_wait3A_206 : memref<1x128xi32, #tpu.memory_space<vmem>> -> memref<128xi32, #tpu.memory_space<vmem>>
    %dma_wait3A_208 = arith.constant 0 : i32
    %dma_wait3A_209 = arith.constant 0 : i32
    %dma_wait3A_210 = tpu.memref_slice %arg3[%dma_wait3A_208, %dma_wait3A_209] : memref<100000x32xf32, #tpu.memory_space<hbm>> -> memref<100000x32xf32, #tpu.memory_space<hbm>>
    tpu.wait_indirect_dma semaphore(%arg8 : memref<!tpu.dma_semaphore, #tpu.memory_space<semaphore_mem>>) src(%dma_wait3A_210 : memref<100000x32xf32, #tpu.memory_space<hbm>>) dst(%dma_wait3A_204 : memref<128x32xf32, #tpu.memory_space<vmem>>)
    %dma_wait3A_211 = arith.constant 8 : i32
    %dma_wait3A_212 = arith.constant 1024 : i32
    %dma_wait3A_213 = arith.constant 0 : i32
    %dma_wait3A_214 = tpu.memref_slice %arg6[%dma_wait3A_212, %dma_wait3A_213] : memref<1664x32xf32, #tpu.memory_space<vmem>> -> memref<128x32xf32, #tpu.memory_space<vmem>>
    %dma_wait3A_215 = arith.constant 0 : i32
    %dma_wait3A_216 = tpu.memref_slice %arg5[%dma_wait3A_211, %dma_wait3A_215] : memref<13x128xi32, #tpu.memory_space<vmem>> -> memref<1x128xi32, #tpu.memory_space<vmem>>
    %dma_wait3A_217 = tpu.memref_squeeze %dma_wait3A_216 : memref<1x128xi32, #tpu.memory_space<vmem>> -> memref<128xi32, #tpu.memory_space<vmem>>
    %dma_wait3A_218 = arith.constant 0 : i32
    %dma_wait3A_219 = arith.constant 0 : i32
    %dma_wait3A_220 = tpu.memref_slice %arg3[%dma_wait3A_218, %dma_wait3A_219] : memref<100000x32xf32, #tpu.memory_space<hbm>> -> memref<100000x32xf32, #tpu.memory_space<hbm>>
    tpu.wait_indirect_dma semaphore(%arg8 : memref<!tpu.dma_semaphore, #tpu.memory_space<semaphore_mem>>) src(%dma_wait3A_220 : memref<100000x32xf32, #tpu.memory_space<hbm>>) dst(%dma_wait3A_214 : memref<128x32xf32, #tpu.memory_space<vmem>>)
    %dma_wait3A_221 = arith.constant 9 : i32
    %dma_wait3A_222 = arith.constant 1152 : i32
    %dma_wait3A_223 = arith.constant 0 : i32
    %dma_wait3A_224 = tpu.memref_slice %arg6[%dma_wait3A_222, %dma_wait3A_223] : memref<1664x32xf32, #tpu.memory_space<vmem>> -> memref<128x32xf32, #tpu.memory_space<vmem>>
    %dma_wait3A_225 = arith.constant 0 : i32
    %dma_wait3A_226 = tpu.memref_slice %arg5[%dma_wait3A_221, %dma_wait3A_225] : memref<13x128xi32, #tpu.memory_space<vmem>> -> memref<1x128xi32, #tpu.memory_space<vmem>>
    %dma_wait3A_227 = tpu.memref_squeeze %dma_wait3A_226 : memref<1x128xi32, #tpu.memory_space<vmem>> -> memref<128xi32, #tpu.memory_space<vmem>>
    %dma_wait3A_228 = arith.constant 0 : i32
    %dma_wait3A_229 = arith.constant 0 : i32
    %dma_wait3A_230 = tpu.memref_slice %arg3[%dma_wait3A_228, %dma_wait3A_229] : memref<100000x32xf32, #tpu.memory_space<hbm>> -> memref<100000x32xf32, #tpu.memory_space<hbm>>
    tpu.wait_indirect_dma semaphore(%arg8 : memref<!tpu.dma_semaphore, #tpu.memory_space<semaphore_mem>>) src(%dma_wait3A_230 : memref<100000x32xf32, #tpu.memory_space<hbm>>) dst(%dma_wait3A_224 : memref<128x32xf32, #tpu.memory_space<vmem>>)
    %dma_wait3A_231 = arith.constant 10 : i32
    %dma_wait3A_232 = arith.constant 1280 : i32
    %dma_wait3A_233 = arith.constant 0 : i32
    %dma_wait3A_234 = tpu.memref_slice %arg6[%dma_wait3A_232, %dma_wait3A_233] : memref<1664x32xf32, #tpu.memory_space<vmem>> -> memref<128x32xf32, #tpu.memory_space<vmem>>
    %dma_wait3A_235 = arith.constant 0 : i32
    %dma_wait3A_236 = tpu.memref_slice %arg5[%dma_wait3A_231, %dma_wait3A_235] : memref<13x128xi32, #tpu.memory_space<vmem>> -> memref<1x128xi32, #tpu.memory_space<vmem>>
    %dma_wait3A_237 = tpu.memref_squeeze %dma_wait3A_236 : memref<1x128xi32, #tpu.memory_space<vmem>> -> memref<128xi32, #tpu.memory_space<vmem>>
    %dma_wait3A_238 = arith.constant 0 : i32
    %dma_wait3A_239 = arith.constant 0 : i32
    %dma_wait3A_240 = tpu.memref_slice %arg3[%dma_wait3A_238, %dma_wait3A_239] : memref<100000x32xf32, #tpu.memory_space<hbm>> -> memref<100000x32xf32, #tpu.memory_space<hbm>>
    tpu.wait_indirect_dma semaphore(%arg8 : memref<!tpu.dma_semaphore, #tpu.memory_space<semaphore_mem>>) src(%dma_wait3A_240 : memref<100000x32xf32, #tpu.memory_space<hbm>>) dst(%dma_wait3A_234 : memref<128x32xf32, #tpu.memory_space<vmem>>)
    %dma_wait3A_241 = arith.constant 11 : i32
    %dma_wait3A_242 = arith.constant 1408 : i32
    %dma_wait3A_243 = arith.constant 0 : i32
    %dma_wait3A_244 = tpu.memref_slice %arg6[%dma_wait3A_242, %dma_wait3A_243] : memref<1664x32xf32, #tpu.memory_space<vmem>> -> memref<128x32xf32, #tpu.memory_space<vmem>>
    %dma_wait3A_245 = arith.constant 0 : i32
    %dma_wait3A_246 = tpu.memref_slice %arg5[%dma_wait3A_241, %dma_wait3A_245] : memref<13x128xi32, #tpu.memory_space<vmem>> -> memref<1x128xi32, #tpu.memory_space<vmem>>
    %dma_wait3A_247 = tpu.memref_squeeze %dma_wait3A_246 : memref<1x128xi32, #tpu.memory_space<vmem>> -> memref<128xi32, #tpu.memory_space<vmem>>
    %dma_wait3A_248 = arith.constant 0 : i32
    %dma_wait3A_249 = arith.constant 0 : i32
    %dma_wait3A_250 = tpu.memref_slice %arg3[%dma_wait3A_248, %dma_wait3A_249] : memref<100000x32xf32, #tpu.memory_space<hbm>> -> memref<100000x32xf32, #tpu.memory_space<hbm>>
    tpu.wait_indirect_dma semaphore(%arg8 : memref<!tpu.dma_semaphore, #tpu.memory_space<semaphore_mem>>) src(%dma_wait3A_250 : memref<100000x32xf32, #tpu.memory_space<hbm>>) dst(%dma_wait3A_244 : memref<128x32xf32, #tpu.memory_space<vmem>>)
    %dma_wait3A_251 = arith.constant 12 : i32
    %dma_wait3A_252 = arith.constant 1536 : i32
    %dma_wait3A_253 = arith.constant 0 : i32
    %dma_wait3A_254 = tpu.memref_slice %arg6[%dma_wait3A_252, %dma_wait3A_253] : memref<1664x32xf32, #tpu.memory_space<vmem>> -> memref<128x32xf32, #tpu.memory_space<vmem>>
    %dma_wait3A_255 = arith.constant 0 : i32
    %dma_wait3A_256 = tpu.memref_slice %arg5[%dma_wait3A_251, %dma_wait3A_255] : memref<13x128xi32, #tpu.memory_space<vmem>> -> memref<1x128xi32, #tpu.memory_space<vmem>>
    %dma_wait3A_257 = tpu.memref_squeeze %dma_wait3A_256 : memref<1x128xi32, #tpu.memory_space<vmem>> -> memref<128xi32, #tpu.memory_space<vmem>>
    %dma_wait3A_258 = arith.constant 0 : i32
    %dma_wait3A_259 = arith.constant 0 : i32
    %dma_wait3A_260 = tpu.memref_slice %arg3[%dma_wait3A_258, %dma_wait3A_259] : memref<100000x32xf32, #tpu.memory_space<hbm>> -> memref<100000x32xf32, #tpu.memory_space<hbm>>
    tpu.wait_indirect_dma semaphore(%arg8 : memref<!tpu.dma_semaphore, #tpu.memory_space<semaphore_mem>>) src(%dma_wait3A_260 : memref<100000x32xf32, #tpu.memory_space<hbm>>) dst(%dma_wait3A_254 : memref<128x32xf32, #tpu.memory_space<vmem>>)
    %broadcast_in_dim3A = arith.constant 0.000000e+00 : f32
    %broadcast_in_dim3A_261 = vector.broadcast %broadcast_in_dim3A : f32 to vector<16xf32>
    %broadcast_in_dim3A_262 = arith.constant 0.000000e+00 : f32
    %broadcast_in_dim3A_263 = vector.broadcast %broadcast_in_dim3A_262 : f32 to vector<16xf32>
    %scan3A = arith.constant 0 : i32
    %scan3A_264 = arith.constant 50 : i32
    %scan3A_265 = arith.addi %scan3A, %scan3A_264 : i32
    %scan3A_266 = arith.constant 1 : i32
    %scan3A_267:2 = scf.for %scan3A_1154 = %scan3A to %scan3A_265 step %scan3A_266 iter_args(%scan3A_1155 = %broadcast_in_dim3A_261, %scan3A_1156 = %broadcast_in_dim3A_263) -> (vector<16xf32>, vector<16xf32>)  : i32 {
      %add3A_1157 = arith.constant 0 : i32
      %add3A_1158 = arith.addi %add3A_1157, %scan3A_1154 : i32
      %get3A = arith.index_cast %add3A_1158 : i32 to index
      %get3A_1159 = arith.constant 0 : index
      %get3A_1160 = tpu.vector_load %arg6[%get3A, %get3A_1159] {strides = array<i32>} : memref<1664x32xf32, #tpu.memory_space<vmem>>, vector<1x16xf32>,
      %get3A_1161 = vector.shape_cast %get3A_1160 : vector<1x16xf32> to vector<16xf32>
      %add3A_1162 = arith.addf %scan3A_1155, %get3A_1161 : vector<16xf32>
      %get3A_1163 = arith.index_cast %add3A_1158 : i32 to index
      %get3A_1164 = arith.constant 16 : index
      %get3A_1165 = tpu.vector_load %arg6[%get3A_1163, %get3A_1164] {strides = array<i32>} : memref<1664x32xf32, #tpu.memory_space<vmem>>, vector<1x16xf32>,
      %get3A_1166 = vector.shape_cast %get3A_1165 : vector<1x16xf32> to vector<16xf32>
      %add3A_1167 = arith.addf %scan3A_1156, %get3A_1166 : vector<16xf32>
      scf.yield %add3A_1162, %add3A_1167 : vector<16xf32>, vector<16xf32>
    }
    %scan3A_268 = arith.constant 50 : i32
    %mul3A_269 = arith.constant 2.000000e-02 : f32
    %mul3A_270 = vector.broadcast %mul3A_269 : f32 to vector<16xf32>
    %mul3A_271 = arith.mulf %scan3A_267#0, %mul3A_270 : vector<16xf32>
    %swap3A = arith.constant 0 : i32
    %swap3A_272 = arith.index_cast %swap3A : i32 to index
    %swap3A_273 = arith.constant 0 : index
    %swap3A_274 = tpu.vector_load %arg7[%swap3A_272, %swap3A_273] {strides = array<i32>} : memref<32x32xf32, #tpu.memory_space<vmem>>, vector<1x16xf32>,
    %swap3A_275 = vector.shape_cast %swap3A_274 : vector<1x16xf32> to vector<16xf32>
    %swap3A_276 = vector.shape_cast %mul3A_271 : vector<16xf32> to vector<1x16xf32>
    tpu.vector_store %arg7[%swap3A_272, %swap3A_273], %swap3A_276 {strides = array<i32>} : memref<32x32xf32, #tpu.memory_space<vmem>>, vector<1x16xf32>,
    %mul3A_277 = arith.constant 2.000000e-02 : f32
    %mul3A_278 = vector.broadcast %mul3A_277 : f32 to vector<16xf32>
    %mul3A_279 = arith.mulf %scan3A_267#1, %mul3A_278 : vector<16xf32>
    %swap3A_280 = arith.constant 0 : i32
    %swap3A_281 = arith.index_cast %swap3A_280 : i32 to index
    %swap3A_282 = arith.constant 16 : index
    %swap3A_283 = tpu.vector_load %arg7[%swap3A_281, %swap3A_282] {strides = array<i32>} : memref<32x32xf32, #tpu.memory_space<vmem>>, vector<1x16xf32>,
    %swap3A_284 = vector.shape_cast %swap3A_283 : vector<1x16xf32> to vector<16xf32>
    %swap3A_285 = vector.shape_cast %mul3A_279 : vector<16xf32> to vector<1x16xf32>
    tpu.vector_store %arg7[%swap3A_281, %swap3A_282], %swap3A_285 {strides = array<i32>} : memref<32x32xf32, #tpu.memory_space<vmem>>, vector<1x16xf32>,
    %broadcast_in_dim3A_286 = arith.constant 0.000000e+00 : f32
    %broadcast_in_dim3A_287 = vector.broadcast %broadcast_in_dim3A_286 : f32 to vector<16xf32>
    %broadcast_in_dim3A_288 = arith.constant 0.000000e+00 : f32
    %broadcast_in_dim3A_289 = vector.broadcast %broadcast_in_dim3A_288 : f32 to vector<16xf32>
    %scan3A_290 = arith.constant 0 : i32
    %scan3A_291 = arith.constant 50 : i32
    %scan3A_292 = arith.addi %scan3A_290, %scan3A_291 : i32
    %scan3A_293 = arith.constant 1 : i32
    %scan3A_294:2 = scf.for %scan3A_1154 = %scan3A_290 to %scan3A_292 step %scan3A_293 iter_args(%scan3A_1155 = %broadcast_in_dim3A_287, %scan3A_1156 = %broadcast_in_dim3A_289) -> (vector<16xf32>, vector<16xf32>)  : i32 {
      %add3A_1157 = arith.constant 50 : i32
      %add3A_1158 = arith.addi %add3A_1157, %scan3A_1154 : i32
      %get3A = arith.index_cast %add3A_1158 : i32 to index
      %get3A_1159 = arith.constant 0 : index
      %get3A_1160 = tpu.vector_load %arg6[%get3A, %get3A_1159] {strides = array<i32>} : memref<1664x32xf32, #tpu.memory_space<vmem>>, vector<1x16xf32>,
      %get3A_1161 = vector.shape_cast %get3A_1160 : vector<1x16xf32> to vector<16xf32>
      %add3A_1162 = arith.addf %scan3A_1155, %get3A_1161 : vector<16xf32>
      %get3A_1163 = arith.index_cast %add3A_1158 : i32 to index
      %get3A_1164 = arith.constant 16 : index
      %get3A_1165 = tpu.vector_load %arg6[%get3A_1163, %get3A_1164] {strides = array<i32>} : memref<1664x32xf32, #tpu.memory_space<vmem>>, vector<1x16xf32>,
      %get3A_1166 = vector.shape_cast %get3A_1165 : vector<1x16xf32> to vector<16xf32>
      %add3A_1167 = arith.addf %scan3A_1156, %get3A_1166 : vector<16xf32>
      scf.yield %add3A_1162, %add3A_1167 : vector<16xf32>, vector<16xf32>
    }
    %scan3A_295 = arith.constant 50 : i32
    %mul3A_296 = arith.constant 2.000000e-02 : f32
    %mul3A_297 = vector.broadcast %mul3A_296 : f32 to vector<16xf32>
    %mul3A_298 = arith.mulf %scan3A_294#0, %mul3A_297 : vector<16xf32>
    %swap3A_299 = arith.constant 1 : i32
    %swap3A_300 = arith.index_cast %swap3A_299 : i32 to index
    %swap3A_301 = arith.constant 0 : index
    %swap3A_302 = tpu.vector_load %arg7[%swap3A_300, %swap3A_301] {strides = array<i32>} : memref<32x32xf32, #tpu.memory_space<vmem>>, vector<1x16xf32>,
    %swap3A_303 = vector.shape_cast %swap3A_302 : vector<1x16xf32> to vector<16xf32>
    %swap3A_304 = vector.shape_cast %mul3A_298 : vector<16xf32> to vector<1x16xf32>
    tpu.vector_store %arg7[%swap3A_300, %swap3A_301], %swap3A_304 {strides = array<i32>} : memref<32x32xf32, #tpu.memory_space<vmem>>, vector<1x16xf32>,
    %mul3A_305 = arith.constant 2.000000e-02 : f32
    %mul3A_306 = vector.broadcast %mul3A_305 : f32 to vector<16xf32>
    %mul3A_307 = arith.mulf %scan3A_294#1, %mul3A_306 : vector<16xf32>
    %swap3A_308 = arith.constant 1 : i32
    %swap3A_309 = arith.index_cast %swap3A_308 : i32 to index
    %swap3A_310 = arith.constant 16 : index
    %swap3A_311 = tpu.vector_load %arg7[%swap3A_309, %swap3A_310] {strides = array<i32>} : memref<32x32xf32, #tpu.memory_space<vmem>>, vector<1x16xf32>,
    %swap3A_312 = vector.shape_cast %swap3A_311 : vector<1x16xf32> to vector<16xf32>
    %swap3A_313 = vector.shape_cast %mul3A_307 : vector<16xf32> to vector<1x16xf32>
    tpu.vector_store %arg7[%swap3A_309, %swap3A_310], %swap3A_313 {strides = array<i32>} : memref<32x32xf32, #tpu.memory_space<vmem>>, vector<1x16xf32>,
    %broadcast_in_dim3A_314 = arith.constant 0.000000e+00 : f32
    %broadcast_in_dim3A_315 = vector.broadcast %broadcast_in_dim3A_314 : f32 to vector<16xf32>
    %broadcast_in_dim3A_316 = arith.constant 0.000000e+00 : f32
    %broadcast_in_dim3A_317 = vector.broadcast %broadcast_in_dim3A_316 : f32 to vector<16xf32>
    %scan3A_318 = arith.constant 0 : i32
    %scan3A_319 = arith.constant 50 : i32
    %scan3A_320 = arith.addi %scan3A_318, %scan3A_319 : i32
    %scan3A_321 = arith.constant 1 : i32
    %scan3A_322:2 = scf.for %scan3A_1154 = %scan3A_318 to %scan3A_320 step %scan3A_321 iter_args(%scan3A_1155 = %broadcast_in_dim3A_315, %scan3A_1156 = %broadcast_in_dim3A_317) -> (vector<16xf32>, vector<16xf32>)  : i32 {
      %add3A_1157 = arith.constant 100 : i32
      %add3A_1158 = arith.addi %add3A_1157, %scan3A_1154 : i32
      %get3A = arith.index_cast %add3A_1158 : i32 to index
      %get3A_1159 = arith.constant 0 : index
      %get3A_1160 = tpu.vector_load %arg6[%get3A, %get3A_1159] {strides = array<i32>} : memref<1664x32xf32, #tpu.memory_space<vmem>>, vector<1x16xf32>,
      %get3A_1161 = vector.shape_cast %get3A_1160 : vector<1x16xf32> to vector<16xf32>
      %add3A_1162 = arith.addf %scan3A_1155, %get3A_1161 : vector<16xf32>
      %get3A_1163 = arith.index_cast %add3A_1158 : i32 to index
      %get3A_1164 = arith.constant 16 : index
      %get3A_1165 = tpu.vector_load %arg6[%get3A_1163, %get3A_1164] {strides = array<i32>} : memref<1664x32xf32, #tpu.memory_space<vmem>>, vector<1x16xf32>,
      %get3A_1166 = vector.shape_cast %get3A_1165 : vector<1x16xf32> to vector<16xf32>
      %add3A_1167 = arith.addf %scan3A_1156, %get3A_1166 : vector<16xf32>
      scf.yield %add3A_1162, %add3A_1167 : vector<16xf32>, vector<16xf32>
    }
    %scan3A_323 = arith.constant 50 : i32
    %mul3A_324 = arith.constant 2.000000e-02 : f32
    %mul3A_325 = vector.broadcast %mul3A_324 : f32 to vector<16xf32>
    %mul3A_326 = arith.mulf %scan3A_322#0, %mul3A_325 : vector<16xf32>
    %swap3A_327 = arith.constant 2 : i32
    %swap3A_328 = arith.index_cast %swap3A_327 : i32 to index
    %swap3A_329 = arith.constant 0 : index
    %swap3A_330 = tpu.vector_load %arg7[%swap3A_328, %swap3A_329] {strides = array<i32>} : memref<32x32xf32, #tpu.memory_space<vmem>>, vector<1x16xf32>,
    %swap3A_331 = vector.shape_cast %swap3A_330 : vector<1x16xf32> to vector<16xf32>
    %swap3A_332 = vector.shape_cast %mul3A_326 : vector<16xf32> to vector<1x16xf32>
    tpu.vector_store %arg7[%swap3A_328, %swap3A_329], %swap3A_332 {strides = array<i32>} : memref<32x32xf32, #tpu.memory_space<vmem>>, vector<1x16xf32>,
    %mul3A_333 = arith.constant 2.000000e-02 : f32
    %mul3A_334 = vector.broadcast %mul3A_333 : f32 to vector<16xf32>
    %mul3A_335 = arith.mulf %scan3A_322#1, %mul3A_334 : vector<16xf32>
    %swap3A_336 = arith.constant 2 : i32
    %swap3A_337 = arith.index_cast %swap3A_336 : i32 to index
    %swap3A_338 = arith.constant 16 : index
    %swap3A_339 = tpu.vector_load %arg7[%swap3A_337, %swap3A_338] {strides = array<i32>} : memref<32x32xf32, #tpu.memory_space<vmem>>, vector<1x16xf32>,
    %swap3A_340 = vector.shape_cast %swap3A_339 : vector<1x16xf32> to vector<16xf32>
    %swap3A_341 = vector.shape_cast %mul3A_335 : vector<16xf32> to vector<1x16xf32>
    tpu.vector_store %arg7[%swap3A_337, %swap3A_338], %swap3A_341 {strides = array<i32>} : memref<32x32xf32, #tpu.memory_space<vmem>>, vector<1x16xf32>,
    %broadcast_in_dim3A_342 = arith.constant 0.000000e+00 : f32
    %broadcast_in_dim3A_343 = vector.broadcast %broadcast_in_dim3A_342 : f32 to vector<16xf32>
    %broadcast_in_dim3A_344 = arith.constant 0.000000e+00 : f32
    %broadcast_in_dim3A_345 = vector.broadcast %broadcast_in_dim3A_344 : f32 to vector<16xf32>
    %scan3A_346 = arith.constant 0 : i32
    %scan3A_347 = arith.constant 50 : i32
    %scan3A_348 = arith.addi %scan3A_346, %scan3A_347 : i32
    %scan3A_349 = arith.constant 1 : i32
    %scan3A_350:2 = scf.for %scan3A_1154 = %scan3A_346 to %scan3A_348 step %scan3A_349 iter_args(%scan3A_1155 = %broadcast_in_dim3A_343, %scan3A_1156 = %broadcast_in_dim3A_345) -> (vector<16xf32>, vector<16xf32>)  : i32 {
      %add3A_1157 = arith.constant 150 : i32
      %add3A_1158 = arith.addi %add3A_1157, %scan3A_1154 : i32
      %get3A = arith.index_cast %add3A_1158 : i32 to index
      %get3A_1159 = arith.constant 0 : index
      %get3A_1160 = tpu.vector_load %arg6[%get3A, %get3A_1159] {strides = array<i32>} : memref<1664x32xf32, #tpu.memory_space<vmem>>, vector<1x16xf32>,
      %get3A_1161 = vector.shape_cast %get3A_1160 : vector<1x16xf32> to vector<16xf32>
      %add3A_1162 = arith.addf %scan3A_1155, %get3A_1161 : vector<16xf32>
      %get3A_1163 = arith.index_cast %add3A_1158 : i32 to index
      %get3A_1164 = arith.constant 16 : index
      %get3A_1165 = tpu.vector_load %arg6[%get3A_1163, %get3A_1164] {strides = array<i32>} : memref<1664x32xf32, #tpu.memory_space<vmem>>, vector<1x16xf32>,
      %get3A_1166 = vector.shape_cast %get3A_1165 : vector<1x16xf32> to vector<16xf32>
      %add3A_1167 = arith.addf %scan3A_1156, %get3A_1166 : vector<16xf32>
      scf.yield %add3A_1162, %add3A_1167 : vector<16xf32>, vector<16xf32>
    }
    %scan3A_351 = arith.constant 50 : i32
    %mul3A_352 = arith.constant 2.000000e-02 : f32
    %mul3A_353 = vector.broadcast %mul3A_352 : f32 to vector<16xf32>
    %mul3A_354 = arith.mulf %scan3A_350#0, %mul3A_353 : vector<16xf32>
    %swap3A_355 = arith.constant 3 : i32
    %swap3A_356 = arith.index_cast %swap3A_355 : i32 to index
    %swap3A_357 = arith.constant 0 : index
    %swap3A_358 = tpu.vector_load %arg7[%swap3A_356, %swap3A_357] {strides = array<i32>} : memref<32x32xf32, #tpu.memory_space<vmem>>, vector<1x16xf32>,
    %swap3A_359 = vector.shape_cast %swap3A_358 : vector<1x16xf32> to vector<16xf32>
    %swap3A_360 = vector.shape_cast %mul3A_354 : vector<16xf32> to vector<1x16xf32>
    tpu.vector_store %arg7[%swap3A_356, %swap3A_357], %swap3A_360 {strides = array<i32>} : memref<32x32xf32, #tpu.memory_space<vmem>>, vector<1x16xf32>,
    %mul3A_361 = arith.constant 2.000000e-02 : f32
    %mul3A_362 = vector.broadcast %mul3A_361 : f32 to vector<16xf32>
    %mul3A_363 = arith.mulf %scan3A_350#1, %mul3A_362 : vector<16xf32>
    %swap3A_364 = arith.constant 3 : i32
    %swap3A_365 = arith.index_cast %swap3A_364 : i32 to index
    %swap3A_366 = arith.constant 16 : index
    %swap3A_367 = tpu.vector_load %arg7[%swap3A_365, %swap3A_366] {strides = array<i32>} : memref<32x32xf32, #tpu.memory_space<vmem>>, vector<1x16xf32>,
    %swap3A_368 = vector.shape_cast %swap3A_367 : vector<1x16xf32> to vector<16xf32>
    %swap3A_369 = vector.shape_cast %mul3A_363 : vector<16xf32> to vector<1x16xf32>
    tpu.vector_store %arg7[%swap3A_365, %swap3A_366], %swap3A_369 {strides = array<i32>} : memref<32x32xf32, #tpu.memory_space<vmem>>, vector<1x16xf32>,
    %broadcast_in_dim3A_370 = arith.constant 0.000000e+00 : f32
    %broadcast_in_dim3A_371 = vector.broadcast %broadcast_in_dim3A_370 : f32 to vector<16xf32>
    %broadcast_in_dim3A_372 = arith.constant 0.000000e+00 : f32
    %broadcast_in_dim3A_373 = vector.broadcast %broadcast_in_dim3A_372 : f32 to vector<16xf32>
    %scan3A_374 = arith.constant 0 : i32
    %scan3A_375 = arith.constant 50 : i32
    %scan3A_376 = arith.addi %scan3A_374, %scan3A_375 : i32
    %scan3A_377 = arith.constant 1 : i32
    %scan3A_378:2 = scf.for %scan3A_1154 = %scan3A_374 to %scan3A_376 step %scan3A_377 iter_args(%scan3A_1155 = %broadcast_in_dim3A_371, %scan3A_1156 = %broadcast_in_dim3A_373) -> (vector<16xf32>, vector<16xf32>)  : i32 {
      %add3A_1157 = arith.constant 200 : i32
      %add3A_1158 = arith.addi %add3A_1157, %scan3A_1154 : i32
      %get3A = arith.index_cast %add3A_1158 : i32 to index
      %get3A_1159 = arith.constant 0 : index
      %get3A_1160 = tpu.vector_load %arg6[%get3A, %get3A_1159] {strides = array<i32>} : memref<1664x32xf32, #tpu.memory_space<vmem>>, vector<1x16xf32>,
      %get3A_1161 = vector.shape_cast %get3A_1160 : vector<1x16xf32> to vector<16xf32>
      %add3A_1162 = arith.addf %scan3A_1155, %get3A_1161 : vector<16xf32>
      %get3A_1163 = arith.index_cast %add3A_1158 : i32 to index
      %get3A_1164 = arith.constant 16 : index
      %get3A_1165 = tpu.vector_load %arg6[%get3A_1163, %get3A_1164] {strides = array<i32>} : memref<1664x32xf32, #tpu.memory_space<vmem>>, vector<1x16xf32>,
      %get3A_1166 = vector.shape_cast %get3A_1165 : vector<1x16xf32> to vector<16xf32>
      %add3A_1167 = arith.addf %scan3A_1156, %get3A_1166 : vector<16xf32>
      scf.yield %add3A_1162, %add3A_1167 : vector<16xf32>, vector<16xf32>
    }
    %scan3A_379 = arith.constant 50 : i32
    %mul3A_380 = arith.constant 2.000000e-02 : f32
    %mul3A_381 = vector.broadcast %mul3A_380 : f32 to vector<16xf32>
    %mul3A_382 = arith.mulf %scan3A_378#0, %mul3A_381 : vector<16xf32>
    %swap3A_383 = arith.constant 4 : i32
    %swap3A_384 = arith.index_cast %swap3A_383 : i32 to index
    %swap3A_385 = arith.constant 0 : index
    %swap3A_386 = tpu.vector_load %arg7[%swap3A_384, %swap3A_385] {strides = array<i32>} : memref<32x32xf32, #tpu.memory_space<vmem>>, vector<1x16xf32>,
    %swap3A_387 = vector.shape_cast %swap3A_386 : vector<1x16xf32> to vector<16xf32>
    %swap3A_388 = vector.shape_cast %mul3A_382 : vector<16xf32> to vector<1x16xf32>
    tpu.vector_store %arg7[%swap3A_384, %swap3A_385], %swap3A_388 {strides = array<i32>} : memref<32x32xf32, #tpu.memory_space<vmem>>, vector<1x16xf32>,
    %mul3A_389 = arith.constant 2.000000e-02 : f32
    %mul3A_390 = vector.broadcast %mul3A_389 : f32 to vector<16xf32>
    %mul3A_391 = arith.mulf %scan3A_378#1, %mul3A_390 : vector<16xf32>
    %swap3A_392 = arith.constant 4 : i32
    %swap3A_393 = arith.index_cast %swap3A_392 : i32 to index
    %swap3A_394 = arith.constant 16 : index
    %swap3A_395 = tpu.vector_load %arg7[%swap3A_393, %swap3A_394] {strides = array<i32>} : memref<32x32xf32, #tpu.memory_space<vmem>>, vector<1x16xf32>,
    %swap3A_396 = vector.shape_cast %swap3A_395 : vector<1x16xf32> to vector<16xf32>
    %swap3A_397 = vector.shape_cast %mul3A_391 : vector<16xf32> to vector<1x16xf32>
    tpu.vector_store %arg7[%swap3A_393, %swap3A_394], %swap3A_397 {strides = array<i32>} : memref<32x32xf32, #tpu.memory_space<vmem>>, vector<1x16xf32>,
    %broadcast_in_dim3A_398 = arith.constant 0.000000e+00 : f32
    %broadcast_in_dim3A_399 = vector.broadcast %broadcast_in_dim3A_398 : f32 to vector<16xf32>
    %broadcast_in_dim3A_400 = arith.constant 0.000000e+00 : f32
    %broadcast_in_dim3A_401 = vector.broadcast %broadcast_in_dim3A_400 : f32 to vector<16xf32>
    %scan3A_402 = arith.constant 0 : i32
    %scan3A_403 = arith.constant 50 : i32
    %scan3A_404 = arith.addi %scan3A_402, %scan3A_403 : i32
    %scan3A_405 = arith.constant 1 : i32
    %scan3A_406:2 = scf.for %scan3A_1154 = %scan3A_402 to %scan3A_404 step %scan3A_405 iter_args(%scan3A_1155 = %broadcast_in_dim3A_399, %scan3A_1156 = %broadcast_in_dim3A_401) -> (vector<16xf32>, vector<16xf32>)  : i32 {
      %add3A_1157 = arith.constant 250 : i32
      %add3A_1158 = arith.addi %add3A_1157, %scan3A_1154 : i32
      %get3A = arith.index_cast %add3A_1158 : i32 to index
      %get3A_1159 = arith.constant 0 : index
      %get3A_1160 = tpu.vector_load %arg6[%get3A, %get3A_1159] {strides = array<i32>} : memref<1664x32xf32, #tpu.memory_space<vmem>>, vector<1x16xf32>,
      %get3A_1161 = vector.shape_cast %get3A_1160 : vector<1x16xf32> to vector<16xf32>
      %add3A_1162 = arith.addf %scan3A_1155, %get3A_1161 : vector<16xf32>
      %get3A_1163 = arith.index_cast %add3A_1158 : i32 to index
      %get3A_1164 = arith.constant 16 : index
      %get3A_1165 = tpu.vector_load %arg6[%get3A_1163, %get3A_1164] {strides = array<i32>} : memref<1664x32xf32, #tpu.memory_space<vmem>>, vector<1x16xf32>,
      %get3A_1166 = vector.shape_cast %get3A_1165 : vector<1x16xf32> to vector<16xf32>
      %add3A_1167 = arith.addf %scan3A_1156, %get3A_1166 : vector<16xf32>
      scf.yield %add3A_1162, %add3A_1167 : vector<16xf32>, vector<16xf32>
    }
    %scan3A_407 = arith.constant 50 : i32
    %mul3A_408 = arith.constant 2.000000e-02 : f32
    %mul3A_409 = vector.broadcast %mul3A_408 : f32 to vector<16xf32>
    %mul3A_410 = arith.mulf %scan3A_406#0, %mul3A_409 : vector<16xf32>
    %swap3A_411 = arith.constant 5 : i32
    %swap3A_412 = arith.index_cast %swap3A_411 : i32 to index
    %swap3A_413 = arith.constant 0 : index
    %swap3A_414 = tpu.vector_load %arg7[%swap3A_412, %swap3A_413] {strides = array<i32>} : memref<32x32xf32, #tpu.memory_space<vmem>>, vector<1x16xf32>,
    %swap3A_415 = vector.shape_cast %swap3A_414 : vector<1x16xf32> to vector<16xf32>
    %swap3A_416 = vector.shape_cast %mul3A_410 : vector<16xf32> to vector<1x16xf32>
    tpu.vector_store %arg7[%swap3A_412, %swap3A_413], %swap3A_416 {strides = array<i32>} : memref<32x32xf32, #tpu.memory_space<vmem>>, vector<1x16xf32>,
    %mul3A_417 = arith.constant 2.000000e-02 : f32
    %mul3A_418 = vector.broadcast %mul3A_417 : f32 to vector<16xf32>
    %mul3A_419 = arith.mulf %scan3A_406#1, %mul3A_418 : vector<16xf32>
    %swap3A_420 = arith.constant 5 : i32
    %swap3A_421 = arith.index_cast %swap3A_420 : i32 to index
    %swap3A_422 = arith.constant 16 : index
    %swap3A_423 = tpu.vector_load %arg7[%swap3A_421, %swap3A_422] {strides = array<i32>} : memref<32x32xf32, #tpu.memory_space<vmem>>, vector<1x16xf32>,
    %swap3A_424 = vector.shape_cast %swap3A_423 : vector<1x16xf32> to vector<16xf32>
    %swap3A_425 = vector.shape_cast %mul3A_419 : vector<16xf32> to vector<1x16xf32>
    tpu.vector_store %arg7[%swap3A_421, %swap3A_422], %swap3A_425 {strides = array<i32>} : memref<32x32xf32, #tpu.memory_space<vmem>>, vector<1x16xf32>,
    %broadcast_in_dim3A_426 = arith.constant 0.000000e+00 : f32
    %broadcast_in_dim3A_427 = vector.broadcast %broadcast_in_dim3A_426 : f32 to vector<16xf32>
    %broadcast_in_dim3A_428 = arith.constant 0.000000e+00 : f32
    %broadcast_in_dim3A_429 = vector.broadcast %broadcast_in_dim3A_428 : f32 to vector<16xf32>
    %scan3A_430 = arith.constant 0 : i32
    %scan3A_431 = arith.constant 50 : i32
    %scan3A_432 = arith.addi %scan3A_430, %scan3A_431 : i32
    %scan3A_433 = arith.constant 1 : i32
    %scan3A_434:2 = scf.for %scan3A_1154 = %scan3A_430 to %scan3A_432 step %scan3A_433 iter_args(%scan3A_1155 = %broadcast_in_dim3A_427, %scan3A_1156 = %broadcast_in_dim3A_429) -> (vector<16xf32>, vector<16xf32>)  : i32 {
      %add3A_1157 = arith.constant 300 : i32
      %add3A_1158 = arith.addi %add3A_1157, %scan3A_1154 : i32
      %get3A = arith.index_cast %add3A_1158 : i32 to index
      %get3A_1159 = arith.constant 0 : index
      %get3A_1160 = tpu.vector_load %arg6[%get3A, %get3A_1159] {strides = array<i32>} : memref<1664x32xf32, #tpu.memory_space<vmem>>, vector<1x16xf32>,
      %get3A_1161 = vector.shape_cast %get3A_1160 : vector<1x16xf32> to vector<16xf32>
      %add3A_1162 = arith.addf %scan3A_1155, %get3A_1161 : vector<16xf32>
      %get3A_1163 = arith.index_cast %add3A_1158 : i32 to index
      %get3A_1164 = arith.constant 16 : index
      %get3A_1165 = tpu.vector_load %arg6[%get3A_1163, %get3A_1164] {strides = array<i32>} : memref<1664x32xf32, #tpu.memory_space<vmem>>, vector<1x16xf32>,
      %get3A_1166 = vector.shape_cast %get3A_1165 : vector<1x16xf32> to vector<16xf32>
      %add3A_1167 = arith.addf %scan3A_1156, %get3A_1166 : vector<16xf32>
      scf.yield %add3A_1162, %add3A_1167 : vector<16xf32>, vector<16xf32>
    }
    %scan3A_435 = arith.constant 50 : i32
    %mul3A_436 = arith.constant 2.000000e-02 : f32
    %mul3A_437 = vector.broadcast %mul3A_436 : f32 to vector<16xf32>
    %mul3A_438 = arith.mulf %scan3A_434#0, %mul3A_437 : vector<16xf32>
    %swap3A_439 = arith.constant 6 : i32
    %swap3A_440 = arith.index_cast %swap3A_439 : i32 to index
    %swap3A_441 = arith.constant 0 : index
    %swap3A_442 = tpu.vector_load %arg7[%swap3A_440, %swap3A_441] {strides = array<i32>} : memref<32x32xf32, #tpu.memory_space<vmem>>, vector<1x16xf32>,
    %swap3A_443 = vector.shape_cast %swap3A_442 : vector<1x16xf32> to vector<16xf32>
    %swap3A_444 = vector.shape_cast %mul3A_438 : vector<16xf32> to vector<1x16xf32>
    tpu.vector_store %arg7[%swap3A_440, %swap3A_441], %swap3A_444 {strides = array<i32>} : memref<32x32xf32, #tpu.memory_space<vmem>>, vector<1x16xf32>,
    %mul3A_445 = arith.constant 2.000000e-02 : f32
    %mul3A_446 = vector.broadcast %mul3A_445 : f32 to vector<16xf32>
    %mul3A_447 = arith.mulf %scan3A_434#1, %mul3A_446 : vector<16xf32>
    %swap3A_448 = arith.constant 6 : i32
    %swap3A_449 = arith.index_cast %swap3A_448 : i32 to index
    %swap3A_450 = arith.constant 16 : index
    %swap3A_451 = tpu.vector_load %arg7[%swap3A_449, %swap3A_450] {strides = array<i32>} : memref<32x32xf32, #tpu.memory_space<vmem>>, vector<1x16xf32>,
    %swap3A_452 = vector.shape_cast %swap3A_451 : vector<1x16xf32> to vector<16xf32>
    %swap3A_453 = vector.shape_cast %mul3A_447 : vector<16xf32> to vector<1x16xf32>
    tpu.vector_store %arg7[%swap3A_449, %swap3A_450], %swap3A_453 {strides = array<i32>} : memref<32x32xf32, #tpu.memory_space<vmem>>, vector<1x16xf32>,
    %broadcast_in_dim3A_454 = arith.constant 0.000000e+00 : f32
    %broadcast_in_dim3A_455 = vector.broadcast %broadcast_in_dim3A_454 : f32 to vector<16xf32>
    %broadcast_in_dim3A_456 = arith.constant 0.000000e+00 : f32
    %broadcast_in_dim3A_457 = vector.broadcast %broadcast_in_dim3A_456 : f32 to vector<16xf32>
    %scan3A_458 = arith.constant 0 : i32
    %scan3A_459 = arith.constant 50 : i32
    %scan3A_460 = arith.addi %scan3A_458, %scan3A_459 : i32
    %scan3A_461 = arith.constant 1 : i32
    %scan3A_462:2 = scf.for %scan3A_1154 = %scan3A_458 to %scan3A_460 step %scan3A_461 iter_args(%scan3A_1155 = %broadcast_in_dim3A_455, %scan3A_1156 = %broadcast_in_dim3A_457) -> (vector<16xf32>, vector<16xf32>)  : i32 {
      %add3A_1157 = arith.constant 350 : i32
      %add3A_1158 = arith.addi %add3A_1157, %scan3A_1154 : i32
      %get3A = arith.index_cast %add3A_1158 : i32 to index
      %get3A_1159 = arith.constant 0 : index
      %get3A_1160 = tpu.vector_load %arg6[%get3A, %get3A_1159] {strides = array<i32>} : memref<1664x32xf32, #tpu.memory_space<vmem>>, vector<1x16xf32>,
      %get3A_1161 = vector.shape_cast %get3A_1160 : vector<1x16xf32> to vector<16xf32>
      %add3A_1162 = arith.addf %scan3A_1155, %get3A_1161 : vector<16xf32>
      %get3A_1163 = arith.index_cast %add3A_1158 : i32 to index
      %get3A_1164 = arith.constant 16 : index
      %get3A_1165 = tpu.vector_load %arg6[%get3A_1163, %get3A_1164] {strides = array<i32>} : memref<1664x32xf32, #tpu.memory_space<vmem>>, vector<1x16xf32>,
      %get3A_1166 = vector.shape_cast %get3A_1165 : vector<1x16xf32> to vector<16xf32>
      %add3A_1167 = arith.addf %scan3A_1156, %get3A_1166 : vector<16xf32>
      scf.yield %add3A_1162, %add3A_1167 : vector<16xf32>, vector<16xf32>
    }
    %scan3A_463 = arith.constant 50 : i32
    %mul3A_464 = arith.constant 2.000000e-02 : f32
    %mul3A_465 = vector.broadcast %mul3A_464 : f32 to vector<16xf32>
    %mul3A_466 = arith.mulf %scan3A_462#0, %mul3A_465 : vector<16xf32>
    %swap3A_467 = arith.constant 7 : i32
    %swap3A_468 = arith.index_cast %swap3A_467 : i32 to index
    %swap3A_469 = arith.constant 0 : index
    %swap3A_470 = tpu.vector_load %arg7[%swap3A_468, %swap3A_469] {strides = array<i32>} : memref<32x32xf32, #tpu.memory_space<vmem>>, vector<1x16xf32>,
    %swap3A_471 = vector.shape_cast %swap3A_470 : vector<1x16xf32> to vector<16xf32>
    %swap3A_472 = vector.shape_cast %mul3A_466 : vector<16xf32> to vector<1x16xf32>
    tpu.vector_store %arg7[%swap3A_468, %swap3A_469], %swap3A_472 {strides = array<i32>} : memref<32x32xf32, #tpu.memory_space<vmem>>, vector<1x16xf32>,
    %mul3A_473 = arith.constant 2.000000e-02 : f32
    %mul3A_474 = vector.broadcast %mul3A_473 : f32 to vector<16xf32>
    %mul3A_475 = arith.mulf %scan3A_462#1, %mul3A_474 : vector<16xf32>
    %swap3A_476 = arith.constant 7 : i32
    %swap3A_477 = arith.index_cast %swap3A_476 : i32 to index
    %swap3A_478 = arith.constant 16 : index
    %swap3A_479 = tpu.vector_load %arg7[%swap3A_477, %swap3A_478] {strides = array<i32>} : memref<32x32xf32, #tpu.memory_space<vmem>>, vector<1x16xf32>,
    %swap3A_480 = vector.shape_cast %swap3A_479 : vector<1x16xf32> to vector<16xf32>
    %swap3A_481 = vector.shape_cast %mul3A_475 : vector<16xf32> to vector<1x16xf32>
    tpu.vector_store %arg7[%swap3A_477, %swap3A_478], %swap3A_481 {strides = array<i32>} : memref<32x32xf32, #tpu.memory_space<vmem>>, vector<1x16xf32>,
    %broadcast_in_dim3A_482 = arith.constant 0.000000e+00 : f32
    %broadcast_in_dim3A_483 = vector.broadcast %broadcast_in_dim3A_482 : f32 to vector<16xf32>
    %broadcast_in_dim3A_484 = arith.constant 0.000000e+00 : f32
    %broadcast_in_dim3A_485 = vector.broadcast %broadcast_in_dim3A_484 : f32 to vector<16xf32>
    %scan3A_486 = arith.constant 0 : i32
    %scan3A_487 = arith.constant 50 : i32
    %scan3A_488 = arith.addi %scan3A_486, %scan3A_487 : i32
    %scan3A_489 = arith.constant 1 : i32
    %scan3A_490:2 = scf.for %scan3A_1154 = %scan3A_486 to %scan3A_488 step %scan3A_489 iter_args(%scan3A_1155 = %broadcast_in_dim3A_483, %scan3A_1156 = %broadcast_in_dim3A_485) -> (vector<16xf32>, vector<16xf32>)  : i32 {
      %add3A_1157 = arith.constant 400 : i32
      %add3A_1158 = arith.addi %add3A_1157, %scan3A_1154 : i32
      %get3A = arith.index_cast %add3A_1158 : i32 to index
      %get3A_1159 = arith.constant 0 : index
      %get3A_1160 = tpu.vector_load %arg6[%get3A, %get3A_1159] {strides = array<i32>} : memref<1664x32xf32, #tpu.memory_space<vmem>>, vector<1x16xf32>,
      %get3A_1161 = vector.shape_cast %get3A_1160 : vector<1x16xf32> to vector<16xf32>
      %add3A_1162 = arith.addf %scan3A_1155, %get3A_1161 : vector<16xf32>
      %get3A_1163 = arith.index_cast %add3A_1158 : i32 to index
      %get3A_1164 = arith.constant 16 : index
      %get3A_1165 = tpu.vector_load %arg6[%get3A_1163, %get3A_1164] {strides = array<i32>} : memref<1664x32xf32, #tpu.memory_space<vmem>>, vector<1x16xf32>,
      %get3A_1166 = vector.shape_cast %get3A_1165 : vector<1x16xf32> to vector<16xf32>
      %add3A_1167 = arith.addf %scan3A_1156, %get3A_1166 : vector<16xf32>
      scf.yield %add3A_1162, %add3A_1167 : vector<16xf32>, vector<16xf32>
    }
    %scan3A_491 = arith.constant 50 : i32
    %mul3A_492 = arith.constant 2.000000e-02 : f32
    %mul3A_493 = vector.broadcast %mul3A_492 : f32 to vector<16xf32>
    %mul3A_494 = arith.mulf %scan3A_490#0, %mul3A_493 : vector<16xf32>
    %swap3A_495 = arith.constant 8 : i32
    %swap3A_496 = arith.index_cast %swap3A_495 : i32 to index
    %swap3A_497 = arith.constant 0 : index
    %swap3A_498 = tpu.vector_load %arg7[%swap3A_496, %swap3A_497] {strides = array<i32>} : memref<32x32xf32, #tpu.memory_space<vmem>>, vector<1x16xf32>,
    %swap3A_499 = vector.shape_cast %swap3A_498 : vector<1x16xf32> to vector<16xf32>
    %swap3A_500 = vector.shape_cast %mul3A_494 : vector<16xf32> to vector<1x16xf32>
    tpu.vector_store %arg7[%swap3A_496, %swap3A_497], %swap3A_500 {strides = array<i32>} : memref<32x32xf32, #tpu.memory_space<vmem>>, vector<1x16xf32>,
    %mul3A_501 = arith.constant 2.000000e-02 : f32
    %mul3A_502 = vector.broadcast %mul3A_501 : f32 to vector<16xf32>
    %mul3A_503 = arith.mulf %scan3A_490#1, %mul3A_502 : vector<16xf32>
    %swap3A_504 = arith.constant 8 : i32
    %swap3A_505 = arith.index_cast %swap3A_504 : i32 to index
    %swap3A_506 = arith.constant 16 : index
    %swap3A_507 = tpu.vector_load %arg7[%swap3A_505, %swap3A_506] {strides = array<i32>} : memref<32x32xf32, #tpu.memory_space<vmem>>, vector<1x16xf32>,
    %swap3A_508 = vector.shape_cast %swap3A_507 : vector<1x16xf32> to vector<16xf32>
    %swap3A_509 = vector.shape_cast %mul3A_503 : vector<16xf32> to vector<1x16xf32>
    tpu.vector_store %arg7[%swap3A_505, %swap3A_506], %swap3A_509 {strides = array<i32>} : memref<32x32xf32, #tpu.memory_space<vmem>>, vector<1x16xf32>,
    %broadcast_in_dim3A_510 = arith.constant 0.000000e+00 : f32
    %broadcast_in_dim3A_511 = vector.broadcast %broadcast_in_dim3A_510 : f32 to vector<16xf32>
    %broadcast_in_dim3A_512 = arith.constant 0.000000e+00 : f32
    %broadcast_in_dim3A_513 = vector.broadcast %broadcast_in_dim3A_512 : f32 to vector<16xf32>
    %scan3A_514 = arith.constant 0 : i32
    %scan3A_515 = arith.constant 50 : i32
    %scan3A_516 = arith.addi %scan3A_514, %scan3A_515 : i32
    %scan3A_517 = arith.constant 1 : i32
    %scan3A_518:2 = scf.for %scan3A_1154 = %scan3A_514 to %scan3A_516 step %scan3A_517 iter_args(%scan3A_1155 = %broadcast_in_dim3A_511, %scan3A_1156 = %broadcast_in_dim3A_513) -> (vector<16xf32>, vector<16xf32>)  : i32 {
      %add3A_1157 = arith.constant 450 : i32
      %add3A_1158 = arith.addi %add3A_1157, %scan3A_1154 : i32
      %get3A = arith.index_cast %add3A_1158 : i32 to index
      %get3A_1159 = arith.constant 0 : index
      %get3A_1160 = tpu.vector_load %arg6[%get3A, %get3A_1159] {strides = array<i32>} : memref<1664x32xf32, #tpu.memory_space<vmem>>, vector<1x16xf32>,
      %get3A_1161 = vector.shape_cast %get3A_1160 : vector<1x16xf32> to vector<16xf32>
      %add3A_1162 = arith.addf %scan3A_1155, %get3A_1161 : vector<16xf32>
      %get3A_1163 = arith.index_cast %add3A_1158 : i32 to index
      %get3A_1164 = arith.constant 16 : index
      %get3A_1165 = tpu.vector_load %arg6[%get3A_1163, %get3A_1164] {strides = array<i32>} : memref<1664x32xf32, #tpu.memory_space<vmem>>, vector<1x16xf32>,
      %get3A_1166 = vector.shape_cast %get3A_1165 : vector<1x16xf32> to vector<16xf32>
      %add3A_1167 = arith.addf %scan3A_1156, %get3A_1166 : vector<16xf32>
      scf.yield %add3A_1162, %add3A_1167 : vector<16xf32>, vector<16xf32>
    }
    %scan3A_519 = arith.constant 50 : i32
    %mul3A_520 = arith.constant 2.000000e-02 : f32
    %mul3A_521 = vector.broadcast %mul3A_520 : f32 to vector<16xf32>
    %mul3A_522 = arith.mulf %scan3A_518#0, %mul3A_521 : vector<16xf32>
    %swap3A_523 = arith.constant 9 : i32
    %swap3A_524 = arith.index_cast %swap3A_523 : i32 to index
    %swap3A_525 = arith.constant 0 : index
    %swap3A_526 = tpu.vector_load %arg7[%swap3A_524, %swap3A_525] {strides = array<i32>} : memref<32x32xf32, #tpu.memory_space<vmem>>, vector<1x16xf32>,
    %swap3A_527 = vector.shape_cast %swap3A_526 : vector<1x16xf32> to vector<16xf32>
    %swap3A_528 = vector.shape_cast %mul3A_522 : vector<16xf32> to vector<1x16xf32>
    tpu.vector_store %arg7[%swap3A_524, %swap3A_525], %swap3A_528 {strides = array<i32>} : memref<32x32xf32, #tpu.memory_space<vmem>>, vector<1x16xf32>,
    %mul3A_529 = arith.constant 2.000000e-02 : f32
    %mul3A_530 = vector.broadcast %mul3A_529 : f32 to vector<16xf32>
    %mul3A_531 = arith.mulf %scan3A_518#1, %mul3A_530 : vector<16xf32>
    %swap3A_532 = arith.constant 9 : i32
    %swap3A_533 = arith.index_cast %swap3A_532 : i32 to index
    %swap3A_534 = arith.constant 16 : index
    %swap3A_535 = tpu.vector_load %arg7[%swap3A_533, %swap3A_534] {strides = array<i32>} : memref<32x32xf32, #tpu.memory_space<vmem>>, vector<1x16xf32>,
    %swap3A_536 = vector.shape_cast %swap3A_535 : vector<1x16xf32> to vector<16xf32>
    %swap3A_537 = vector.shape_cast %mul3A_531 : vector<16xf32> to vector<1x16xf32>
    tpu.vector_store %arg7[%swap3A_533, %swap3A_534], %swap3A_537 {strides = array<i32>} : memref<32x32xf32, #tpu.memory_space<vmem>>, vector<1x16xf32>,
    %broadcast_in_dim3A_538 = arith.constant 0.000000e+00 : f32
    %broadcast_in_dim3A_539 = vector.broadcast %broadcast_in_dim3A_538 : f32 to vector<16xf32>
    %broadcast_in_dim3A_540 = arith.constant 0.000000e+00 : f32
    %broadcast_in_dim3A_541 = vector.broadcast %broadcast_in_dim3A_540 : f32 to vector<16xf32>
    %scan3A_542 = arith.constant 0 : i32
    %scan3A_543 = arith.constant 50 : i32
    %scan3A_544 = arith.addi %scan3A_542, %scan3A_543 : i32
    %scan3A_545 = arith.constant 1 : i32
    %scan3A_546:2 = scf.for %scan3A_1154 = %scan3A_542 to %scan3A_544 step %scan3A_545 iter_args(%scan3A_1155 = %broadcast_in_dim3A_539, %scan3A_1156 = %broadcast_in_dim3A_541) -> (vector<16xf32>, vector<16xf32>)  : i32 {
      %add3A_1157 = arith.constant 500 : i32
      %add3A_1158 = arith.addi %add3A_1157, %scan3A_1154 : i32
      %get3A = arith.index_cast %add3A_1158 : i32 to index
      %get3A_1159 = arith.constant 0 : index
      %get3A_1160 = tpu.vector_load %arg6[%get3A, %get3A_1159] {strides = array<i32>} : memref<1664x32xf32, #tpu.memory_space<vmem>>, vector<1x16xf32>,
      %get3A_1161 = vector.shape_cast %get3A_1160 : vector<1x16xf32> to vector<16xf32>
      %add3A_1162 = arith.addf %scan3A_1155, %get3A_1161 : vector<16xf32>
      %get3A_1163 = arith.index_cast %add3A_1158 : i32 to index
      %get3A_1164 = arith.constant 16 : index
      %get3A_1165 = tpu.vector_load %arg6[%get3A_1163, %get3A_1164] {strides = array<i32>} : memref<1664x32xf32, #tpu.memory_space<vmem>>, vector<1x16xf32>,
      %get3A_1166 = vector.shape_cast %get3A_1165 : vector<1x16xf32> to vector<16xf32>
      %add3A_1167 = arith.addf %scan3A_1156, %get3A_1166 : vector<16xf32>
      scf.yield %add3A_1162, %add3A_1167 : vector<16xf32>, vector<16xf32>
    }
    %scan3A_547 = arith.constant 50 : i32
    %mul3A_548 = arith.constant 2.000000e-02 : f32
    %mul3A_549 = vector.broadcast %mul3A_548 : f32 to vector<16xf32>
    %mul3A_550 = arith.mulf %scan3A_546#0, %mul3A_549 : vector<16xf32>
    %swap3A_551 = arith.constant 10 : i32
    %swap3A_552 = arith.index_cast %swap3A_551 : i32 to index
    %swap3A_553 = arith.constant 0 : index
    %swap3A_554 = tpu.vector_load %arg7[%swap3A_552, %swap3A_553] {strides = array<i32>} : memref<32x32xf32, #tpu.memory_space<vmem>>, vector<1x16xf32>,
    %swap3A_555 = vector.shape_cast %swap3A_554 : vector<1x16xf32> to vector<16xf32>
    %swap3A_556 = vector.shape_cast %mul3A_550 : vector<16xf32> to vector<1x16xf32>
    tpu.vector_store %arg7[%swap3A_552, %swap3A_553], %swap3A_556 {strides = array<i32>} : memref<32x32xf32, #tpu.memory_space<vmem>>, vector<1x16xf32>,
    %mul3A_557 = arith.constant 2.000000e-02 : f32
    %mul3A_558 = vector.broadcast %mul3A_557 : f32 to vector<16xf32>
    %mul3A_559 = arith.mulf %scan3A_546#1, %mul3A_558 : vector<16xf32>
    %swap3A_560 = arith.constant 10 : i32
    %swap3A_561 = arith.index_cast %swap3A_560 : i32 to index
    %swap3A_562 = arith.constant 16 : index
    %swap3A_563 = tpu.vector_load %arg7[%swap3A_561, %swap3A_562] {strides = array<i32>} : memref<32x32xf32, #tpu.memory_space<vmem>>, vector<1x16xf32>,
    %swap3A_564 = vector.shape_cast %swap3A_563 : vector<1x16xf32> to vector<16xf32>
    %swap3A_565 = vector.shape_cast %mul3A_559 : vector<16xf32> to vector<1x16xf32>
    tpu.vector_store %arg7[%swap3A_561, %swap3A_562], %swap3A_565 {strides = array<i32>} : memref<32x32xf32, #tpu.memory_space<vmem>>, vector<1x16xf32>,
    %broadcast_in_dim3A_566 = arith.constant 0.000000e+00 : f32
    %broadcast_in_dim3A_567 = vector.broadcast %broadcast_in_dim3A_566 : f32 to vector<16xf32>
    %broadcast_in_dim3A_568 = arith.constant 0.000000e+00 : f32
    %broadcast_in_dim3A_569 = vector.broadcast %broadcast_in_dim3A_568 : f32 to vector<16xf32>
    %scan3A_570 = arith.constant 0 : i32
    %scan3A_571 = arith.constant 50 : i32
    %scan3A_572 = arith.addi %scan3A_570, %scan3A_571 : i32
    %scan3A_573 = arith.constant 1 : i32
    %scan3A_574:2 = scf.for %scan3A_1154 = %scan3A_570 to %scan3A_572 step %scan3A_573 iter_args(%scan3A_1155 = %broadcast_in_dim3A_567, %scan3A_1156 = %broadcast_in_dim3A_569) -> (vector<16xf32>, vector<16xf32>)  : i32 {
      %add3A_1157 = arith.constant 550 : i32
      %add3A_1158 = arith.addi %add3A_1157, %scan3A_1154 : i32
      %get3A = arith.index_cast %add3A_1158 : i32 to index
      %get3A_1159 = arith.constant 0 : index
      %get3A_1160 = tpu.vector_load %arg6[%get3A, %get3A_1159] {strides = array<i32>} : memref<1664x32xf32, #tpu.memory_space<vmem>>, vector<1x16xf32>,
      %get3A_1161 = vector.shape_cast %get3A_1160 : vector<1x16xf32> to vector<16xf32>
      %add3A_1162 = arith.addf %scan3A_1155, %get3A_1161 : vector<16xf32>
      %get3A_1163 = arith.index_cast %add3A_1158 : i32 to index
      %get3A_1164 = arith.constant 16 : index
      %get3A_1165 = tpu.vector_load %arg6[%get3A_1163, %get3A_1164] {strides = array<i32>} : memref<1664x32xf32, #tpu.memory_space<vmem>>, vector<1x16xf32>,
      %get3A_1166 = vector.shape_cast %get3A_1165 : vector<1x16xf32> to vector<16xf32>
      %add3A_1167 = arith.addf %scan3A_1156, %get3A_1166 : vector<16xf32>
      scf.yield %add3A_1162, %add3A_1167 : vector<16xf32>, vector<16xf32>
    }
    %scan3A_575 = arith.constant 50 : i32
    %mul3A_576 = arith.constant 2.000000e-02 : f32
    %mul3A_577 = vector.broadcast %mul3A_576 : f32 to vector<16xf32>
    %mul3A_578 = arith.mulf %scan3A_574#0, %mul3A_577 : vector<16xf32>
    %swap3A_579 = arith.constant 11 : i32
    %swap3A_580 = arith.index_cast %swap3A_579 : i32 to index
    %swap3A_581 = arith.constant 0 : index
    %swap3A_582 = tpu.vector_load %arg7[%swap3A_580, %swap3A_581] {strides = array<i32>} : memref<32x32xf32, #tpu.memory_space<vmem>>, vector<1x16xf32>,
    %swap3A_583 = vector.shape_cast %swap3A_582 : vector<1x16xf32> to vector<16xf32>
    %swap3A_584 = vector.shape_cast %mul3A_578 : vector<16xf32> to vector<1x16xf32>
    tpu.vector_store %arg7[%swap3A_580, %swap3A_581], %swap3A_584 {strides = array<i32>} : memref<32x32xf32, #tpu.memory_space<vmem>>, vector<1x16xf32>,
    %mul3A_585 = arith.constant 2.000000e-02 : f32
    %mul3A_586 = vector.broadcast %mul3A_585 : f32 to vector<16xf32>
    %mul3A_587 = arith.mulf %scan3A_574#1, %mul3A_586 : vector<16xf32>
    %swap3A_588 = arith.constant 11 : i32
    %swap3A_589 = arith.index_cast %swap3A_588 : i32 to index
    %swap3A_590 = arith.constant 16 : index
    %swap3A_591 = tpu.vector_load %arg7[%swap3A_589, %swap3A_590] {strides = array<i32>} : memref<32x32xf32, #tpu.memory_space<vmem>>, vector<1x16xf32>,
    %swap3A_592 = vector.shape_cast %swap3A_591 : vector<1x16xf32> to vector<16xf32>
    %swap3A_593 = vector.shape_cast %mul3A_587 : vector<16xf32> to vector<1x16xf32>
    tpu.vector_store %arg7[%swap3A_589, %swap3A_590], %swap3A_593 {strides = array<i32>} : memref<32x32xf32, #tpu.memory_space<vmem>>, vector<1x16xf32>,
    %broadcast_in_dim3A_594 = arith.constant 0.000000e+00 : f32
    %broadcast_in_dim3A_595 = vector.broadcast %broadcast_in_dim3A_594 : f32 to vector<16xf32>
    %broadcast_in_dim3A_596 = arith.constant 0.000000e+00 : f32
    %broadcast_in_dim3A_597 = vector.broadcast %broadcast_in_dim3A_596 : f32 to vector<16xf32>
    %scan3A_598 = arith.constant 0 : i32
    %scan3A_599 = arith.constant 50 : i32
    %scan3A_600 = arith.addi %scan3A_598, %scan3A_599 : i32
    %scan3A_601 = arith.constant 1 : i32
    %scan3A_602:2 = scf.for %scan3A_1154 = %scan3A_598 to %scan3A_600 step %scan3A_601 iter_args(%scan3A_1155 = %broadcast_in_dim3A_595, %scan3A_1156 = %broadcast_in_dim3A_597) -> (vector<16xf32>, vector<16xf32>)  : i32 {
      %add3A_1157 = arith.constant 600 : i32
      %add3A_1158 = arith.addi %add3A_1157, %scan3A_1154 : i32
      %get3A = arith.index_cast %add3A_1158 : i32 to index
      %get3A_1159 = arith.constant 0 : index
      %get3A_1160 = tpu.vector_load %arg6[%get3A, %get3A_1159] {strides = array<i32>} : memref<1664x32xf32, #tpu.memory_space<vmem>>, vector<1x16xf32>,
      %get3A_1161 = vector.shape_cast %get3A_1160 : vector<1x16xf32> to vector<16xf32>
      %add3A_1162 = arith.addf %scan3A_1155, %get3A_1161 : vector<16xf32>
      %get3A_1163 = arith.index_cast %add3A_1158 : i32 to index
      %get3A_1164 = arith.constant 16 : index
      %get3A_1165 = tpu.vector_load %arg6[%get3A_1163, %get3A_1164] {strides = array<i32>} : memref<1664x32xf32, #tpu.memory_space<vmem>>, vector<1x16xf32>,
      %get3A_1166 = vector.shape_cast %get3A_1165 : vector<1x16xf32> to vector<16xf32>
      %add3A_1167 = arith.addf %scan3A_1156, %get3A_1166 : vector<16xf32>
      scf.yield %add3A_1162, %add3A_1167 : vector<16xf32>, vector<16xf32>
    }
    %scan3A_603 = arith.constant 50 : i32
    %mul3A_604 = arith.constant 2.000000e-02 : f32
    %mul3A_605 = vector.broadcast %mul3A_604 : f32 to vector<16xf32>
    %mul3A_606 = arith.mulf %scan3A_602#0, %mul3A_605 : vector<16xf32>
    %swap3A_607 = arith.constant 12 : i32
    %swap3A_608 = arith.index_cast %swap3A_607 : i32 to index
    %swap3A_609 = arith.constant 0 : index
    %swap3A_610 = tpu.vector_load %arg7[%swap3A_608, %swap3A_609] {strides = array<i32>} : memref<32x32xf32, #tpu.memory_space<vmem>>, vector<1x16xf32>,
    %swap3A_611 = vector.shape_cast %swap3A_610 : vector<1x16xf32> to vector<16xf32>
    %swap3A_612 = vector.shape_cast %mul3A_606 : vector<16xf32> to vector<1x16xf32>
    tpu.vector_store %arg7[%swap3A_608, %swap3A_609], %swap3A_612 {strides = array<i32>} : memref<32x32xf32, #tpu.memory_space<vmem>>, vector<1x16xf32>,
    %mul3A_613 = arith.constant 2.000000e-02 : f32
    %mul3A_614 = vector.broadcast %mul3A_613 : f32 to vector<16xf32>
    %mul3A_615 = arith.mulf %scan3A_602#1, %mul3A_614 : vector<16xf32>
    %swap3A_616 = arith.constant 12 : i32
    %swap3A_617 = arith.index_cast %swap3A_616 : i32 to index
    %swap3A_618 = arith.constant 16 : index
    %swap3A_619 = tpu.vector_load %arg7[%swap3A_617, %swap3A_618] {strides = array<i32>} : memref<32x32xf32, #tpu.memory_space<vmem>>, vector<1x16xf32>,
    %swap3A_620 = vector.shape_cast %swap3A_619 : vector<1x16xf32> to vector<16xf32>
    %swap3A_621 = vector.shape_cast %mul3A_615 : vector<16xf32> to vector<1x16xf32>
    tpu.vector_store %arg7[%swap3A_617, %swap3A_618], %swap3A_621 {strides = array<i32>} : memref<32x32xf32, #tpu.memory_space<vmem>>, vector<1x16xf32>,
    %broadcast_in_dim3A_622 = arith.constant 0.000000e+00 : f32
    %broadcast_in_dim3A_623 = vector.broadcast %broadcast_in_dim3A_622 : f32 to vector<16xf32>
    %broadcast_in_dim3A_624 = arith.constant 0.000000e+00 : f32
    %broadcast_in_dim3A_625 = vector.broadcast %broadcast_in_dim3A_624 : f32 to vector<16xf32>
    %scan3A_626 = arith.constant 0 : i32
    %scan3A_627 = arith.constant 50 : i32
    %scan3A_628 = arith.addi %scan3A_626, %scan3A_627 : i32
    %scan3A_629 = arith.constant 1 : i32
    %scan3A_630:2 = scf.for %scan3A_1154 = %scan3A_626 to %scan3A_628 step %scan3A_629 iter_args(%scan3A_1155 = %broadcast_in_dim3A_623, %scan3A_1156 = %broadcast_in_dim3A_625) -> (vector<16xf32>, vector<16xf32>)  : i32 {
      %add3A_1157 = arith.constant 650 : i32
      %add3A_1158 = arith.addi %add3A_1157, %scan3A_1154 : i32
      %get3A = arith.index_cast %add3A_1158 : i32 to index
      %get3A_1159 = arith.constant 0 : index
      %get3A_1160 = tpu.vector_load %arg6[%get3A, %get3A_1159] {strides = array<i32>} : memref<1664x32xf32, #tpu.memory_space<vmem>>, vector<1x16xf32>,
      %get3A_1161 = vector.shape_cast %get3A_1160 : vector<1x16xf32> to vector<16xf32>
      %add3A_1162 = arith.addf %scan3A_1155, %get3A_1161 : vector<16xf32>
      %get3A_1163 = arith.index_cast %add3A_1158 : i32 to index
      %get3A_1164 = arith.constant 16 : index
      %get3A_1165 = tpu.vector_load %arg6[%get3A_1163, %get3A_1164] {strides = array<i32>} : memref<1664x32xf32, #tpu.memory_space<vmem>>, vector<1x16xf32>,
      %get3A_1166 = vector.shape_cast %get3A_1165 : vector<1x16xf32> to vector<16xf32>
      %add3A_1167 = arith.addf %scan3A_1156, %get3A_1166 : vector<16xf32>
      scf.yield %add3A_1162, %add3A_1167 : vector<16xf32>, vector<16xf32>
    }
    %scan3A_631 = arith.constant 50 : i32
    %mul3A_632 = arith.constant 2.000000e-02 : f32
    %mul3A_633 = vector.broadcast %mul3A_632 : f32 to vector<16xf32>
    %mul3A_634 = arith.mulf %scan3A_630#0, %mul3A_633 : vector<16xf32>
    %swap3A_635 = arith.constant 13 : i32
    %swap3A_636 = arith.index_cast %swap3A_635 : i32 to index
    %swap3A_637 = arith.constant 0 : index
    %swap3A_638 = tpu.vector_load %arg7[%swap3A_636, %swap3A_637] {strides = array<i32>} : memref<32x32xf32, #tpu.memory_space<vmem>>, vector<1x16xf32>,
    %swap3A_639 = vector.shape_cast %swap3A_638 : vector<1x16xf32> to vector<16xf32>
    %swap3A_640 = vector.shape_cast %mul3A_634 : vector<16xf32> to vector<1x16xf32>
    tpu.vector_store %arg7[%swap3A_636, %swap3A_637], %swap3A_640 {strides = array<i32>} : memref<32x32xf32, #tpu.memory_space<vmem>>, vector<1x16xf32>,
    %mul3A_641 = arith.constant 2.000000e-02 : f32
    %mul3A_642 = vector.broadcast %mul3A_641 : f32 to vector<16xf32>
    %mul3A_643 = arith.mulf %scan3A_630#1, %mul3A_642 : vector<16xf32>
    %swap3A_644 = arith.constant 13 : i32
    %swap3A_645 = arith.index_cast %swap3A_644 : i32 to index
    %swap3A_646 = arith.constant 16 : index
    %swap3A_647 = tpu.vector_load %arg7[%swap3A_645, %swap3A_646] {strides = array<i32>} : memref<32x32xf32, #tpu.memory_space<vmem>>, vector<1x16xf32>,
    %swap3A_648 = vector.shape_cast %swap3A_647 : vector<1x16xf32> to vector<16xf32>
    %swap3A_649 = vector.shape_cast %mul3A_643 : vector<16xf32> to vector<1x16xf32>
    tpu.vector_store %arg7[%swap3A_645, %swap3A_646], %swap3A_649 {strides = array<i32>} : memref<32x32xf32, #tpu.memory_space<vmem>>, vector<1x16xf32>,
    %broadcast_in_dim3A_650 = arith.constant 0.000000e+00 : f32
    %broadcast_in_dim3A_651 = vector.broadcast %broadcast_in_dim3A_650 : f32 to vector<16xf32>
    %broadcast_in_dim3A_652 = arith.constant 0.000000e+00 : f32
    %broadcast_in_dim3A_653 = vector.broadcast %broadcast_in_dim3A_652 : f32 to vector<16xf32>
    %scan3A_654 = arith.constant 0 : i32
    %scan3A_655 = arith.constant 50 : i32
    %scan3A_656 = arith.addi %scan3A_654, %scan3A_655 : i32
    %scan3A_657 = arith.constant 1 : i32
    %scan3A_658:2 = scf.for %scan3A_1154 = %scan3A_654 to %scan3A_656 step %scan3A_657 iter_args(%scan3A_1155 = %broadcast_in_dim3A_651, %scan3A_1156 = %broadcast_in_dim3A_653) -> (vector<16xf32>, vector<16xf32>)  : i32 {
      %add3A_1157 = arith.constant 700 : i32
      %add3A_1158 = arith.addi %add3A_1157, %scan3A_1154 : i32
      %get3A = arith.index_cast %add3A_1158 : i32 to index
      %get3A_1159 = arith.constant 0 : index
      %get3A_1160 = tpu.vector_load %arg6[%get3A, %get3A_1159] {strides = array<i32>} : memref<1664x32xf32, #tpu.memory_space<vmem>>, vector<1x16xf32>,
      %get3A_1161 = vector.shape_cast %get3A_1160 : vector<1x16xf32> to vector<16xf32>
      %add3A_1162 = arith.addf %scan3A_1155, %get3A_1161 : vector<16xf32>
      %get3A_1163 = arith.index_cast %add3A_1158 : i32 to index
      %get3A_1164 = arith.constant 16 : index
      %get3A_1165 = tpu.vector_load %arg6[%get3A_1163, %get3A_1164] {strides = array<i32>} : memref<1664x32xf32, #tpu.memory_space<vmem>>, vector<1x16xf32>,
      %get3A_1166 = vector.shape_cast %get3A_1165 : vector<1x16xf32> to vector<16xf32>
      %add3A_1167 = arith.addf %scan3A_1156, %get3A_1166 : vector<16xf32>
      scf.yield %add3A_1162, %add3A_1167 : vector<16xf32>, vector<16xf32>
    }
    %scan3A_659 = arith.constant 50 : i32
    %mul3A_660 = arith.constant 2.000000e-02 : f32
    %mul3A_661 = vector.broadcast %mul3A_660 : f32 to vector<16xf32>
    %mul3A_662 = arith.mulf %scan3A_658#0, %mul3A_661 : vector<16xf32>
    %swap3A_663 = arith.constant 14 : i32
    %swap3A_664 = arith.index_cast %swap3A_663 : i32 to index
    %swap3A_665 = arith.constant 0 : index
    %swap3A_666 = tpu.vector_load %arg7[%swap3A_664, %swap3A_665] {strides = array<i32>} : memref<32x32xf32, #tpu.memory_space<vmem>>, vector<1x16xf32>,
    %swap3A_667 = vector.shape_cast %swap3A_666 : vector<1x16xf32> to vector<16xf32>
    %swap3A_668 = vector.shape_cast %mul3A_662 : vector<16xf32> to vector<1x16xf32>
    tpu.vector_store %arg7[%swap3A_664, %swap3A_665], %swap3A_668 {strides = array<i32>} : memref<32x32xf32, #tpu.memory_space<vmem>>, vector<1x16xf32>,
    %mul3A_669 = arith.constant 2.000000e-02 : f32
    %mul3A_670 = vector.broadcast %mul3A_669 : f32 to vector<16xf32>
    %mul3A_671 = arith.mulf %scan3A_658#1, %mul3A_670 : vector<16xf32>
    %swap3A_672 = arith.constant 14 : i32
    %swap3A_673 = arith.index_cast %swap3A_672 : i32 to index
    %swap3A_674 = arith.constant 16 : index
    %swap3A_675 = tpu.vector_load %arg7[%swap3A_673, %swap3A_674] {strides = array<i32>} : memref<32x32xf32, #tpu.memory_space<vmem>>, vector<1x16xf32>,
    %swap3A_676 = vector.shape_cast %swap3A_675 : vector<1x16xf32> to vector<16xf32>
    %swap3A_677 = vector.shape_cast %mul3A_671 : vector<16xf32> to vector<1x16xf32>
    tpu.vector_store %arg7[%swap3A_673, %swap3A_674], %swap3A_677 {strides = array<i32>} : memref<32x32xf32, #tpu.memory_space<vmem>>, vector<1x16xf32>,
    %broadcast_in_dim3A_678 = arith.constant 0.000000e+00 : f32
    %broadcast_in_dim3A_679 = vector.broadcast %broadcast_in_dim3A_678 : f32 to vector<16xf32>
    %broadcast_in_dim3A_680 = arith.constant 0.000000e+00 : f32
    %broadcast_in_dim3A_681 = vector.broadcast %broadcast_in_dim3A_680 : f32 to vector<16xf32>
    %scan3A_682 = arith.constant 0 : i32
    %scan3A_683 = arith.constant 50 : i32
    %scan3A_684 = arith.addi %scan3A_682, %scan3A_683 : i32
    %scan3A_685 = arith.constant 1 : i32
    %scan3A_686:2 = scf.for %scan3A_1154 = %scan3A_682 to %scan3A_684 step %scan3A_685 iter_args(%scan3A_1155 = %broadcast_in_dim3A_679, %scan3A_1156 = %broadcast_in_dim3A_681) -> (vector<16xf32>, vector<16xf32>)  : i32 {
      %add3A_1157 = arith.constant 750 : i32
      %add3A_1158 = arith.addi %add3A_1157, %scan3A_1154 : i32
      %get3A = arith.index_cast %add3A_1158 : i32 to index
      %get3A_1159 = arith.constant 0 : index
      %get3A_1160 = tpu.vector_load %arg6[%get3A, %get3A_1159] {strides = array<i32>} : memref<1664x32xf32, #tpu.memory_space<vmem>>, vector<1x16xf32>,
      %get3A_1161 = vector.shape_cast %get3A_1160 : vector<1x16xf32> to vector<16xf32>
      %add3A_1162 = arith.addf %scan3A_1155, %get3A_1161 : vector<16xf32>
      %get3A_1163 = arith.index_cast %add3A_1158 : i32 to index
      %get3A_1164 = arith.constant 16 : index
      %get3A_1165 = tpu.vector_load %arg6[%get3A_1163, %get3A_1164] {strides = array<i32>} : memref<1664x32xf32, #tpu.memory_space<vmem>>, vector<1x16xf32>,
      %get3A_1166 = vector.shape_cast %get3A_1165 : vector<1x16xf32> to vector<16xf32>
      %add3A_1167 = arith.addf %scan3A_1156, %get3A_1166 : vector<16xf32>
      scf.yield %add3A_1162, %add3A_1167 : vector<16xf32>, vector<16xf32>
    }
    %scan3A_687 = arith.constant 50 : i32
    %mul3A_688 = arith.constant 2.000000e-02 : f32
    %mul3A_689 = vector.broadcast %mul3A_688 : f32 to vector<16xf32>
    %mul3A_690 = arith.mulf %scan3A_686#0, %mul3A_689 : vector<16xf32>
    %swap3A_691 = arith.constant 15 : i32
    %swap3A_692 = arith.index_cast %swap3A_691 : i32 to index
    %swap3A_693 = arith.constant 0 : index
    %swap3A_694 = tpu.vector_load %arg7[%swap3A_692, %swap3A_693] {strides = array<i32>} : memref<32x32xf32, #tpu.memory_space<vmem>>, vector<1x16xf32>,
    %swap3A_695 = vector.shape_cast %swap3A_694 : vector<1x16xf32> to vector<16xf32>
    %swap3A_696 = vector.shape_cast %mul3A_690 : vector<16xf32> to vector<1x16xf32>
    tpu.vector_store %arg7[%swap3A_692, %swap3A_693], %swap3A_696 {strides = array<i32>} : memref<32x32xf32, #tpu.memory_space<vmem>>, vector<1x16xf32>,
    %mul3A_697 = arith.constant 2.000000e-02 : f32
    %mul3A_698 = vector.broadcast %mul3A_697 : f32 to vector<16xf32>
    %mul3A_699 = arith.mulf %scan3A_686#1, %mul3A_698 : vector<16xf32>
    %swap3A_700 = arith.constant 15 : i32
    %swap3A_701 = arith.index_cast %swap3A_700 : i32 to index
    %swap3A_702 = arith.constant 16 : index
    %swap3A_703 = tpu.vector_load %arg7[%swap3A_701, %swap3A_702] {strides = array<i32>} : memref<32x32xf32, #tpu.memory_space<vmem>>, vector<1x16xf32>,
    %swap3A_704 = vector.shape_cast %swap3A_703 : vector<1x16xf32> to vector<16xf32>
    %swap3A_705 = vector.shape_cast %mul3A_699 : vector<16xf32> to vector<1x16xf32>
    tpu.vector_store %arg7[%swap3A_701, %swap3A_702], %swap3A_705 {strides = array<i32>} : memref<32x32xf32, #tpu.memory_space<vmem>>, vector<1x16xf32>,
    %broadcast_in_dim3A_706 = arith.constant 0.000000e+00 : f32
    %broadcast_in_dim3A_707 = vector.broadcast %broadcast_in_dim3A_706 : f32 to vector<16xf32>
    %broadcast_in_dim3A_708 = arith.constant 0.000000e+00 : f32
    %broadcast_in_dim3A_709 = vector.broadcast %broadcast_in_dim3A_708 : f32 to vector<16xf32>
    %scan3A_710 = arith.constant 0 : i32
    %scan3A_711 = arith.constant 50 : i32
    %scan3A_712 = arith.addi %scan3A_710, %scan3A_711 : i32
    %scan3A_713 = arith.constant 1 : i32
    %scan3A_714:2 = scf.for %scan3A_1154 = %scan3A_710 to %scan3A_712 step %scan3A_713 iter_args(%scan3A_1155 = %broadcast_in_dim3A_707, %scan3A_1156 = %broadcast_in_dim3A_709) -> (vector<16xf32>, vector<16xf32>)  : i32 {
      %add3A_1157 = arith.constant 800 : i32
      %add3A_1158 = arith.addi %add3A_1157, %scan3A_1154 : i32
      %get3A = arith.index_cast %add3A_1158 : i32 to index
      %get3A_1159 = arith.constant 0 : index
      %get3A_1160 = tpu.vector_load %arg6[%get3A, %get3A_1159] {strides = array<i32>} : memref<1664x32xf32, #tpu.memory_space<vmem>>, vector<1x16xf32>,
      %get3A_1161 = vector.shape_cast %get3A_1160 : vector<1x16xf32> to vector<16xf32>
      %add3A_1162 = arith.addf %scan3A_1155, %get3A_1161 : vector<16xf32>
      %get3A_1163 = arith.index_cast %add3A_1158 : i32 to index
      %get3A_1164 = arith.constant 16 : index
      %get3A_1165 = tpu.vector_load %arg6[%get3A_1163, %get3A_1164] {strides = array<i32>} : memref<1664x32xf32, #tpu.memory_space<vmem>>, vector<1x16xf32>,
      %get3A_1166 = vector.shape_cast %get3A_1165 : vector<1x16xf32> to vector<16xf32>
      %add3A_1167 = arith.addf %scan3A_1156, %get3A_1166 : vector<16xf32>
      scf.yield %add3A_1162, %add3A_1167 : vector<16xf32>, vector<16xf32>
    }
    %scan3A_715 = arith.constant 50 : i32
    %mul3A_716 = arith.constant 2.000000e-02 : f32
    %mul3A_717 = vector.broadcast %mul3A_716 : f32 to vector<16xf32>
    %mul3A_718 = arith.mulf %scan3A_714#0, %mul3A_717 : vector<16xf32>
    %swap3A_719 = arith.constant 16 : i32
    %swap3A_720 = arith.index_cast %swap3A_719 : i32 to index
    %swap3A_721 = arith.constant 0 : index
    %swap3A_722 = tpu.vector_load %arg7[%swap3A_720, %swap3A_721] {strides = array<i32>} : memref<32x32xf32, #tpu.memory_space<vmem>>, vector<1x16xf32>,
    %swap3A_723 = vector.shape_cast %swap3A_722 : vector<1x16xf32> to vector<16xf32>
    %swap3A_724 = vector.shape_cast %mul3A_718 : vector<16xf32> to vector<1x16xf32>
    tpu.vector_store %arg7[%swap3A_720, %swap3A_721], %swap3A_724 {strides = array<i32>} : memref<32x32xf32, #tpu.memory_space<vmem>>, vector<1x16xf32>,
    %mul3A_725 = arith.constant 2.000000e-02 : f32
    %mul3A_726 = vector.broadcast %mul3A_725 : f32 to vector<16xf32>
    %mul3A_727 = arith.mulf %scan3A_714#1, %mul3A_726 : vector<16xf32>
    %swap3A_728 = arith.constant 16 : i32
    %swap3A_729 = arith.index_cast %swap3A_728 : i32 to index
    %swap3A_730 = arith.constant 16 : index
    %swap3A_731 = tpu.vector_load %arg7[%swap3A_729, %swap3A_730] {strides = array<i32>} : memref<32x32xf32, #tpu.memory_space<vmem>>, vector<1x16xf32>,
    %swap3A_732 = vector.shape_cast %swap3A_731 : vector<1x16xf32> to vector<16xf32>
    %swap3A_733 = vector.shape_cast %mul3A_727 : vector<16xf32> to vector<1x16xf32>
    tpu.vector_store %arg7[%swap3A_729, %swap3A_730], %swap3A_733 {strides = array<i32>} : memref<32x32xf32, #tpu.memory_space<vmem>>, vector<1x16xf32>,
    %broadcast_in_dim3A_734 = arith.constant 0.000000e+00 : f32
    %broadcast_in_dim3A_735 = vector.broadcast %broadcast_in_dim3A_734 : f32 to vector<16xf32>
    %broadcast_in_dim3A_736 = arith.constant 0.000000e+00 : f32
    %broadcast_in_dim3A_737 = vector.broadcast %broadcast_in_dim3A_736 : f32 to vector<16xf32>
    %scan3A_738 = arith.constant 0 : i32
    %scan3A_739 = arith.constant 50 : i32
    %scan3A_740 = arith.addi %scan3A_738, %scan3A_739 : i32
    %scan3A_741 = arith.constant 1 : i32
    %scan3A_742:2 = scf.for %scan3A_1154 = %scan3A_738 to %scan3A_740 step %scan3A_741 iter_args(%scan3A_1155 = %broadcast_in_dim3A_735, %scan3A_1156 = %broadcast_in_dim3A_737) -> (vector<16xf32>, vector<16xf32>)  : i32 {
      %add3A_1157 = arith.constant 850 : i32
      %add3A_1158 = arith.addi %add3A_1157, %scan3A_1154 : i32
      %get3A = arith.index_cast %add3A_1158 : i32 to index
      %get3A_1159 = arith.constant 0 : index
      %get3A_1160 = tpu.vector_load %arg6[%get3A, %get3A_1159] {strides = array<i32>} : memref<1664x32xf32, #tpu.memory_space<vmem>>, vector<1x16xf32>,
      %get3A_1161 = vector.shape_cast %get3A_1160 : vector<1x16xf32> to vector<16xf32>
      %add3A_1162 = arith.addf %scan3A_1155, %get3A_1161 : vector<16xf32>
      %get3A_1163 = arith.index_cast %add3A_1158 : i32 to index
      %get3A_1164 = arith.constant 16 : index
      %get3A_1165 = tpu.vector_load %arg6[%get3A_1163, %get3A_1164] {strides = array<i32>} : memref<1664x32xf32, #tpu.memory_space<vmem>>, vector<1x16xf32>,
      %get3A_1166 = vector.shape_cast %get3A_1165 : vector<1x16xf32> to vector<16xf32>
      %add3A_1167 = arith.addf %scan3A_1156, %get3A_1166 : vector<16xf32>
      scf.yield %add3A_1162, %add3A_1167 : vector<16xf32>, vector<16xf32>
    }
    %scan3A_743 = arith.constant 50 : i32
    %mul3A_744 = arith.constant 2.000000e-02 : f32
    %mul3A_745 = vector.broadcast %mul3A_744 : f32 to vector<16xf32>
    %mul3A_746 = arith.mulf %scan3A_742#0, %mul3A_745 : vector<16xf32>
    %swap3A_747 = arith.constant 17 : i32
    %swap3A_748 = arith.index_cast %swap3A_747 : i32 to index
    %swap3A_749 = arith.constant 0 : index
    %swap3A_750 = tpu.vector_load %arg7[%swap3A_748, %swap3A_749] {strides = array<i32>} : memref<32x32xf32, #tpu.memory_space<vmem>>, vector<1x16xf32>,
    %swap3A_751 = vector.shape_cast %swap3A_750 : vector<1x16xf32> to vector<16xf32>
    %swap3A_752 = vector.shape_cast %mul3A_746 : vector<16xf32> to vector<1x16xf32>
    tpu.vector_store %arg7[%swap3A_748, %swap3A_749], %swap3A_752 {strides = array<i32>} : memref<32x32xf32, #tpu.memory_space<vmem>>, vector<1x16xf32>,
    %mul3A_753 = arith.constant 2.000000e-02 : f32
    %mul3A_754 = vector.broadcast %mul3A_753 : f32 to vector<16xf32>
    %mul3A_755 = arith.mulf %scan3A_742#1, %mul3A_754 : vector<16xf32>
    %swap3A_756 = arith.constant 17 : i32
    %swap3A_757 = arith.index_cast %swap3A_756 : i32 to index
    %swap3A_758 = arith.constant 16 : index
    %swap3A_759 = tpu.vector_load %arg7[%swap3A_757, %swap3A_758] {strides = array<i32>} : memref<32x32xf32, #tpu.memory_space<vmem>>, vector<1x16xf32>,
    %swap3A_760 = vector.shape_cast %swap3A_759 : vector<1x16xf32> to vector<16xf32>
    %swap3A_761 = vector.shape_cast %mul3A_755 : vector<16xf32> to vector<1x16xf32>
    tpu.vector_store %arg7[%swap3A_757, %swap3A_758], %swap3A_761 {strides = array<i32>} : memref<32x32xf32, #tpu.memory_space<vmem>>, vector<1x16xf32>,
    %broadcast_in_dim3A_762 = arith.constant 0.000000e+00 : f32
    %broadcast_in_dim3A_763 = vector.broadcast %broadcast_in_dim3A_762 : f32 to vector<16xf32>
    %broadcast_in_dim3A_764 = arith.constant 0.000000e+00 : f32
    %broadcast_in_dim3A_765 = vector.broadcast %broadcast_in_dim3A_764 : f32 to vector<16xf32>
    %scan3A_766 = arith.constant 0 : i32
    %scan3A_767 = arith.constant 50 : i32
    %scan3A_768 = arith.addi %scan3A_766, %scan3A_767 : i32
    %scan3A_769 = arith.constant 1 : i32
    %scan3A_770:2 = scf.for %scan3A_1154 = %scan3A_766 to %scan3A_768 step %scan3A_769 iter_args(%scan3A_1155 = %broadcast_in_dim3A_763, %scan3A_1156 = %broadcast_in_dim3A_765) -> (vector<16xf32>, vector<16xf32>)  : i32 {
      %add3A_1157 = arith.constant 900 : i32
      %add3A_1158 = arith.addi %add3A_1157, %scan3A_1154 : i32
      %get3A = arith.index_cast %add3A_1158 : i32 to index
      %get3A_1159 = arith.constant 0 : index
      %get3A_1160 = tpu.vector_load %arg6[%get3A, %get3A_1159] {strides = array<i32>} : memref<1664x32xf32, #tpu.memory_space<vmem>>, vector<1x16xf32>,
      %get3A_1161 = vector.shape_cast %get3A_1160 : vector<1x16xf32> to vector<16xf32>
      %add3A_1162 = arith.addf %scan3A_1155, %get3A_1161 : vector<16xf32>
      %get3A_1163 = arith.index_cast %add3A_1158 : i32 to index
      %get3A_1164 = arith.constant 16 : index
      %get3A_1165 = tpu.vector_load %arg6[%get3A_1163, %get3A_1164] {strides = array<i32>} : memref<1664x32xf32, #tpu.memory_space<vmem>>, vector<1x16xf32>,
      %get3A_1166 = vector.shape_cast %get3A_1165 : vector<1x16xf32> to vector<16xf32>
      %add3A_1167 = arith.addf %scan3A_1156, %get3A_1166 : vector<16xf32>
      scf.yield %add3A_1162, %add3A_1167 : vector<16xf32>, vector<16xf32>
    }
    %scan3A_771 = arith.constant 50 : i32
    %mul3A_772 = arith.constant 2.000000e-02 : f32
    %mul3A_773 = vector.broadcast %mul3A_772 : f32 to vector<16xf32>
    %mul3A_774 = arith.mulf %scan3A_770#0, %mul3A_773 : vector<16xf32>
    %swap3A_775 = arith.constant 18 : i32
    %swap3A_776 = arith.index_cast %swap3A_775 : i32 to index
    %swap3A_777 = arith.constant 0 : index
    %swap3A_778 = tpu.vector_load %arg7[%swap3A_776, %swap3A_777] {strides = array<i32>} : memref<32x32xf32, #tpu.memory_space<vmem>>, vector<1x16xf32>,
    %swap3A_779 = vector.shape_cast %swap3A_778 : vector<1x16xf32> to vector<16xf32>
    %swap3A_780 = vector.shape_cast %mul3A_774 : vector<16xf32> to vector<1x16xf32>
    tpu.vector_store %arg7[%swap3A_776, %swap3A_777], %swap3A_780 {strides = array<i32>} : memref<32x32xf32, #tpu.memory_space<vmem>>, vector<1x16xf32>,
    %mul3A_781 = arith.constant 2.000000e-02 : f32
    %mul3A_782 = vector.broadcast %mul3A_781 : f32 to vector<16xf32>
    %mul3A_783 = arith.mulf %scan3A_770#1, %mul3A_782 : vector<16xf32>
    %swap3A_784 = arith.constant 18 : i32
    %swap3A_785 = arith.index_cast %swap3A_784 : i32 to index
    %swap3A_786 = arith.constant 16 : index
    %swap3A_787 = tpu.vector_load %arg7[%swap3A_785, %swap3A_786] {strides = array<i32>} : memref<32x32xf32, #tpu.memory_space<vmem>>, vector<1x16xf32>,
    %swap3A_788 = vector.shape_cast %swap3A_787 : vector<1x16xf32> to vector<16xf32>
    %swap3A_789 = vector.shape_cast %mul3A_783 : vector<16xf32> to vector<1x16xf32>
    tpu.vector_store %arg7[%swap3A_785, %swap3A_786], %swap3A_789 {strides = array<i32>} : memref<32x32xf32, #tpu.memory_space<vmem>>, vector<1x16xf32>,
    %broadcast_in_dim3A_790 = arith.constant 0.000000e+00 : f32
    %broadcast_in_dim3A_791 = vector.broadcast %broadcast_in_dim3A_790 : f32 to vector<16xf32>
    %broadcast_in_dim3A_792 = arith.constant 0.000000e+00 : f32
    %broadcast_in_dim3A_793 = vector.broadcast %broadcast_in_dim3A_792 : f32 to vector<16xf32>
    %scan3A_794 = arith.constant 0 : i32
    %scan3A_795 = arith.constant 50 : i32
    %scan3A_796 = arith.addi %scan3A_794, %scan3A_795 : i32
    %scan3A_797 = arith.constant 1 : i32
    %scan3A_798:2 = scf.for %scan3A_1154 = %scan3A_794 to %scan3A_796 step %scan3A_797 iter_args(%scan3A_1155 = %broadcast_in_dim3A_791, %scan3A_1156 = %broadcast_in_dim3A_793) -> (vector<16xf32>, vector<16xf32>)  : i32 {
      %add3A_1157 = arith.constant 950 : i32
      %add3A_1158 = arith.addi %add3A_1157, %scan3A_1154 : i32
      %get3A = arith.index_cast %add3A_1158 : i32 to index
      %get3A_1159 = arith.constant 0 : index
      %get3A_1160 = tpu.vector_load %arg6[%get3A, %get3A_1159] {strides = array<i32>} : memref<1664x32xf32, #tpu.memory_space<vmem>>, vector<1x16xf32>,
      %get3A_1161 = vector.shape_cast %get3A_1160 : vector<1x16xf32> to vector<16xf32>
      %add3A_1162 = arith.addf %scan3A_1155, %get3A_1161 : vector<16xf32>
      %get3A_1163 = arith.index_cast %add3A_1158 : i32 to index
      %get3A_1164 = arith.constant 16 : index
      %get3A_1165 = tpu.vector_load %arg6[%get3A_1163, %get3A_1164] {strides = array<i32>} : memref<1664x32xf32, #tpu.memory_space<vmem>>, vector<1x16xf32>,
      %get3A_1166 = vector.shape_cast %get3A_1165 : vector<1x16xf32> to vector<16xf32>
      %add3A_1167 = arith.addf %scan3A_1156, %get3A_1166 : vector<16xf32>
      scf.yield %add3A_1162, %add3A_1167 : vector<16xf32>, vector<16xf32>
    }
    %scan3A_799 = arith.constant 50 : i32
    %mul3A_800 = arith.constant 2.000000e-02 : f32
    %mul3A_801 = vector.broadcast %mul3A_800 : f32 to vector<16xf32>
    %mul3A_802 = arith.mulf %scan3A_798#0, %mul3A_801 : vector<16xf32>
    %swap3A_803 = arith.constant 19 : i32
    %swap3A_804 = arith.index_cast %swap3A_803 : i32 to index
    %swap3A_805 = arith.constant 0 : index
    %swap3A_806 = tpu.vector_load %arg7[%swap3A_804, %swap3A_805] {strides = array<i32>} : memref<32x32xf32, #tpu.memory_space<vmem>>, vector<1x16xf32>,
    %swap3A_807 = vector.shape_cast %swap3A_806 : vector<1x16xf32> to vector<16xf32>
    %swap3A_808 = vector.shape_cast %mul3A_802 : vector<16xf32> to vector<1x16xf32>
    tpu.vector_store %arg7[%swap3A_804, %swap3A_805], %swap3A_808 {strides = array<i32>} : memref<32x32xf32, #tpu.memory_space<vmem>>, vector<1x16xf32>,
    %mul3A_809 = arith.constant 2.000000e-02 : f32
    %mul3A_810 = vector.broadcast %mul3A_809 : f32 to vector<16xf32>
    %mul3A_811 = arith.mulf %scan3A_798#1, %mul3A_810 : vector<16xf32>
    %swap3A_812 = arith.constant 19 : i32
    %swap3A_813 = arith.index_cast %swap3A_812 : i32 to index
    %swap3A_814 = arith.constant 16 : index
    %swap3A_815 = tpu.vector_load %arg7[%swap3A_813, %swap3A_814] {strides = array<i32>} : memref<32x32xf32, #tpu.memory_space<vmem>>, vector<1x16xf32>,
    %swap3A_816 = vector.shape_cast %swap3A_815 : vector<1x16xf32> to vector<16xf32>
    %swap3A_817 = vector.shape_cast %mul3A_811 : vector<16xf32> to vector<1x16xf32>
    tpu.vector_store %arg7[%swap3A_813, %swap3A_814], %swap3A_817 {strides = array<i32>} : memref<32x32xf32, #tpu.memory_space<vmem>>, vector<1x16xf32>,
    %broadcast_in_dim3A_818 = arith.constant 0.000000e+00 : f32
    %broadcast_in_dim3A_819 = vector.broadcast %broadcast_in_dim3A_818 : f32 to vector<16xf32>
    %broadcast_in_dim3A_820 = arith.constant 0.000000e+00 : f32
    %broadcast_in_dim3A_821 = vector.broadcast %broadcast_in_dim3A_820 : f32 to vector<16xf32>
    %scan3A_822 = arith.constant 0 : i32
    %scan3A_823 = arith.constant 50 : i32
    %scan3A_824 = arith.addi %scan3A_822, %scan3A_823 : i32
    %scan3A_825 = arith.constant 1 : i32
    %scan3A_826:2 = scf.for %scan3A_1154 = %scan3A_822 to %scan3A_824 step %scan3A_825 iter_args(%scan3A_1155 = %broadcast_in_dim3A_819, %scan3A_1156 = %broadcast_in_dim3A_821) -> (vector<16xf32>, vector<16xf32>)  : i32 {
      %add3A_1157 = arith.constant 1000 : i32
      %add3A_1158 = arith.addi %add3A_1157, %scan3A_1154 : i32
      %get3A = arith.index_cast %add3A_1158 : i32 to index
      %get3A_1159 = arith.constant 0 : index
      %get3A_1160 = tpu.vector_load %arg6[%get3A, %get3A_1159] {strides = array<i32>} : memref<1664x32xf32, #tpu.memory_space<vmem>>, vector<1x16xf32>,
      %get3A_1161 = vector.shape_cast %get3A_1160 : vector<1x16xf32> to vector<16xf32>
      %add3A_1162 = arith.addf %scan3A_1155, %get3A_1161 : vector<16xf32>
      %get3A_1163 = arith.index_cast %add3A_1158 : i32 to index
      %get3A_1164 = arith.constant 16 : index
      %get3A_1165 = tpu.vector_load %arg6[%get3A_1163, %get3A_1164] {strides = array<i32>} : memref<1664x32xf32, #tpu.memory_space<vmem>>, vector<1x16xf32>,
      %get3A_1166 = vector.shape_cast %get3A_1165 : vector<1x16xf32> to vector<16xf32>
      %add3A_1167 = arith.addf %scan3A_1156, %get3A_1166 : vector<16xf32>
      scf.yield %add3A_1162, %add3A_1167 : vector<16xf32>, vector<16xf32>
    }
    %scan3A_827 = arith.constant 50 : i32
    %mul3A_828 = arith.constant 2.000000e-02 : f32
    %mul3A_829 = vector.broadcast %mul3A_828 : f32 to vector<16xf32>
    %mul3A_830 = arith.mulf %scan3A_826#0, %mul3A_829 : vector<16xf32>
    %swap3A_831 = arith.constant 20 : i32
    %swap3A_832 = arith.index_cast %swap3A_831 : i32 to index
    %swap3A_833 = arith.constant 0 : index
    %swap3A_834 = tpu.vector_load %arg7[%swap3A_832, %swap3A_833] {strides = array<i32>} : memref<32x32xf32, #tpu.memory_space<vmem>>, vector<1x16xf32>,
    %swap3A_835 = vector.shape_cast %swap3A_834 : vector<1x16xf32> to vector<16xf32>
    %swap3A_836 = vector.shape_cast %mul3A_830 : vector<16xf32> to vector<1x16xf32>
    tpu.vector_store %arg7[%swap3A_832, %swap3A_833], %swap3A_836 {strides = array<i32>} : memref<32x32xf32, #tpu.memory_space<vmem>>, vector<1x16xf32>,
    %mul3A_837 = arith.constant 2.000000e-02 : f32
    %mul3A_838 = vector.broadcast %mul3A_837 : f32 to vector<16xf32>
    %mul3A_839 = arith.mulf %scan3A_826#1, %mul3A_838 : vector<16xf32>
    %swap3A_840 = arith.constant 20 : i32
    %swap3A_841 = arith.index_cast %swap3A_840 : i32 to index
    %swap3A_842 = arith.constant 16 : index
    %swap3A_843 = tpu.vector_load %arg7[%swap3A_841, %swap3A_842] {strides = array<i32>} : memref<32x32xf32, #tpu.memory_space<vmem>>, vector<1x16xf32>,
    %swap3A_844 = vector.shape_cast %swap3A_843 : vector<1x16xf32> to vector<16xf32>
    %swap3A_845 = vector.shape_cast %mul3A_839 : vector<16xf32> to vector<1x16xf32>
    tpu.vector_store %arg7[%swap3A_841, %swap3A_842], %swap3A_845 {strides = array<i32>} : memref<32x32xf32, #tpu.memory_space<vmem>>, vector<1x16xf32>,
    %broadcast_in_dim3A_846 = arith.constant 0.000000e+00 : f32
    %broadcast_in_dim3A_847 = vector.broadcast %broadcast_in_dim3A_846 : f32 to vector<16xf32>
    %broadcast_in_dim3A_848 = arith.constant 0.000000e+00 : f32
    %broadcast_in_dim3A_849 = vector.broadcast %broadcast_in_dim3A_848 : f32 to vector<16xf32>
    %scan3A_850 = arith.constant 0 : i32
    %scan3A_851 = arith.constant 50 : i32
    %scan3A_852 = arith.addi %scan3A_850, %scan3A_851 : i32
    %scan3A_853 = arith.constant 1 : i32
    %scan3A_854:2 = scf.for %scan3A_1154 = %scan3A_850 to %scan3A_852 step %scan3A_853 iter_args(%scan3A_1155 = %broadcast_in_dim3A_847, %scan3A_1156 = %broadcast_in_dim3A_849) -> (vector<16xf32>, vector<16xf32>)  : i32 {
      %add3A_1157 = arith.constant 1050 : i32
      %add3A_1158 = arith.addi %add3A_1157, %scan3A_1154 : i32
      %get3A = arith.index_cast %add3A_1158 : i32 to index
      %get3A_1159 = arith.constant 0 : index
      %get3A_1160 = tpu.vector_load %arg6[%get3A, %get3A_1159] {strides = array<i32>} : memref<1664x32xf32, #tpu.memory_space<vmem>>, vector<1x16xf32>,
      %get3A_1161 = vector.shape_cast %get3A_1160 : vector<1x16xf32> to vector<16xf32>
      %add3A_1162 = arith.addf %scan3A_1155, %get3A_1161 : vector<16xf32>
      %get3A_1163 = arith.index_cast %add3A_1158 : i32 to index
      %get3A_1164 = arith.constant 16 : index
      %get3A_1165 = tpu.vector_load %arg6[%get3A_1163, %get3A_1164] {strides = array<i32>} : memref<1664x32xf32, #tpu.memory_space<vmem>>, vector<1x16xf32>,
      %get3A_1166 = vector.shape_cast %get3A_1165 : vector<1x16xf32> to vector<16xf32>
      %add3A_1167 = arith.addf %scan3A_1156, %get3A_1166 : vector<16xf32>
      scf.yield %add3A_1162, %add3A_1167 : vector<16xf32>, vector<16xf32>
    }
    %scan3A_855 = arith.constant 50 : i32
    %mul3A_856 = arith.constant 2.000000e-02 : f32
    %mul3A_857 = vector.broadcast %mul3A_856 : f32 to vector<16xf32>
    %mul3A_858 = arith.mulf %scan3A_854#0, %mul3A_857 : vector<16xf32>
    %swap3A_859 = arith.constant 21 : i32
    %swap3A_860 = arith.index_cast %swap3A_859 : i32 to index
    %swap3A_861 = arith.constant 0 : index
    %swap3A_862 = tpu.vector_load %arg7[%swap3A_860, %swap3A_861] {strides = array<i32>} : memref<32x32xf32, #tpu.memory_space<vmem>>, vector<1x16xf32>,
    %swap3A_863 = vector.shape_cast %swap3A_862 : vector<1x16xf32> to vector<16xf32>
    %swap3A_864 = vector.shape_cast %mul3A_858 : vector<16xf32> to vector<1x16xf32>
    tpu.vector_store %arg7[%swap3A_860, %swap3A_861], %swap3A_864 {strides = array<i32>} : memref<32x32xf32, #tpu.memory_space<vmem>>, vector<1x16xf32>,
    %mul3A_865 = arith.constant 2.000000e-02 : f32
    %mul3A_866 = vector.broadcast %mul3A_865 : f32 to vector<16xf32>
    %mul3A_867 = arith.mulf %scan3A_854#1, %mul3A_866 : vector<16xf32>
    %swap3A_868 = arith.constant 21 : i32
    %swap3A_869 = arith.index_cast %swap3A_868 : i32 to index
    %swap3A_870 = arith.constant 16 : index
    %swap3A_871 = tpu.vector_load %arg7[%swap3A_869, %swap3A_870] {strides = array<i32>} : memref<32x32xf32, #tpu.memory_space<vmem>>, vector<1x16xf32>,
    %swap3A_872 = vector.shape_cast %swap3A_871 : vector<1x16xf32> to vector<16xf32>
    %swap3A_873 = vector.shape_cast %mul3A_867 : vector<16xf32> to vector<1x16xf32>
    tpu.vector_store %arg7[%swap3A_869, %swap3A_870], %swap3A_873 {strides = array<i32>} : memref<32x32xf32, #tpu.memory_space<vmem>>, vector<1x16xf32>,
    %broadcast_in_dim3A_874 = arith.constant 0.000000e+00 : f32
    %broadcast_in_dim3A_875 = vector.broadcast %broadcast_in_dim3A_874 : f32 to vector<16xf32>
    %broadcast_in_dim3A_876 = arith.constant 0.000000e+00 : f32
    %broadcast_in_dim3A_877 = vector.broadcast %broadcast_in_dim3A_876 : f32 to vector<16xf32>
    %scan3A_878 = arith.constant 0 : i32
    %scan3A_879 = arith.constant 50 : i32
    %scan3A_880 = arith.addi %scan3A_878, %scan3A_879 : i32
    %scan3A_881 = arith.constant 1 : i32
    %scan3A_882:2 = scf.for %scan3A_1154 = %scan3A_878 to %scan3A_880 step %scan3A_881 iter_args(%scan3A_1155 = %broadcast_in_dim3A_875, %scan3A_1156 = %broadcast_in_dim3A_877) -> (vector<16xf32>, vector<16xf32>)  : i32 {
      %add3A_1157 = arith.constant 1100 : i32
      %add3A_1158 = arith.addi %add3A_1157, %scan3A_1154 : i32
      %get3A = arith.index_cast %add3A_1158 : i32 to index
      %get3A_1159 = arith.constant 0 : index
      %get3A_1160 = tpu.vector_load %arg6[%get3A, %get3A_1159] {strides = array<i32>} : memref<1664x32xf32, #tpu.memory_space<vmem>>, vector<1x16xf32>,
      %get3A_1161 = vector.shape_cast %get3A_1160 : vector<1x16xf32> to vector<16xf32>
      %add3A_1162 = arith.addf %scan3A_1155, %get3A_1161 : vector<16xf32>
      %get3A_1163 = arith.index_cast %add3A_1158 : i32 to index
      %get3A_1164 = arith.constant 16 : index
      %get3A_1165 = tpu.vector_load %arg6[%get3A_1163, %get3A_1164] {strides = array<i32>} : memref<1664x32xf32, #tpu.memory_space<vmem>>, vector<1x16xf32>,
      %get3A_1166 = vector.shape_cast %get3A_1165 : vector<1x16xf32> to vector<16xf32>
      %add3A_1167 = arith.addf %scan3A_1156, %get3A_1166 : vector<16xf32>
      scf.yield %add3A_1162, %add3A_1167 : vector<16xf32>, vector<16xf32>
    }
    %scan3A_883 = arith.constant 50 : i32
    %mul3A_884 = arith.constant 2.000000e-02 : f32
    %mul3A_885 = vector.broadcast %mul3A_884 : f32 to vector<16xf32>
    %mul3A_886 = arith.mulf %scan3A_882#0, %mul3A_885 : vector<16xf32>
    %swap3A_887 = arith.constant 22 : i32
    %swap3A_888 = arith.index_cast %swap3A_887 : i32 to index
    %swap3A_889 = arith.constant 0 : index
    %swap3A_890 = tpu.vector_load %arg7[%swap3A_888, %swap3A_889] {strides = array<i32>} : memref<32x32xf32, #tpu.memory_space<vmem>>, vector<1x16xf32>,
    %swap3A_891 = vector.shape_cast %swap3A_890 : vector<1x16xf32> to vector<16xf32>
    %swap3A_892 = vector.shape_cast %mul3A_886 : vector<16xf32> to vector<1x16xf32>
    tpu.vector_store %arg7[%swap3A_888, %swap3A_889], %swap3A_892 {strides = array<i32>} : memref<32x32xf32, #tpu.memory_space<vmem>>, vector<1x16xf32>,
    %mul3A_893 = arith.constant 2.000000e-02 : f32
    %mul3A_894 = vector.broadcast %mul3A_893 : f32 to vector<16xf32>
    %mul3A_895 = arith.mulf %scan3A_882#1, %mul3A_894 : vector<16xf32>
    %swap3A_896 = arith.constant 22 : i32
    %swap3A_897 = arith.index_cast %swap3A_896 : i32 to index
    %swap3A_898 = arith.constant 16 : index
    %swap3A_899 = tpu.vector_load %arg7[%swap3A_897, %swap3A_898] {strides = array<i32>} : memref<32x32xf32, #tpu.memory_space<vmem>>, vector<1x16xf32>,
    %swap3A_900 = vector.shape_cast %swap3A_899 : vector<1x16xf32> to vector<16xf32>
    %swap3A_901 = vector.shape_cast %mul3A_895 : vector<16xf32> to vector<1x16xf32>
    tpu.vector_store %arg7[%swap3A_897, %swap3A_898], %swap3A_901 {strides = array<i32>} : memref<32x32xf32, #tpu.memory_space<vmem>>, vector<1x16xf32>,
    %broadcast_in_dim3A_902 = arith.constant 0.000000e+00 : f32
    %broadcast_in_dim3A_903 = vector.broadcast %broadcast_in_dim3A_902 : f32 to vector<16xf32>
    %broadcast_in_dim3A_904 = arith.constant 0.000000e+00 : f32
    %broadcast_in_dim3A_905 = vector.broadcast %broadcast_in_dim3A_904 : f32 to vector<16xf32>
    %scan3A_906 = arith.constant 0 : i32
    %scan3A_907 = arith.constant 50 : i32
    %scan3A_908 = arith.addi %scan3A_906, %scan3A_907 : i32
    %scan3A_909 = arith.constant 1 : i32
    %scan3A_910:2 = scf.for %scan3A_1154 = %scan3A_906 to %scan3A_908 step %scan3A_909 iter_args(%scan3A_1155 = %broadcast_in_dim3A_903, %scan3A_1156 = %broadcast_in_dim3A_905) -> (vector<16xf32>, vector<16xf32>)  : i32 {
      %add3A_1157 = arith.constant 1150 : i32
      %add3A_1158 = arith.addi %add3A_1157, %scan3A_1154 : i32
      %get3A = arith.index_cast %add3A_1158 : i32 to index
      %get3A_1159 = arith.constant 0 : index
      %get3A_1160 = tpu.vector_load %arg6[%get3A, %get3A_1159] {strides = array<i32>} : memref<1664x32xf32, #tpu.memory_space<vmem>>, vector<1x16xf32>,
      %get3A_1161 = vector.shape_cast %get3A_1160 : vector<1x16xf32> to vector<16xf32>
      %add3A_1162 = arith.addf %scan3A_1155, %get3A_1161 : vector<16xf32>
      %get3A_1163 = arith.index_cast %add3A_1158 : i32 to index
      %get3A_1164 = arith.constant 16 : index
      %get3A_1165 = tpu.vector_load %arg6[%get3A_1163, %get3A_1164] {strides = array<i32>} : memref<1664x32xf32, #tpu.memory_space<vmem>>, vector<1x16xf32>,
      %get3A_1166 = vector.shape_cast %get3A_1165 : vector<1x16xf32> to vector<16xf32>
      %add3A_1167 = arith.addf %scan3A_1156, %get3A_1166 : vector<16xf32>
      scf.yield %add3A_1162, %add3A_1167 : vector<16xf32>, vector<16xf32>
    }
    %scan3A_911 = arith.constant 50 : i32
    %mul3A_912 = arith.constant 2.000000e-02 : f32
    %mul3A_913 = vector.broadcast %mul3A_912 : f32 to vector<16xf32>
    %mul3A_914 = arith.mulf %scan3A_910#0, %mul3A_913 : vector<16xf32>
    %swap3A_915 = arith.constant 23 : i32
    %swap3A_916 = arith.index_cast %swap3A_915 : i32 to index
    %swap3A_917 = arith.constant 0 : index
    %swap3A_918 = tpu.vector_load %arg7[%swap3A_916, %swap3A_917] {strides = array<i32>} : memref<32x32xf32, #tpu.memory_space<vmem>>, vector<1x16xf32>,
    %swap3A_919 = vector.shape_cast %swap3A_918 : vector<1x16xf32> to vector<16xf32>
    %swap3A_920 = vector.shape_cast %mul3A_914 : vector<16xf32> to vector<1x16xf32>
    tpu.vector_store %arg7[%swap3A_916, %swap3A_917], %swap3A_920 {strides = array<i32>} : memref<32x32xf32, #tpu.memory_space<vmem>>, vector<1x16xf32>,
    %mul3A_921 = arith.constant 2.000000e-02 : f32
    %mul3A_922 = vector.broadcast %mul3A_921 : f32 to vector<16xf32>
    %mul3A_923 = arith.mulf %scan3A_910#1, %mul3A_922 : vector<16xf32>
    %swap3A_924 = arith.constant 23 : i32
    %swap3A_925 = arith.index_cast %swap3A_924 : i32 to index
    %swap3A_926 = arith.constant 16 : index
    %swap3A_927 = tpu.vector_load %arg7[%swap3A_925, %swap3A_926] {strides = array<i32>} : memref<32x32xf32, #tpu.memory_space<vmem>>, vector<1x16xf32>,
    %swap3A_928 = vector.shape_cast %swap3A_927 : vector<1x16xf32> to vector<16xf32>
    %swap3A_929 = vector.shape_cast %mul3A_923 : vector<16xf32> to vector<1x16xf32>
    tpu.vector_store %arg7[%swap3A_925, %swap3A_926], %swap3A_929 {strides = array<i32>} : memref<32x32xf32, #tpu.memory_space<vmem>>, vector<1x16xf32>,
    %broadcast_in_dim3A_930 = arith.constant 0.000000e+00 : f32
    %broadcast_in_dim3A_931 = vector.broadcast %broadcast_in_dim3A_930 : f32 to vector<16xf32>
    %broadcast_in_dim3A_932 = arith.constant 0.000000e+00 : f32
    %broadcast_in_dim3A_933 = vector.broadcast %broadcast_in_dim3A_932 : f32 to vector<16xf32>
    %scan3A_934 = arith.constant 0 : i32
    %scan3A_935 = arith.constant 50 : i32
    %scan3A_936 = arith.addi %scan3A_934, %scan3A_935 : i32
    %scan3A_937 = arith.constant 1 : i32
    %scan3A_938:2 = scf.for %scan3A_1154 = %scan3A_934 to %scan3A_936 step %scan3A_937 iter_args(%scan3A_1155 = %broadcast_in_dim3A_931, %scan3A_1156 = %broadcast_in_dim3A_933) -> (vector<16xf32>, vector<16xf32>)  : i32 {
      %add3A_1157 = arith.constant 1200 : i32
      %add3A_1158 = arith.addi %add3A_1157, %scan3A_1154 : i32
      %get3A = arith.index_cast %add3A_1158 : i32 to index
      %get3A_1159 = arith.constant 0 : index
      %get3A_1160 = tpu.vector_load %arg6[%get3A, %get3A_1159] {strides = array<i32>} : memref<1664x32xf32, #tpu.memory_space<vmem>>, vector<1x16xf32>,
      %get3A_1161 = vector.shape_cast %get3A_1160 : vector<1x16xf32> to vector<16xf32>
      %add3A_1162 = arith.addf %scan3A_1155, %get3A_1161 : vector<16xf32>
      %get3A_1163 = arith.index_cast %add3A_1158 : i32 to index
      %get3A_1164 = arith.constant 16 : index
      %get3A_1165 = tpu.vector_load %arg6[%get3A_1163, %get3A_1164] {strides = array<i32>} : memref<1664x32xf32, #tpu.memory_space<vmem>>, vector<1x16xf32>,
      %get3A_1166 = vector.shape_cast %get3A_1165 : vector<1x16xf32> to vector<16xf32>
      %add3A_1167 = arith.addf %scan3A_1156, %get3A_1166 : vector<16xf32>
      scf.yield %add3A_1162, %add3A_1167 : vector<16xf32>, vector<16xf32>
    }
    %scan3A_939 = arith.constant 50 : i32
    %mul3A_940 = arith.constant 2.000000e-02 : f32
    %mul3A_941 = vector.broadcast %mul3A_940 : f32 to vector<16xf32>
    %mul3A_942 = arith.mulf %scan3A_938#0, %mul3A_941 : vector<16xf32>
    %swap3A_943 = arith.constant 24 : i32
    %swap3A_944 = arith.index_cast %swap3A_943 : i32 to index
    %swap3A_945 = arith.constant 0 : index
    %swap3A_946 = tpu.vector_load %arg7[%swap3A_944, %swap3A_945] {strides = array<i32>} : memref<32x32xf32, #tpu.memory_space<vmem>>, vector<1x16xf32>,
    %swap3A_947 = vector.shape_cast %swap3A_946 : vector<1x16xf32> to vector<16xf32>
    %swap3A_948 = vector.shape_cast %mul3A_942 : vector<16xf32> to vector<1x16xf32>
    tpu.vector_store %arg7[%swap3A_944, %swap3A_945], %swap3A_948 {strides = array<i32>} : memref<32x32xf32, #tpu.memory_space<vmem>>, vector<1x16xf32>,
    %mul3A_949 = arith.constant 2.000000e-02 : f32
    %mul3A_950 = vector.broadcast %mul3A_949 : f32 to vector<16xf32>
    %mul3A_951 = arith.mulf %scan3A_938#1, %mul3A_950 : vector<16xf32>
    %swap3A_952 = arith.constant 24 : i32
    %swap3A_953 = arith.index_cast %swap3A_952 : i32 to index
    %swap3A_954 = arith.constant 16 : index
    %swap3A_955 = tpu.vector_load %arg7[%swap3A_953, %swap3A_954] {strides = array<i32>} : memref<32x32xf32, #tpu.memory_space<vmem>>, vector<1x16xf32>,
    %swap3A_956 = vector.shape_cast %swap3A_955 : vector<1x16xf32> to vector<16xf32>
    %swap3A_957 = vector.shape_cast %mul3A_951 : vector<16xf32> to vector<1x16xf32>
    tpu.vector_store %arg7[%swap3A_953, %swap3A_954], %swap3A_957 {strides = array<i32>} : memref<32x32xf32, #tpu.memory_space<vmem>>, vector<1x16xf32>,
    %broadcast_in_dim3A_958 = arith.constant 0.000000e+00 : f32
    %broadcast_in_dim3A_959 = vector.broadcast %broadcast_in_dim3A_958 : f32 to vector<16xf32>
    %broadcast_in_dim3A_960 = arith.constant 0.000000e+00 : f32
    %broadcast_in_dim3A_961 = vector.broadcast %broadcast_in_dim3A_960 : f32 to vector<16xf32>
    %scan3A_962 = arith.constant 0 : i32
    %scan3A_963 = arith.constant 50 : i32
    %scan3A_964 = arith.addi %scan3A_962, %scan3A_963 : i32
    %scan3A_965 = arith.constant 1 : i32
    %scan3A_966:2 = scf.for %scan3A_1154 = %scan3A_962 to %scan3A_964 step %scan3A_965 iter_args(%scan3A_1155 = %broadcast_in_dim3A_959, %scan3A_1156 = %broadcast_in_dim3A_961) -> (vector<16xf32>, vector<16xf32>)  : i32 {
      %add3A_1157 = arith.constant 1250 : i32
      %add3A_1158 = arith.addi %add3A_1157, %scan3A_1154 : i32
      %get3A = arith.index_cast %add3A_1158 : i32 to index
      %get3A_1159 = arith.constant 0 : index
      %get3A_1160 = tpu.vector_load %arg6[%get3A, %get3A_1159] {strides = array<i32>} : memref<1664x32xf32, #tpu.memory_space<vmem>>, vector<1x16xf32>,
      %get3A_1161 = vector.shape_cast %get3A_1160 : vector<1x16xf32> to vector<16xf32>
      %add3A_1162 = arith.addf %scan3A_1155, %get3A_1161 : vector<16xf32>
      %get3A_1163 = arith.index_cast %add3A_1158 : i32 to index
      %get3A_1164 = arith.constant 16 : index
      %get3A_1165 = tpu.vector_load %arg6[%get3A_1163, %get3A_1164] {strides = array<i32>} : memref<1664x32xf32, #tpu.memory_space<vmem>>, vector<1x16xf32>,
      %get3A_1166 = vector.shape_cast %get3A_1165 : vector<1x16xf32> to vector<16xf32>
      %add3A_1167 = arith.addf %scan3A_1156, %get3A_1166 : vector<16xf32>
      scf.yield %add3A_1162, %add3A_1167 : vector<16xf32>, vector<16xf32>
    }
    %scan3A_967 = arith.constant 50 : i32
    %mul3A_968 = arith.constant 2.000000e-02 : f32
    %mul3A_969 = vector.broadcast %mul3A_968 : f32 to vector<16xf32>
    %mul3A_970 = arith.mulf %scan3A_966#0, %mul3A_969 : vector<16xf32>
    %swap3A_971 = arith.constant 25 : i32
    %swap3A_972 = arith.index_cast %swap3A_971 : i32 to index
    %swap3A_973 = arith.constant 0 : index
    %swap3A_974 = tpu.vector_load %arg7[%swap3A_972, %swap3A_973] {strides = array<i32>} : memref<32x32xf32, #tpu.memory_space<vmem>>, vector<1x16xf32>,
    %swap3A_975 = vector.shape_cast %swap3A_974 : vector<1x16xf32> to vector<16xf32>
    %swap3A_976 = vector.shape_cast %mul3A_970 : vector<16xf32> to vector<1x16xf32>
    tpu.vector_store %arg7[%swap3A_972, %swap3A_973], %swap3A_976 {strides = array<i32>} : memref<32x32xf32, #tpu.memory_space<vmem>>, vector<1x16xf32>,
    %mul3A_977 = arith.constant 2.000000e-02 : f32
    %mul3A_978 = vector.broadcast %mul3A_977 : f32 to vector<16xf32>
    %mul3A_979 = arith.mulf %scan3A_966#1, %mul3A_978 : vector<16xf32>
    %swap3A_980 = arith.constant 25 : i32
    %swap3A_981 = arith.index_cast %swap3A_980 : i32 to index
    %swap3A_982 = arith.constant 16 : index
    %swap3A_983 = tpu.vector_load %arg7[%swap3A_981, %swap3A_982] {strides = array<i32>} : memref<32x32xf32, #tpu.memory_space<vmem>>, vector<1x16xf32>,
    %swap3A_984 = vector.shape_cast %swap3A_983 : vector<1x16xf32> to vector<16xf32>
    %swap3A_985 = vector.shape_cast %mul3A_979 : vector<16xf32> to vector<1x16xf32>
    tpu.vector_store %arg7[%swap3A_981, %swap3A_982], %swap3A_985 {strides = array<i32>} : memref<32x32xf32, #tpu.memory_space<vmem>>, vector<1x16xf32>,
    %broadcast_in_dim3A_986 = arith.constant 0.000000e+00 : f32
    %broadcast_in_dim3A_987 = vector.broadcast %broadcast_in_dim3A_986 : f32 to vector<16xf32>
    %broadcast_in_dim3A_988 = arith.constant 0.000000e+00 : f32
    %broadcast_in_dim3A_989 = vector.broadcast %broadcast_in_dim3A_988 : f32 to vector<16xf32>
    %scan3A_990 = arith.constant 0 : i32
    %scan3A_991 = arith.constant 50 : i32
    %scan3A_992 = arith.addi %scan3A_990, %scan3A_991 : i32
    %scan3A_993 = arith.constant 1 : i32
    %scan3A_994:2 = scf.for %scan3A_1154 = %scan3A_990 to %scan3A_992 step %scan3A_993 iter_args(%scan3A_1155 = %broadcast_in_dim3A_987, %scan3A_1156 = %broadcast_in_dim3A_989) -> (vector<16xf32>, vector<16xf32>)  : i32 {
      %add3A_1157 = arith.constant 1300 : i32
      %add3A_1158 = arith.addi %add3A_1157, %scan3A_1154 : i32
      %get3A = arith.index_cast %add3A_1158 : i32 to index
      %get3A_1159 = arith.constant 0 : index
      %get3A_1160 = tpu.vector_load %arg6[%get3A, %get3A_1159] {strides = array<i32>} : memref<1664x32xf32, #tpu.memory_space<vmem>>, vector<1x16xf32>,
      %get3A_1161 = vector.shape_cast %get3A_1160 : vector<1x16xf32> to vector<16xf32>
      %add3A_1162 = arith.addf %scan3A_1155, %get3A_1161 : vector<16xf32>
      %get3A_1163 = arith.index_cast %add3A_1158 : i32 to index
      %get3A_1164 = arith.constant 16 : index
      %get3A_1165 = tpu.vector_load %arg6[%get3A_1163, %get3A_1164] {strides = array<i32>} : memref<1664x32xf32, #tpu.memory_space<vmem>>, vector<1x16xf32>,
      %get3A_1166 = vector.shape_cast %get3A_1165 : vector<1x16xf32> to vector<16xf32>
      %add3A_1167 = arith.addf %scan3A_1156, %get3A_1166 : vector<16xf32>
      scf.yield %add3A_1162, %add3A_1167 : vector<16xf32>, vector<16xf32>
    }
    %scan3A_995 = arith.constant 50 : i32
    %mul3A_996 = arith.constant 2.000000e-02 : f32
    %mul3A_997 = vector.broadcast %mul3A_996 : f32 to vector<16xf32>
    %mul3A_998 = arith.mulf %scan3A_994#0, %mul3A_997 : vector<16xf32>
    %swap3A_999 = arith.constant 26 : i32
    %swap3A_1000 = arith.index_cast %swap3A_999 : i32 to index
    %swap3A_1001 = arith.constant 0 : index
    %swap3A_1002 = tpu.vector_load %arg7[%swap3A_1000, %swap3A_1001] {strides = array<i32>} : memref<32x32xf32, #tpu.memory_space<vmem>>, vector<1x16xf32>,
    %swap3A_1003 = vector.shape_cast %swap3A_1002 : vector<1x16xf32> to vector<16xf32>
    %swap3A_1004 = vector.shape_cast %mul3A_998 : vector<16xf32> to vector<1x16xf32>
    tpu.vector_store %arg7[%swap3A_1000, %swap3A_1001], %swap3A_1004 {strides = array<i32>} : memref<32x32xf32, #tpu.memory_space<vmem>>, vector<1x16xf32>,
    %mul3A_1005 = arith.constant 2.000000e-02 : f32
    %mul3A_1006 = vector.broadcast %mul3A_1005 : f32 to vector<16xf32>
    %mul3A_1007 = arith.mulf %scan3A_994#1, %mul3A_1006 : vector<16xf32>
    %swap3A_1008 = arith.constant 26 : i32
    %swap3A_1009 = arith.index_cast %swap3A_1008 : i32 to index
    %swap3A_1010 = arith.constant 16 : index
    %swap3A_1011 = tpu.vector_load %arg7[%swap3A_1009, %swap3A_1010] {strides = array<i32>} : memref<32x32xf32, #tpu.memory_space<vmem>>, vector<1x16xf32>,
    %swap3A_1012 = vector.shape_cast %swap3A_1011 : vector<1x16xf32> to vector<16xf32>
    %swap3A_1013 = vector.shape_cast %mul3A_1007 : vector<16xf32> to vector<1x16xf32>
    tpu.vector_store %arg7[%swap3A_1009, %swap3A_1010], %swap3A_1013 {strides = array<i32>} : memref<32x32xf32, #tpu.memory_space<vmem>>, vector<1x16xf32>,
    %broadcast_in_dim3A_1014 = arith.constant 0.000000e+00 : f32
    %broadcast_in_dim3A_1015 = vector.broadcast %broadcast_in_dim3A_1014 : f32 to vector<16xf32>
    %broadcast_in_dim3A_1016 = arith.constant 0.000000e+00 : f32
    %broadcast_in_dim3A_1017 = vector.broadcast %broadcast_in_dim3A_1016 : f32 to vector<16xf32>
    %scan3A_1018 = arith.constant 0 : i32
    %scan3A_1019 = arith.constant 50 : i32
    %scan3A_1020 = arith.addi %scan3A_1018, %scan3A_1019 : i32
    %scan3A_1021 = arith.constant 1 : i32
    %scan3A_1022:2 = scf.for %scan3A_1154 = %scan3A_1018 to %scan3A_1020 step %scan3A_1021 iter_args(%scan3A_1155 = %broadcast_in_dim3A_1015, %scan3A_1156 = %broadcast_in_dim3A_1017) -> (vector<16xf32>, vector<16xf32>)  : i32 {
      %add3A_1157 = arith.constant 1350 : i32
      %add3A_1158 = arith.addi %add3A_1157, %scan3A_1154 : i32
      %get3A = arith.index_cast %add3A_1158 : i32 to index
      %get3A_1159 = arith.constant 0 : index
      %get3A_1160 = tpu.vector_load %arg6[%get3A, %get3A_1159] {strides = array<i32>} : memref<1664x32xf32, #tpu.memory_space<vmem>>, vector<1x16xf32>,
      %get3A_1161 = vector.shape_cast %get3A_1160 : vector<1x16xf32> to vector<16xf32>
      %add3A_1162 = arith.addf %scan3A_1155, %get3A_1161 : vector<16xf32>
      %get3A_1163 = arith.index_cast %add3A_1158 : i32 to index
      %get3A_1164 = arith.constant 16 : index
      %get3A_1165 = tpu.vector_load %arg6[%get3A_1163, %get3A_1164] {strides = array<i32>} : memref<1664x32xf32, #tpu.memory_space<vmem>>, vector<1x16xf32>,
      %get3A_1166 = vector.shape_cast %get3A_1165 : vector<1x16xf32> to vector<16xf32>
      %add3A_1167 = arith.addf %scan3A_1156, %get3A_1166 : vector<16xf32>
      scf.yield %add3A_1162, %add3A_1167 : vector<16xf32>, vector<16xf32>
    }
    %scan3A_1023 = arith.constant 50 : i32
    %mul3A_1024 = arith.constant 2.000000e-02 : f32
    %mul3A_1025 = vector.broadcast %mul3A_1024 : f32 to vector<16xf32>
    %mul3A_1026 = arith.mulf %scan3A_1022#0, %mul3A_1025 : vector<16xf32>
    %swap3A_1027 = arith.constant 27 : i32
    %swap3A_1028 = arith.index_cast %swap3A_1027 : i32 to index
    %swap3A_1029 = arith.constant 0 : index
    %swap3A_1030 = tpu.vector_load %arg7[%swap3A_1028, %swap3A_1029] {strides = array<i32>} : memref<32x32xf32, #tpu.memory_space<vmem>>, vector<1x16xf32>,
    %swap3A_1031 = vector.shape_cast %swap3A_1030 : vector<1x16xf32> to vector<16xf32>
    %swap3A_1032 = vector.shape_cast %mul3A_1026 : vector<16xf32> to vector<1x16xf32>
    tpu.vector_store %arg7[%swap3A_1028, %swap3A_1029], %swap3A_1032 {strides = array<i32>} : memref<32x32xf32, #tpu.memory_space<vmem>>, vector<1x16xf32>,
    %mul3A_1033 = arith.constant 2.000000e-02 : f32
    %mul3A_1034 = vector.broadcast %mul3A_1033 : f32 to vector<16xf32>
    %mul3A_1035 = arith.mulf %scan3A_1022#1, %mul3A_1034 : vector<16xf32>
    %swap3A_1036 = arith.constant 27 : i32
    %swap3A_1037 = arith.index_cast %swap3A_1036 : i32 to index
    %swap3A_1038 = arith.constant 16 : index
    %swap3A_1039 = tpu.vector_load %arg7[%swap3A_1037, %swap3A_1038] {strides = array<i32>} : memref<32x32xf32, #tpu.memory_space<vmem>>, vector<1x16xf32>,
    %swap3A_1040 = vector.shape_cast %swap3A_1039 : vector<1x16xf32> to vector<16xf32>
    %swap3A_1041 = vector.shape_cast %mul3A_1035 : vector<16xf32> to vector<1x16xf32>
    tpu.vector_store %arg7[%swap3A_1037, %swap3A_1038], %swap3A_1041 {strides = array<i32>} : memref<32x32xf32, #tpu.memory_space<vmem>>, vector<1x16xf32>,
    %broadcast_in_dim3A_1042 = arith.constant 0.000000e+00 : f32
    %broadcast_in_dim3A_1043 = vector.broadcast %broadcast_in_dim3A_1042 : f32 to vector<16xf32>
    %broadcast_in_dim3A_1044 = arith.constant 0.000000e+00 : f32
    %broadcast_in_dim3A_1045 = vector.broadcast %broadcast_in_dim3A_1044 : f32 to vector<16xf32>
    %scan3A_1046 = arith.constant 0 : i32
    %scan3A_1047 = arith.constant 50 : i32
    %scan3A_1048 = arith.addi %scan3A_1046, %scan3A_1047 : i32
    %scan3A_1049 = arith.constant 1 : i32
    %scan3A_1050:2 = scf.for %scan3A_1154 = %scan3A_1046 to %scan3A_1048 step %scan3A_1049 iter_args(%scan3A_1155 = %broadcast_in_dim3A_1043, %scan3A_1156 = %broadcast_in_dim3A_1045) -> (vector<16xf32>, vector<16xf32>)  : i32 {
      %add3A_1157 = arith.constant 1400 : i32
      %add3A_1158 = arith.addi %add3A_1157, %scan3A_1154 : i32
      %get3A = arith.index_cast %add3A_1158 : i32 to index
      %get3A_1159 = arith.constant 0 : index
      %get3A_1160 = tpu.vector_load %arg6[%get3A, %get3A_1159] {strides = array<i32>} : memref<1664x32xf32, #tpu.memory_space<vmem>>, vector<1x16xf32>,
      %get3A_1161 = vector.shape_cast %get3A_1160 : vector<1x16xf32> to vector<16xf32>
      %add3A_1162 = arith.addf %scan3A_1155, %get3A_1161 : vector<16xf32>
      %get3A_1163 = arith.index_cast %add3A_1158 : i32 to index
      %get3A_1164 = arith.constant 16 : index
      %get3A_1165 = tpu.vector_load %arg6[%get3A_1163, %get3A_1164] {strides = array<i32>} : memref<1664x32xf32, #tpu.memory_space<vmem>>, vector<1x16xf32>,
      %get3A_1166 = vector.shape_cast %get3A_1165 : vector<1x16xf32> to vector<16xf32>
      %add3A_1167 = arith.addf %scan3A_1156, %get3A_1166 : vector<16xf32>
      scf.yield %add3A_1162, %add3A_1167 : vector<16xf32>, vector<16xf32>
    }
    %scan3A_1051 = arith.constant 50 : i32
    %mul3A_1052 = arith.constant 2.000000e-02 : f32
    %mul3A_1053 = vector.broadcast %mul3A_1052 : f32 to vector<16xf32>
    %mul3A_1054 = arith.mulf %scan3A_1050#0, %mul3A_1053 : vector<16xf32>
    %swap3A_1055 = arith.constant 28 : i32
    %swap3A_1056 = arith.index_cast %swap3A_1055 : i32 to index
    %swap3A_1057 = arith.constant 0 : index
    %swap3A_1058 = tpu.vector_load %arg7[%swap3A_1056, %swap3A_1057] {strides = array<i32>} : memref<32x32xf32, #tpu.memory_space<vmem>>, vector<1x16xf32>,
    %swap3A_1059 = vector.shape_cast %swap3A_1058 : vector<1x16xf32> to vector<16xf32>
    %swap3A_1060 = vector.shape_cast %mul3A_1054 : vector<16xf32> to vector<1x16xf32>
    tpu.vector_store %arg7[%swap3A_1056, %swap3A_1057], %swap3A_1060 {strides = array<i32>} : memref<32x32xf32, #tpu.memory_space<vmem>>, vector<1x16xf32>,
    %mul3A_1061 = arith.constant 2.000000e-02 : f32
    %mul3A_1062 = vector.broadcast %mul3A_1061 : f32 to vector<16xf32>
    %mul3A_1063 = arith.mulf %scan3A_1050#1, %mul3A_1062 : vector<16xf32>
    %swap3A_1064 = arith.constant 28 : i32
    %swap3A_1065 = arith.index_cast %swap3A_1064 : i32 to index
    %swap3A_1066 = arith.constant 16 : index
    %swap3A_1067 = tpu.vector_load %arg7[%swap3A_1065, %swap3A_1066] {strides = array<i32>} : memref<32x32xf32, #tpu.memory_space<vmem>>, vector<1x16xf32>,
    %swap3A_1068 = vector.shape_cast %swap3A_1067 : vector<1x16xf32> to vector<16xf32>
    %swap3A_1069 = vector.shape_cast %mul3A_1063 : vector<16xf32> to vector<1x16xf32>
    tpu.vector_store %arg7[%swap3A_1065, %swap3A_1066], %swap3A_1069 {strides = array<i32>} : memref<32x32xf32, #tpu.memory_space<vmem>>, vector<1x16xf32>,
    %broadcast_in_dim3A_1070 = arith.constant 0.000000e+00 : f32
    %broadcast_in_dim3A_1071 = vector.broadcast %broadcast_in_dim3A_1070 : f32 to vector<16xf32>
    %broadcast_in_dim3A_1072 = arith.constant 0.000000e+00 : f32
    %broadcast_in_dim3A_1073 = vector.broadcast %broadcast_in_dim3A_1072 : f32 to vector<16xf32>
    %scan3A_1074 = arith.constant 0 : i32
    %scan3A_1075 = arith.constant 50 : i32
    %scan3A_1076 = arith.addi %scan3A_1074, %scan3A_1075 : i32
    %scan3A_1077 = arith.constant 1 : i32
    %scan3A_1078:2 = scf.for %scan3A_1154 = %scan3A_1074 to %scan3A_1076 step %scan3A_1077 iter_args(%scan3A_1155 = %broadcast_in_dim3A_1071, %scan3A_1156 = %broadcast_in_dim3A_1073) -> (vector<16xf32>, vector<16xf32>)  : i32 {
      %add3A_1157 = arith.constant 1450 : i32
      %add3A_1158 = arith.addi %add3A_1157, %scan3A_1154 : i32
      %get3A = arith.index_cast %add3A_1158 : i32 to index
      %get3A_1159 = arith.constant 0 : index
      %get3A_1160 = tpu.vector_load %arg6[%get3A, %get3A_1159] {strides = array<i32>} : memref<1664x32xf32, #tpu.memory_space<vmem>>, vector<1x16xf32>,
      %get3A_1161 = vector.shape_cast %get3A_1160 : vector<1x16xf32> to vector<16xf32>
      %add3A_1162 = arith.addf %scan3A_1155, %get3A_1161 : vector<16xf32>
      %get3A_1163 = arith.index_cast %add3A_1158 : i32 to index
      %get3A_1164 = arith.constant 16 : index
      %get3A_1165 = tpu.vector_load %arg6[%get3A_1163, %get3A_1164] {strides = array<i32>} : memref<1664x32xf32, #tpu.memory_space<vmem>>, vector<1x16xf32>,
      %get3A_1166 = vector.shape_cast %get3A_1165 : vector<1x16xf32> to vector<16xf32>
      %add3A_1167 = arith.addf %scan3A_1156, %get3A_1166 : vector<16xf32>
      scf.yield %add3A_1162, %add3A_1167 : vector<16xf32>, vector<16xf32>
    }
    %scan3A_1079 = arith.constant 50 : i32
    %mul3A_1080 = arith.constant 2.000000e-02 : f32
    %mul3A_1081 = vector.broadcast %mul3A_1080 : f32 to vector<16xf32>
    %mul3A_1082 = arith.mulf %scan3A_1078#0, %mul3A_1081 : vector<16xf32>
    %swap3A_1083 = arith.constant 29 : i32
    %swap3A_1084 = arith.index_cast %swap3A_1083 : i32 to index
    %swap3A_1085 = arith.constant 0 : index
    %swap3A_1086 = tpu.vector_load %arg7[%swap3A_1084, %swap3A_1085] {strides = array<i32>} : memref<32x32xf32, #tpu.memory_space<vmem>>, vector<1x16xf32>,
    %swap3A_1087 = vector.shape_cast %swap3A_1086 : vector<1x16xf32> to vector<16xf32>
    %swap3A_1088 = vector.shape_cast %mul3A_1082 : vector<16xf32> to vector<1x16xf32>
    tpu.vector_store %arg7[%swap3A_1084, %swap3A_1085], %swap3A_1088 {strides = array<i32>} : memref<32x32xf32, #tpu.memory_space<vmem>>, vector<1x16xf32>,
    %mul3A_1089 = arith.constant 2.000000e-02 : f32
    %mul3A_1090 = vector.broadcast %mul3A_1089 : f32 to vector<16xf32>
    %mul3A_1091 = arith.mulf %scan3A_1078#1, %mul3A_1090 : vector<16xf32>
    %swap3A_1092 = arith.constant 29 : i32
    %swap3A_1093 = arith.index_cast %swap3A_1092 : i32 to index
    %swap3A_1094 = arith.constant 16 : index
    %swap3A_1095 = tpu.vector_load %arg7[%swap3A_1093, %swap3A_1094] {strides = array<i32>} : memref<32x32xf32, #tpu.memory_space<vmem>>, vector<1x16xf32>,
    %swap3A_1096 = vector.shape_cast %swap3A_1095 : vector<1x16xf32> to vector<16xf32>
    %swap3A_1097 = vector.shape_cast %mul3A_1091 : vector<16xf32> to vector<1x16xf32>
    tpu.vector_store %arg7[%swap3A_1093, %swap3A_1094], %swap3A_1097 {strides = array<i32>} : memref<32x32xf32, #tpu.memory_space<vmem>>, vector<1x16xf32>,
    %broadcast_in_dim3A_1098 = arith.constant 0.000000e+00 : f32
    %broadcast_in_dim3A_1099 = vector.broadcast %broadcast_in_dim3A_1098 : f32 to vector<16xf32>
    %broadcast_in_dim3A_1100 = arith.constant 0.000000e+00 : f32
    %broadcast_in_dim3A_1101 = vector.broadcast %broadcast_in_dim3A_1100 : f32 to vector<16xf32>
    %scan3A_1102 = arith.constant 0 : i32
    %scan3A_1103 = arith.constant 50 : i32
    %scan3A_1104 = arith.addi %scan3A_1102, %scan3A_1103 : i32
    %scan3A_1105 = arith.constant 1 : i32
    %scan3A_1106:2 = scf.for %scan3A_1154 = %scan3A_1102 to %scan3A_1104 step %scan3A_1105 iter_args(%scan3A_1155 = %broadcast_in_dim3A_1099, %scan3A_1156 = %broadcast_in_dim3A_1101) -> (vector<16xf32>, vector<16xf32>)  : i32 {
      %add3A_1157 = arith.constant 1500 : i32
      %add3A_1158 = arith.addi %add3A_1157, %scan3A_1154 : i32
      %get3A = arith.index_cast %add3A_1158 : i32 to index
      %get3A_1159 = arith.constant 0 : index
      %get3A_1160 = tpu.vector_load %arg6[%get3A, %get3A_1159] {strides = array<i32>} : memref<1664x32xf32, #tpu.memory_space<vmem>>, vector<1x16xf32>,
      %get3A_1161 = vector.shape_cast %get3A_1160 : vector<1x16xf32> to vector<16xf32>
      %add3A_1162 = arith.addf %scan3A_1155, %get3A_1161 : vector<16xf32>
      %get3A_1163 = arith.index_cast %add3A_1158 : i32 to index
      %get3A_1164 = arith.constant 16 : index
      %get3A_1165 = tpu.vector_load %arg6[%get3A_1163, %get3A_1164] {strides = array<i32>} : memref<1664x32xf32, #tpu.memory_space<vmem>>, vector<1x16xf32>,
      %get3A_1166 = vector.shape_cast %get3A_1165 : vector<1x16xf32> to vector<16xf32>
      %add3A_1167 = arith.addf %scan3A_1156, %get3A_1166 : vector<16xf32>
      scf.yield %add3A_1162, %add3A_1167 : vector<16xf32>, vector<16xf32>
    }
    %scan3A_1107 = arith.constant 50 : i32
    %mul3A_1108 = arith.constant 2.000000e-02 : f32
    %mul3A_1109 = vector.broadcast %mul3A_1108 : f32 to vector<16xf32>
    %mul3A_1110 = arith.mulf %scan3A_1106#0, %mul3A_1109 : vector<16xf32>
    %swap3A_1111 = arith.constant 30 : i32
    %swap3A_1112 = arith.index_cast %swap3A_1111 : i32 to index
    %swap3A_1113 = arith.constant 0 : index
    %swap3A_1114 = tpu.vector_load %arg7[%swap3A_1112, %swap3A_1113] {strides = array<i32>} : memref<32x32xf32, #tpu.memory_space<vmem>>, vector<1x16xf32>,
    %swap3A_1115 = vector.shape_cast %swap3A_1114 : vector<1x16xf32> to vector<16xf32>
    %swap3A_1116 = vector.shape_cast %mul3A_1110 : vector<16xf32> to vector<1x16xf32>
    tpu.vector_store %arg7[%swap3A_1112, %swap3A_1113], %swap3A_1116 {strides = array<i32>} : memref<32x32xf32, #tpu.memory_space<vmem>>, vector<1x16xf32>,
    %mul3A_1117 = arith.constant 2.000000e-02 : f32
    %mul3A_1118 = vector.broadcast %mul3A_1117 : f32 to vector<16xf32>
    %mul3A_1119 = arith.mulf %scan3A_1106#1, %mul3A_1118 : vector<16xf32>
    %swap3A_1120 = arith.constant 30 : i32
    %swap3A_1121 = arith.index_cast %swap3A_1120 : i32 to index
    %swap3A_1122 = arith.constant 16 : index
    %swap3A_1123 = tpu.vector_load %arg7[%swap3A_1121, %swap3A_1122] {strides = array<i32>} : memref<32x32xf32, #tpu.memory_space<vmem>>, vector<1x16xf32>,
    %swap3A_1124 = vector.shape_cast %swap3A_1123 : vector<1x16xf32> to vector<16xf32>
    %swap3A_1125 = vector.shape_cast %mul3A_1119 : vector<16xf32> to vector<1x16xf32>
    tpu.vector_store %arg7[%swap3A_1121, %swap3A_1122], %swap3A_1125 {strides = array<i32>} : memref<32x32xf32, #tpu.memory_space<vmem>>, vector<1x16xf32>,
    %broadcast_in_dim3A_1126 = arith.constant 0.000000e+00 : f32
    %broadcast_in_dim3A_1127 = vector.broadcast %broadcast_in_dim3A_1126 : f32 to vector<16xf32>
    %broadcast_in_dim3A_1128 = arith.constant 0.000000e+00 : f32
    %broadcast_in_dim3A_1129 = vector.broadcast %broadcast_in_dim3A_1128 : f32 to vector<16xf32>
    %scan3A_1130 = arith.constant 0 : i32
    %scan3A_1131 = arith.constant 50 : i32
    %scan3A_1132 = arith.addi %scan3A_1130, %scan3A_1131 : i32
    %scan3A_1133 = arith.constant 1 : i32
    %scan3A_1134:2 = scf.for %scan3A_1154 = %scan3A_1130 to %scan3A_1132 step %scan3A_1133 iter_args(%scan3A_1155 = %broadcast_in_dim3A_1127, %scan3A_1156 = %broadcast_in_dim3A_1129) -> (vector<16xf32>, vector<16xf32>)  : i32 {
      %add3A_1157 = arith.constant 1550 : i32
      %add3A_1158 = arith.addi %add3A_1157, %scan3A_1154 : i32
      %get3A = arith.index_cast %add3A_1158 : i32 to index
      %get3A_1159 = arith.constant 0 : index
      %get3A_1160 = tpu.vector_load %arg6[%get3A, %get3A_1159] {strides = array<i32>} : memref<1664x32xf32, #tpu.memory_space<vmem>>, vector<1x16xf32>,
      %get3A_1161 = vector.shape_cast %get3A_1160 : vector<1x16xf32> to vector<16xf32>
      %add3A_1162 = arith.addf %scan3A_1155, %get3A_1161 : vector<16xf32>
      %get3A_1163 = arith.index_cast %add3A_1158 : i32 to index
      %get3A_1164 = arith.constant 16 : index
      %get3A_1165 = tpu.vector_load %arg6[%get3A_1163, %get3A_1164] {strides = array<i32>} : memref<1664x32xf32, #tpu.memory_space<vmem>>, vector<1x16xf32>,
      %get3A_1166 = vector.shape_cast %get3A_1165 : vector<1x16xf32> to vector<16xf32>
      %add3A_1167 = arith.addf %scan3A_1156, %get3A_1166 : vector<16xf32>
      scf.yield %add3A_1162, %add3A_1167 : vector<16xf32>, vector<16xf32>
    }
    %scan3A_1135 = arith.constant 50 : i32
    %mul3A_1136 = arith.constant 2.000000e-02 : f32
    %mul3A_1137 = vector.broadcast %mul3A_1136 : f32 to vector<16xf32>
    %mul3A_1138 = arith.mulf %scan3A_1134#0, %mul3A_1137 : vector<16xf32>
    %swap3A_1139 = arith.constant 31 : i32
    %swap3A_1140 = arith.index_cast %swap3A_1139 : i32 to index
    %swap3A_1141 = arith.constant 0 : index
    %swap3A_1142 = tpu.vector_load %arg7[%swap3A_1140, %swap3A_1141] {strides = array<i32>} : memref<32x32xf32, #tpu.memory_space<vmem>>, vector<1x16xf32>,
    %swap3A_1143 = vector.shape_cast %swap3A_1142 : vector<1x16xf32> to vector<16xf32>
    %swap3A_1144 = vector.shape_cast %mul3A_1138 : vector<16xf32> to vector<1x16xf32>
    tpu.vector_store %arg7[%swap3A_1140, %swap3A_1141], %swap3A_1144 {strides = array<i32>} : memref<32x32xf32, #tpu.memory_space<vmem>>, vector<1x16xf32>,
    %mul3A_1145 = arith.constant 2.000000e-02 : f32
    %mul3A_1146 = vector.broadcast %mul3A_1145 : f32 to vector<16xf32>
    %mul3A_1147 = arith.mulf %scan3A_1134#1, %mul3A_1146 : vector<16xf32>
    %swap3A_1148 = arith.constant 31 : i32
    %swap3A_1149 = arith.index_cast %swap3A_1148 : i32 to index
    %swap3A_1150 = arith.constant 16 : index
    %swap3A_1151 = tpu.vector_load %arg7[%swap3A_1149, %swap3A_1150] {strides = array<i32>} : memref<32x32xf32, #tpu.memory_space<vmem>>, vector<1x16xf32>,
    %swap3A_1152 = vector.shape_cast %swap3A_1151 : vector<1x16xf32> to vector<16xf32>
    %swap3A_1153 = vector.shape_cast %mul3A_1147 : vector<16xf32> to vector<1x16xf32>
    tpu.vector_store %arg7[%swap3A_1149, %swap3A_1150], %swap3A_1153 {strides = array<i32>} : memref<32x32xf32, #tpu.memory_space<vmem>>, vector<1x16xf32>,
    "tpu.region"() ({
      %run_scoped3A = tpu.sem_alloc : memref<!tpu.dma_semaphore, #tpu.memory_space<semaphore_mem>>
      %dma_start3A_1154 = arith.constant 0 : i32
      %dma_start3A_1155 = tpu.memref_slice %arg4[%mul3A_2, %dma_start3A_1154] : memref<1024x32xf32, #tpu.memory_space<hbm>> -> memref<32x32xf32, #tpu.memory_space<hbm>>
      %dma_start3A_1156 = arith.constant 0 : i32
      %dma_start3A_1157 = tpu.memref_slice %arg4[%mul3A_2, %dma_start3A_1156] : memref<1024x32xf32, #tpu.memory_space<hbm>> -> memref<32x32xf32, #tpu.memory_space<hbm>>
      tpu.enqueue_dma source(%arg7 : memref<32x32xf32, #tpu.memory_space<vmem>>) target(%dma_start3A_1157 : memref<32x32xf32, #tpu.memory_space<hbm>>) target_semaphore(%run_scoped3A : memref<!tpu.dma_semaphore, #tpu.memory_space<semaphore_mem>>)
      %dma_wait3A_1158 = arith.constant 0 : i32
      %dma_wait3A_1159 = tpu.memref_slice %arg4[%mul3A_2, %dma_wait3A_1158] : memref<1024x32xf32, #tpu.memory_space<hbm>> -> memref<32x32xf32, #tpu.memory_space<hbm>>
      %dma_wait3A_1160 = arith.constant 0 : i32
      %dma_wait3A_1161 = tpu.memref_slice %arg4[%mul3A_2, %dma_wait3A_1160] : memref<1024x32xf32, #tpu.memory_space<hbm>> -> memref<32x32xf32, #tpu.memory_space<hbm>>
      tpu.wait_dma2 semaphore(%run_scoped3A : memref<!tpu.dma_semaphore, #tpu.memory_space<semaphore_mem>>) src(%arg7 : memref<32x32xf32, #tpu.memory_space<vmem>>) dst(%dma_wait3A_1161 : memref<32x32xf32, #tpu.memory_space<hbm>>)
      tpu.yield
    }) : () -> ()
    return
  }
}

module attributes {stable_mosaic.version = 14 : i64} {
  func.func @mm(%arg0: i32, %arg1: memref<1024x32xf32, #tpu.memory_space<vmem>>, %arg2: memref<32x100000xf32, #tpu.memory_space<vmem>>, %arg3: memref<1x100000xf32, #tpu.memory_space<vmem>>, %arg4: memref<1024x100000xf32, #tpu.memory_space<hbm>>, %arg5: memref<4x16x100000xf32, #tpu.memory_space<vmem>>, %arg6: memref<4x!tpu.dma_semaphore, #tpu.memory_space<semaphore_mem>>) attributes {dimension_semantics = [#tpu.dimension_semantics<arbitrary>], iteration_bounds = array<i64: 64>, scalar_prefetch = 0 : i64, scratch_operands = 2 : i64, tpu.core_type = #tpu.core_type<tc>, window_params = [{pipeline_mode = #tpu.pipeline_mode<synchronous>, transform_indices = @transform_0, window_bounds = array<i64: 1024, 32>}, {pipeline_mode = #tpu.pipeline_mode<synchronous>, transform_indices = @transform_1, window_bounds = array<i64: 32, 100000>}, {pipeline_mode = #tpu.pipeline_mode<synchronous>, transform_indices = @transform_2, window_bounds = array<i64: 1, 100000>}, {}]} {
    %rem3A = arith.constant 4 : i32
    %rem3A_0 = arith.remsi %arg0, %rem3A : i32
    %ge3A = arith.constant 4 : i32
    %ge3A_1 = arith.cmpi sge, %arg0, %ge3A : i32
    %convert_element_type3A = arith.extui %ge3A_1 : i1 to i32
    %cond3A = arith.constant 0 : i32
    %cond3A_2 = arith.cmpi ne, %convert_element_type3A, %cond3A : i32
    scf.if %cond3A_2 {
      %eq3A_38 = arith.constant 0 : i32
      %eq3A_39 = arith.cmpi eq, %rem3A_0, %eq3A_38 : i32
      %convert_element_type3A_40 = arith.extui %eq3A_39 : i1 to i32
      %cond3A_41 = arith.constant 0 : i32
      %cond3A_42 = arith.cmpi ne, %convert_element_type3A_40, %cond3A_41 : i32
      scf.if %cond3A_42 {
        %dma_wait3A = arith.constant 0 : i32
        %dma_wait3A_58 = arith.constant 0 : i32
        %dma_wait3A_59 = tpu.memref_slice %arg6[%dma_wait3A_58] : memref<4x!tpu.dma_semaphore, #tpu.memory_space<semaphore_mem>> -> memref<1x!tpu.dma_semaphore, #tpu.memory_space<semaphore_mem>>
        %dma_wait3A_60 = tpu.memref_squeeze %dma_wait3A_59 : memref<1x!tpu.dma_semaphore, #tpu.memory_space<semaphore_mem>> -> memref<!tpu.dma_semaphore, #tpu.memory_space<semaphore_mem>>
        %dma_wait3A_61 = arith.constant 0 : i32
        %dma_wait3A_62 = arith.constant 0 : i32
        %dma_wait3A_63 = tpu.memref_slice %arg4[%dma_wait3A_61, %dma_wait3A_62] : memref<1024x100000xf32, #tpu.memory_space<hbm>> -> memref<16x100000xf32, #tpu.memory_space<hbm>>
        %dma_wait3A_64 = arith.constant 0 : i32
        %dma_wait3A_65 = arith.constant 0 : i32
        %dma_wait3A_66 = tpu.memref_slice %arg5[%dma_wait3A, %dma_wait3A_64, %dma_wait3A_65] : memref<4x16x100000xf32, #tpu.memory_space<vmem>> -> memref<1x16x100000xf32, #tpu.memory_space<vmem>>
        %dma_wait3A_67 = tpu.memref_squeeze %dma_wait3A_66 : memref<1x16x100000xf32, #tpu.memory_space<vmem>> -> memref<16x100000xf32, #tpu.memory_space<vmem>>
        tpu.wait_dma2 semaphore(%dma_wait3A_60 : memref<!tpu.dma_semaphore, #tpu.memory_space<semaphore_mem>>) src(%dma_wait3A_67 : memref<16x100000xf32, #tpu.memory_space<vmem>>) dst(%dma_wait3A_63 : memref<16x100000xf32, #tpu.memory_space<hbm>>)
      } else {
      }
      %eq3A_43 = arith.constant 1 : i32
      %eq3A_44 = arith.cmpi eq, %rem3A_0, %eq3A_43 : i32
      %convert_element_type3A_45 = arith.extui %eq3A_44 : i1 to i32
      %cond3A_46 = arith.constant 0 : i32
      %cond3A_47 = arith.cmpi ne, %convert_element_type3A_45, %cond3A_46 : i32
      scf.if %cond3A_47 {
        %dma_wait3A = arith.constant 1 : i32
        %dma_wait3A_58 = arith.constant 1 : i32
        %dma_wait3A_59 = tpu.memref_slice %arg6[%dma_wait3A_58] : memref<4x!tpu.dma_semaphore, #tpu.memory_space<semaphore_mem>> -> memref<1x!tpu.dma_semaphore, #tpu.memory_space<semaphore_mem>>
        %dma_wait3A_60 = tpu.memref_squeeze %dma_wait3A_59 : memref<1x!tpu.dma_semaphore, #tpu.memory_space<semaphore_mem>> -> memref<!tpu.dma_semaphore, #tpu.memory_space<semaphore_mem>>
        %dma_wait3A_61 = arith.constant 0 : i32
        %dma_wait3A_62 = arith.constant 0 : i32
        %dma_wait3A_63 = tpu.memref_slice %arg4[%dma_wait3A_61, %dma_wait3A_62] : memref<1024x100000xf32, #tpu.memory_space<hbm>> -> memref<16x100000xf32, #tpu.memory_space<hbm>>
        %dma_wait3A_64 = arith.constant 0 : i32
        %dma_wait3A_65 = arith.constant 0 : i32
        %dma_wait3A_66 = tpu.memref_slice %arg5[%dma_wait3A, %dma_wait3A_64, %dma_wait3A_65] : memref<4x16x100000xf32, #tpu.memory_space<vmem>> -> memref<1x16x100000xf32, #tpu.memory_space<vmem>>
        %dma_wait3A_67 = tpu.memref_squeeze %dma_wait3A_66 : memref<1x16x100000xf32, #tpu.memory_space<vmem>> -> memref<16x100000xf32, #tpu.memory_space<vmem>>
        tpu.wait_dma2 semaphore(%dma_wait3A_60 : memref<!tpu.dma_semaphore, #tpu.memory_space<semaphore_mem>>) src(%dma_wait3A_67 : memref<16x100000xf32, #tpu.memory_space<vmem>>) dst(%dma_wait3A_63 : memref<16x100000xf32, #tpu.memory_space<hbm>>)
      } else {
      }
      %eq3A_48 = arith.constant 2 : i32
      %eq3A_49 = arith.cmpi eq, %rem3A_0, %eq3A_48 : i32
      %convert_element_type3A_50 = arith.extui %eq3A_49 : i1 to i32
      %cond3A_51 = arith.constant 0 : i32
      %cond3A_52 = arith.cmpi ne, %convert_element_type3A_50, %cond3A_51 : i32
      scf.if %cond3A_52 {
        %dma_wait3A = arith.constant 2 : i32
        %dma_wait3A_58 = arith.constant 2 : i32
        %dma_wait3A_59 = tpu.memref_slice %arg6[%dma_wait3A_58] : memref<4x!tpu.dma_semaphore, #tpu.memory_space<semaphore_mem>> -> memref<1x!tpu.dma_semaphore, #tpu.memory_space<semaphore_mem>>
        %dma_wait3A_60 = tpu.memref_squeeze %dma_wait3A_59 : memref<1x!tpu.dma_semaphore, #tpu.memory_space<semaphore_mem>> -> memref<!tpu.dma_semaphore, #tpu.memory_space<semaphore_mem>>
        %dma_wait3A_61 = arith.constant 0 : i32
        %dma_wait3A_62 = arith.constant 0 : i32
        %dma_wait3A_63 = tpu.memref_slice %arg4[%dma_wait3A_61, %dma_wait3A_62] : memref<1024x100000xf32, #tpu.memory_space<hbm>> -> memref<16x100000xf32, #tpu.memory_space<hbm>>
        %dma_wait3A_64 = arith.constant 0 : i32
        %dma_wait3A_65 = arith.constant 0 : i32
        %dma_wait3A_66 = tpu.memref_slice %arg5[%dma_wait3A, %dma_wait3A_64, %dma_wait3A_65] : memref<4x16x100000xf32, #tpu.memory_space<vmem>> -> memref<1x16x100000xf32, #tpu.memory_space<vmem>>
        %dma_wait3A_67 = tpu.memref_squeeze %dma_wait3A_66 : memref<1x16x100000xf32, #tpu.memory_space<vmem>> -> memref<16x100000xf32, #tpu.memory_space<vmem>>
        tpu.wait_dma2 semaphore(%dma_wait3A_60 : memref<!tpu.dma_semaphore, #tpu.memory_space<semaphore_mem>>) src(%dma_wait3A_67 : memref<16x100000xf32, #tpu.memory_space<vmem>>) dst(%dma_wait3A_63 : memref<16x100000xf32, #tpu.memory_space<hbm>>)
      } else {
      }
      %eq3A_53 = arith.constant 3 : i32
      %eq3A_54 = arith.cmpi eq, %rem3A_0, %eq3A_53 : i32
      %convert_element_type3A_55 = arith.extui %eq3A_54 : i1 to i32
      %cond3A_56 = arith.constant 0 : i32
      %cond3A_57 = arith.cmpi ne, %convert_element_type3A_55, %cond3A_56 : i32
      scf.if %cond3A_57 {
        %dma_wait3A = arith.constant 3 : i32
        %dma_wait3A_58 = arith.constant 3 : i32
        %dma_wait3A_59 = tpu.memref_slice %arg6[%dma_wait3A_58] : memref<4x!tpu.dma_semaphore, #tpu.memory_space<semaphore_mem>> -> memref<1x!tpu.dma_semaphore, #tpu.memory_space<semaphore_mem>>
        %dma_wait3A_60 = tpu.memref_squeeze %dma_wait3A_59 : memref<1x!tpu.dma_semaphore, #tpu.memory_space<semaphore_mem>> -> memref<!tpu.dma_semaphore, #tpu.memory_space<semaphore_mem>>
        %dma_wait3A_61 = arith.constant 0 : i32
        %dma_wait3A_62 = arith.constant 0 : i32
        %dma_wait3A_63 = tpu.memref_slice %arg4[%dma_wait3A_61, %dma_wait3A_62] : memref<1024x100000xf32, #tpu.memory_space<hbm>> -> memref<16x100000xf32, #tpu.memory_space<hbm>>
        %dma_wait3A_64 = arith.constant 0 : i32
        %dma_wait3A_65 = arith.constant 0 : i32
        %dma_wait3A_66 = tpu.memref_slice %arg5[%dma_wait3A, %dma_wait3A_64, %dma_wait3A_65] : memref<4x16x100000xf32, #tpu.memory_space<vmem>> -> memref<1x16x100000xf32, #tpu.memory_space<vmem>>
        %dma_wait3A_67 = tpu.memref_squeeze %dma_wait3A_66 : memref<1x16x100000xf32, #tpu.memory_space<vmem>> -> memref<16x100000xf32, #tpu.memory_space<vmem>>
        tpu.wait_dma2 semaphore(%dma_wait3A_60 : memref<!tpu.dma_semaphore, #tpu.memory_space<semaphore_mem>>) src(%dma_wait3A_67 : memref<16x100000xf32, #tpu.memory_space<vmem>>) dst(%dma_wait3A_63 : memref<16x100000xf32, #tpu.memory_space<hbm>>)
      } else {
      }
    } else {
    }
    %mul3A = arith.constant 16 : i32
    %mul3A_3 = arith.muli %arg0, %mul3A : i32
    %get3A = arith.index_cast %mul3A_3 : i32 to index
    %get3A_4 = arith.constant 0 : index
    %get3A_5 = vector.load %arg1[%get3A, %get3A_4] : memref<1024x32xf32, #tpu.memory_space<vmem>>, vector<16x32xf32>
    %get3A_6 = arith.constant 0 : index
    %get3A_7 = arith.constant 0 : index
    %get3A_8 = vector.load %arg2[%get3A_6, %get3A_7] : memref<32x100000xf32, #tpu.memory_space<vmem>>, vector<32x100000xf32>
    %dot_general3A = arith.constant dense<0.000000e+00> : vector<16x100000xf32>
    %dot_general3A_9 = tpu.matmul %get3A_5, %get3A_8, %dot_general3A {dimension_numbers = #tpu.dot_dimension_numbers<[1], [0], [0], [1], [0, 0, 1, 1], [], []>, transpose_lhs_hint = false} : vector<16x32xf32>, vector<32x100000xf32>, vector<16x100000xf32> -> vector<16x100000xf32>
    %get3A_10 = arith.constant 0 : index
    %get3A_11 = arith.constant 0 : index
    %get3A_12 = vector.load %arg3[%get3A_10, %get3A_11] : memref<1x100000xf32, #tpu.memory_space<vmem>>, vector<1x100000xf32>
    %add3A = vector.broadcast %get3A_12 : vector<1x100000xf32> to vector<16x100000xf32>
    %add3A_13 = arith.addf %dot_general3A_9, %add3A : vector<16x100000xf32>
    %eq3A = arith.constant 0 : i32
    %eq3A_14 = arith.cmpi eq, %rem3A_0, %eq3A : i32
    %convert_element_type3A_15 = arith.extui %eq3A_14 : i1 to i32
    %cond3A_16 = arith.constant 0 : i32
    %cond3A_17 = arith.cmpi ne, %convert_element_type3A_15, %cond3A_16 : i32
    scf.if %cond3A_17 {
      %swap3A = arith.constant 0 : index
      %swap3A_38 = arith.constant 0 : index
      %swap3A_39 = arith.constant 0 : index
      %swap3A_40 = vector.load %arg5[%swap3A, %swap3A_38, %swap3A_39] : memref<4x16x100000xf32, #tpu.memory_space<vmem>>, vector<1x16x100000xf32>
      %swap3A_41 = vector.shape_cast %swap3A_40 : vector<1x16x100000xf32> to vector<16x100000xf32>
      %swap3A_42 = vector.shape_cast %add3A_13 : vector<16x100000xf32> to vector<1x16x100000xf32>
      tpu.vector_store %arg5[%swap3A, %swap3A_38, %swap3A_39], %swap3A_42 {strides = array<i32>} : memref<4x16x100000xf32, #tpu.memory_space<vmem>>, vector<1x16x100000xf32>,
      %mul3A_43 = arith.constant 16 : i32
      %mul3A_44 = arith.muli %arg0, %mul3A_43 : i32
      %dma_start3A = arith.constant 0 : i32
      %dma_start3A_45 = arith.constant 0 : i32
      %dma_start3A_46 = tpu.memref_slice %arg6[%dma_start3A_45] : memref<4x!tpu.dma_semaphore, #tpu.memory_space<semaphore_mem>> -> memref<1x!tpu.dma_semaphore, #tpu.memory_space<semaphore_mem>>
      %dma_start3A_47 = tpu.memref_squeeze %dma_start3A_46 : memref<1x!tpu.dma_semaphore, #tpu.memory_space<semaphore_mem>> -> memref<!tpu.dma_semaphore, #tpu.memory_space<semaphore_mem>>
      %dma_start3A_48 = arith.constant 0 : i32
      %dma_start3A_49 = tpu.memref_slice %arg4[%mul3A_44, %dma_start3A_48] : memref<1024x100000xf32, #tpu.memory_space<hbm>> -> memref<16x100000xf32, #tpu.memory_space<hbm>>
      %dma_start3A_50 = arith.constant 0 : i32
      %dma_start3A_51 = arith.constant 0 : i32
      %dma_start3A_52 = tpu.memref_slice %arg5[%dma_start3A, %dma_start3A_50, %dma_start3A_51] : memref<4x16x100000xf32, #tpu.memory_space<vmem>> -> memref<1x16x100000xf32, #tpu.memory_space<vmem>>
      %dma_start3A_53 = tpu.memref_squeeze %dma_start3A_52 : memref<1x16x100000xf32, #tpu.memory_space<vmem>> -> memref<16x100000xf32, #tpu.memory_space<vmem>>
      tpu.enqueue_dma source(%dma_start3A_53 : memref<16x100000xf32, #tpu.memory_space<vmem>>) target(%dma_start3A_49 : memref<16x100000xf32, #tpu.memory_space<hbm>>) target_semaphore(%dma_start3A_47 : memref<!tpu.dma_semaphore, #tpu.memory_space<semaphore_mem>>)
    } else {
    }
    %eq3A_18 = arith.constant 1 : i32
    %eq3A_19 = arith.cmpi eq, %rem3A_0, %eq3A_18 : i32
    %convert_element_type3A_20 = arith.extui %eq3A_19 : i1 to i32
    %cond3A_21 = arith.constant 0 : i32
    %cond3A_22 = arith.cmpi ne, %convert_element_type3A_20, %cond3A_21 : i32
    scf.if %cond3A_22 {
      %swap3A = arith.constant 1 : index
      %swap3A_38 = arith.constant 0 : index
      %swap3A_39 = arith.constant 0 : index
      %swap3A_40 = vector.load %arg5[%swap3A, %swap3A_38, %swap3A_39] : memref<4x16x100000xf32, #tpu.memory_space<vmem>>, vector<1x16x100000xf32>
      %swap3A_41 = vector.shape_cast %swap3A_40 : vector<1x16x100000xf32> to vector<16x100000xf32>
      %swap3A_42 = vector.shape_cast %add3A_13 : vector<16x100000xf32> to vector<1x16x100000xf32>
      tpu.vector_store %arg5[%swap3A, %swap3A_38, %swap3A_39], %swap3A_42 {strides = array<i32>} : memref<4x16x100000xf32, #tpu.memory_space<vmem>>, vector<1x16x100000xf32>,
      %mul3A_43 = arith.constant 16 : i32
      %mul3A_44 = arith.muli %arg0, %mul3A_43 : i32
      %dma_start3A = arith.constant 1 : i32
      %dma_start3A_45 = arith.constant 1 : i32
      %dma_start3A_46 = tpu.memref_slice %arg6[%dma_start3A_45] : memref<4x!tpu.dma_semaphore, #tpu.memory_space<semaphore_mem>> -> memref<1x!tpu.dma_semaphore, #tpu.memory_space<semaphore_mem>>
      %dma_start3A_47 = tpu.memref_squeeze %dma_start3A_46 : memref<1x!tpu.dma_semaphore, #tpu.memory_space<semaphore_mem>> -> memref<!tpu.dma_semaphore, #tpu.memory_space<semaphore_mem>>
      %dma_start3A_48 = arith.constant 0 : i32
      %dma_start3A_49 = tpu.memref_slice %arg4[%mul3A_44, %dma_start3A_48] : memref<1024x100000xf32, #tpu.memory_space<hbm>> -> memref<16x100000xf32, #tpu.memory_space<hbm>>
      %dma_start3A_50 = arith.constant 0 : i32
      %dma_start3A_51 = arith.constant 0 : i32
      %dma_start3A_52 = tpu.memref_slice %arg5[%dma_start3A, %dma_start3A_50, %dma_start3A_51] : memref<4x16x100000xf32, #tpu.memory_space<vmem>> -> memref<1x16x100000xf32, #tpu.memory_space<vmem>>
      %dma_start3A_53 = tpu.memref_squeeze %dma_start3A_52 : memref<1x16x100000xf32, #tpu.memory_space<vmem>> -> memref<16x100000xf32, #tpu.memory_space<vmem>>
      tpu.enqueue_dma source(%dma_start3A_53 : memref<16x100000xf32, #tpu.memory_space<vmem>>) target(%dma_start3A_49 : memref<16x100000xf32, #tpu.memory_space<hbm>>) target_semaphore(%dma_start3A_47 : memref<!tpu.dma_semaphore, #tpu.memory_space<semaphore_mem>>)
    } else {
    }
    %eq3A_23 = arith.constant 2 : i32
    %eq3A_24 = arith.cmpi eq, %rem3A_0, %eq3A_23 : i32
    %convert_element_type3A_25 = arith.extui %eq3A_24 : i1 to i32
    %cond3A_26 = arith.constant 0 : i32
    %cond3A_27 = arith.cmpi ne, %convert_element_type3A_25, %cond3A_26 : i32
    scf.if %cond3A_27 {
      %swap3A = arith.constant 2 : index
      %swap3A_38 = arith.constant 0 : index
      %swap3A_39 = arith.constant 0 : index
      %swap3A_40 = vector.load %arg5[%swap3A, %swap3A_38, %swap3A_39] : memref<4x16x100000xf32, #tpu.memory_space<vmem>>, vector<1x16x100000xf32>
      %swap3A_41 = vector.shape_cast %swap3A_40 : vector<1x16x100000xf32> to vector<16x100000xf32>
      %swap3A_42 = vector.shape_cast %add3A_13 : vector<16x100000xf32> to vector<1x16x100000xf32>
      tpu.vector_store %arg5[%swap3A, %swap3A_38, %swap3A_39], %swap3A_42 {strides = array<i32>} : memref<4x16x100000xf32, #tpu.memory_space<vmem>>, vector<1x16x100000xf32>,
      %mul3A_43 = arith.constant 16 : i32
      %mul3A_44 = arith.muli %arg0, %mul3A_43 : i32
      %dma_start3A = arith.constant 2 : i32
      %dma_start3A_45 = arith.constant 2 : i32
      %dma_start3A_46 = tpu.memref_slice %arg6[%dma_start3A_45] : memref<4x!tpu.dma_semaphore, #tpu.memory_space<semaphore_mem>> -> memref<1x!tpu.dma_semaphore, #tpu.memory_space<semaphore_mem>>
      %dma_start3A_47 = tpu.memref_squeeze %dma_start3A_46 : memref<1x!tpu.dma_semaphore, #tpu.memory_space<semaphore_mem>> -> memref<!tpu.dma_semaphore, #tpu.memory_space<semaphore_mem>>
      %dma_start3A_48 = arith.constant 0 : i32
      %dma_start3A_49 = tpu.memref_slice %arg4[%mul3A_44, %dma_start3A_48] : memref<1024x100000xf32, #tpu.memory_space<hbm>> -> memref<16x100000xf32, #tpu.memory_space<hbm>>
      %dma_start3A_50 = arith.constant 0 : i32
      %dma_start3A_51 = arith.constant 0 : i32
      %dma_start3A_52 = tpu.memref_slice %arg5[%dma_start3A, %dma_start3A_50, %dma_start3A_51] : memref<4x16x100000xf32, #tpu.memory_space<vmem>> -> memref<1x16x100000xf32, #tpu.memory_space<vmem>>
      %dma_start3A_53 = tpu.memref_squeeze %dma_start3A_52 : memref<1x16x100000xf32, #tpu.memory_space<vmem>> -> memref<16x100000xf32, #tpu.memory_space<vmem>>
      tpu.enqueue_dma source(%dma_start3A_53 : memref<16x100000xf32, #tpu.memory_space<vmem>>) target(%dma_start3A_49 : memref<16x100000xf32, #tpu.memory_space<hbm>>) target_semaphore(%dma_start3A_47 : memref<!tpu.dma_semaphore, #tpu.memory_space<semaphore_mem>>)
    } else {
    }
    %eq3A_28 = arith.constant 3 : i32
    %eq3A_29 = arith.cmpi eq, %rem3A_0, %eq3A_28 : i32
    %convert_element_type3A_30 = arith.extui %eq3A_29 : i1 to i32
    %cond3A_31 = arith.constant 0 : i32
    %cond3A_32 = arith.cmpi ne, %convert_element_type3A_30, %cond3A_31 : i32
    scf.if %cond3A_32 {
      %swap3A = arith.constant 3 : index
      %swap3A_38 = arith.constant 0 : index
      %swap3A_39 = arith.constant 0 : index
      %swap3A_40 = vector.load %arg5[%swap3A, %swap3A_38, %swap3A_39] : memref<4x16x100000xf32, #tpu.memory_space<vmem>>, vector<1x16x100000xf32>
      %swap3A_41 = vector.shape_cast %swap3A_40 : vector<1x16x100000xf32> to vector<16x100000xf32>
      %swap3A_42 = vector.shape_cast %add3A_13 : vector<16x100000xf32> to vector<1x16x100000xf32>
      tpu.vector_store %arg5[%swap3A, %swap3A_38, %swap3A_39], %swap3A_42 {strides = array<i32>} : memref<4x16x100000xf32, #tpu.memory_space<vmem>>, vector<1x16x100000xf32>,
      %mul3A_43 = arith.constant 16 : i32
      %mul3A_44 = arith.muli %arg0, %mul3A_43 : i32
      %dma_start3A = arith.constant 3 : i32
      %dma_start3A_45 = arith.constant 3 : i32
      %dma_start3A_46 = tpu.memref_slice %arg6[%dma_start3A_45] : memref<4x!tpu.dma_semaphore, #tpu.memory_space<semaphore_mem>> -> memref<1x!tpu.dma_semaphore, #tpu.memory_space<semaphore_mem>>
      %dma_start3A_47 = tpu.memref_squeeze %dma_start3A_46 : memref<1x!tpu.dma_semaphore, #tpu.memory_space<semaphore_mem>> -> memref<!tpu.dma_semaphore, #tpu.memory_space<semaphore_mem>>
      %dma_start3A_48 = arith.constant 0 : i32
      %dma_start3A_49 = tpu.memref_slice %arg4[%mul3A_44, %dma_start3A_48] : memref<1024x100000xf32, #tpu.memory_space<hbm>> -> memref<16x100000xf32, #tpu.memory_space<hbm>>
      %dma_start3A_50 = arith.constant 0 : i32
      %dma_start3A_51 = arith.constant 0 : i32
      %dma_start3A_52 = tpu.memref_slice %arg5[%dma_start3A, %dma_start3A_50, %dma_start3A_51] : memref<4x16x100000xf32, #tpu.memory_space<vmem>> -> memref<1x16x100000xf32, #tpu.memory_space<vmem>>
      %dma_start3A_53 = tpu.memref_squeeze %dma_start3A_52 : memref<1x16x100000xf32, #tpu.memory_space<vmem>> -> memref<16x100000xf32, #tpu.memory_space<vmem>>
      tpu.enqueue_dma source(%dma_start3A_53 : memref<16x100000xf32, #tpu.memory_space<vmem>>) target(%dma_start3A_49 : memref<16x100000xf32, #tpu.memory_space<hbm>>) target_semaphore(%dma_start3A_47 : memref<!tpu.dma_semaphore, #tpu.memory_space<semaphore_mem>>)
    } else {
    }
    %eq3A_33 = arith.constant 63 : i32
    %eq3A_34 = arith.cmpi eq, %arg0, %eq3A_33 : i32
    %convert_element_type3A_35 = arith.extui %eq3A_34 : i1 to i32
    %cond3A_36 = arith.constant 0 : i32
    %cond3A_37 = arith.cmpi ne, %convert_element_type3A_35, %cond3A_36 : i32
    scf.if %cond3A_37 {
      %dma_wait3A = arith.constant 0 : i32
      %dma_wait3A_38 = arith.constant 0 : i32
      %dma_wait3A_39 = tpu.memref_slice %arg6[%dma_wait3A_38] : memref<4x!tpu.dma_semaphore, #tpu.memory_space<semaphore_mem>> -> memref<1x!tpu.dma_semaphore, #tpu.memory_space<semaphore_mem>>
      %dma_wait3A_40 = tpu.memref_squeeze %dma_wait3A_39 : memref<1x!tpu.dma_semaphore, #tpu.memory_space<semaphore_mem>> -> memref<!tpu.dma_semaphore, #tpu.memory_space<semaphore_mem>>
      %dma_wait3A_41 = arith.constant 0 : i32
      %dma_wait3A_42 = arith.constant 0 : i32
      %dma_wait3A_43 = tpu.memref_slice %arg4[%dma_wait3A_41, %dma_wait3A_42] : memref<1024x100000xf32, #tpu.memory_space<hbm>> -> memref<16x100000xf32, #tpu.memory_space<hbm>>
      %dma_wait3A_44 = arith.constant 0 : i32
      %dma_wait3A_45 = arith.constant 0 : i32
      %dma_wait3A_46 = tpu.memref_slice %arg5[%dma_wait3A, %dma_wait3A_44, %dma_wait3A_45] : memref<4x16x100000xf32, #tpu.memory_space<vmem>> -> memref<1x16x100000xf32, #tpu.memory_space<vmem>>
      %dma_wait3A_47 = tpu.memref_squeeze %dma_wait3A_46 : memref<1x16x100000xf32, #tpu.memory_space<vmem>> -> memref<16x100000xf32, #tpu.memory_space<vmem>>
      tpu.wait_dma2 semaphore(%dma_wait3A_40 : memref<!tpu.dma_semaphore, #tpu.memory_space<semaphore_mem>>) src(%dma_wait3A_47 : memref<16x100000xf32, #tpu.memory_space<vmem>>) dst(%dma_wait3A_43 : memref<16x100000xf32, #tpu.memory_space<hbm>>)
      %dma_wait3A_48 = arith.constant 1 : i32
      %dma_wait3A_49 = arith.constant 1 : i32
      %dma_wait3A_50 = tpu.memref_slice %arg6[%dma_wait3A_49] : memref<4x!tpu.dma_semaphore, #tpu.memory_space<semaphore_mem>> -> memref<1x!tpu.dma_semaphore, #tpu.memory_space<semaphore_mem>>
      %dma_wait3A_51 = tpu.memref_squeeze %dma_wait3A_50 : memref<1x!tpu.dma_semaphore, #tpu.memory_space<semaphore_mem>> -> memref<!tpu.dma_semaphore, #tpu.memory_space<semaphore_mem>>
      %dma_wait3A_52 = arith.constant 0 : i32
      %dma_wait3A_53 = arith.constant 0 : i32
      %dma_wait3A_54 = tpu.memref_slice %arg4[%dma_wait3A_52, %dma_wait3A_53] : memref<1024x100000xf32, #tpu.memory_space<hbm>> -> memref<16x100000xf32, #tpu.memory_space<hbm>>
      %dma_wait3A_55 = arith.constant 0 : i32
      %dma_wait3A_56 = arith.constant 0 : i32
      %dma_wait3A_57 = tpu.memref_slice %arg5[%dma_wait3A_48, %dma_wait3A_55, %dma_wait3A_56] : memref<4x16x100000xf32, #tpu.memory_space<vmem>> -> memref<1x16x100000xf32, #tpu.memory_space<vmem>>
      %dma_wait3A_58 = tpu.memref_squeeze %dma_wait3A_57 : memref<1x16x100000xf32, #tpu.memory_space<vmem>> -> memref<16x100000xf32, #tpu.memory_space<vmem>>
      tpu.wait_dma2 semaphore(%dma_wait3A_51 : memref<!tpu.dma_semaphore, #tpu.memory_space<semaphore_mem>>) src(%dma_wait3A_58 : memref<16x100000xf32, #tpu.memory_space<vmem>>) dst(%dma_wait3A_54 : memref<16x100000xf32, #tpu.memory_space<hbm>>)
      %dma_wait3A_59 = arith.constant 2 : i32
      %dma_wait3A_60 = arith.constant 2 : i32
      %dma_wait3A_61 = tpu.memref_slice %arg6[%dma_wait3A_60] : memref<4x!tpu.dma_semaphore, #tpu.memory_space<semaphore_mem>> -> memref<1x!tpu.dma_semaphore, #tpu.memory_space<semaphore_mem>>
      %dma_wait3A_62 = tpu.memref_squeeze %dma_wait3A_61 : memref<1x!tpu.dma_semaphore, #tpu.memory_space<semaphore_mem>> -> memref<!tpu.dma_semaphore, #tpu.memory_space<semaphore_mem>>
      %dma_wait3A_63 = arith.constant 0 : i32
      %dma_wait3A_64 = arith.constant 0 : i32
      %dma_wait3A_65 = tpu.memref_slice %arg4[%dma_wait3A_63, %dma_wait3A_64] : memref<1024x100000xf32, #tpu.memory_space<hbm>> -> memref<16x100000xf32, #tpu.memory_space<hbm>>
      %dma_wait3A_66 = arith.constant 0 : i32
      %dma_wait3A_67 = arith.constant 0 : i32
      %dma_wait3A_68 = tpu.memref_slice %arg5[%dma_wait3A_59, %dma_wait3A_66, %dma_wait3A_67] : memref<4x16x100000xf32, #tpu.memory_space<vmem>> -> memref<1x16x100000xf32, #tpu.memory_space<vmem>>
      %dma_wait3A_69 = tpu.memref_squeeze %dma_wait3A_68 : memref<1x16x100000xf32, #tpu.memory_space<vmem>> -> memref<16x100000xf32, #tpu.memory_space<vmem>>
      tpu.wait_dma2 semaphore(%dma_wait3A_62 : memref<!tpu.dma_semaphore, #tpu.memory_space<semaphore_mem>>) src(%dma_wait3A_69 : memref<16x100000xf32, #tpu.memory_space<vmem>>) dst(%dma_wait3A_65 : memref<16x100000xf32, #tpu.memory_space<hbm>>)
      %dma_wait3A_70 = arith.constant 3 : i32
      %dma_wait3A_71 = arith.constant 3 : i32
      %dma_wait3A_72 = tpu.memref_slice %arg6[%dma_wait3A_71] : memref<4x!tpu.dma_semaphore, #tpu.memory_space<semaphore_mem>> -> memref<1x!tpu.dma_semaphore, #tpu.memory_space<semaphore_mem>>
      %dma_wait3A_73 = tpu.memref_squeeze %dma_wait3A_72 : memref<1x!tpu.dma_semaphore, #tpu.memory_space<semaphore_mem>> -> memref<!tpu.dma_semaphore, #tpu.memory_space<semaphore_mem>>
      %dma_wait3A_74 = arith.constant 0 : i32
      %dma_wait3A_75 = arith.constant 0 : i32
      %dma_wait3A_76 = tpu.memref_slice %arg4[%dma_wait3A_74, %dma_wait3A_75] : memref<1024x100000xf32, #tpu.memory_space<hbm>> -> memref<16x100000xf32, #tpu.memory_space<hbm>>
      %dma_wait3A_77 = arith.constant 0 : i32
      %dma_wait3A_78 = arith.constant 0 : i32
      %dma_wait3A_79 = tpu.memref_slice %arg5[%dma_wait3A_70, %dma_wait3A_77, %dma_wait3A_78] : memref<4x16x100000xf32, #tpu.memory_space<vmem>> -> memref<1x16x100000xf32, #tpu.memory_space<vmem>>
      %dma_wait3A_80 = tpu.memref_squeeze %dma_wait3A_79 : memref<1x16x100000xf32, #tpu.memory_space<vmem>> -> memref<16x100000xf32, #tpu.memory_space<vmem>>
      tpu.wait_dma2 semaphore(%dma_wait3A_73 : memref<!tpu.dma_semaphore, #tpu.memory_space<semaphore_mem>>) src(%dma_wait3A_80 : memref<16x100000xf32, #tpu.memory_space<vmem>>) dst(%dma_wait3A_76 : memref<16x100000xf32, #tpu.memory_space<hbm>>)
    } else {
    }
    return
  }
  func.func @transform_0(%arg0: i32) -> (i32, i32) {
    %c0_i32 = arith.constant 0 : i32
    %c0_i32_0 = arith.constant 0 : i32
    %c0_i32_1 = arith.constant 0 : i32
    return %c0_i32, %c0_i32_0 : i32, i32
  }
  func.func @transform_1(%arg0: i32) -> (i32, i32) {
    %c0_i32 = arith.constant 0 : i32
    %c0_i32_0 = arith.constant 0 : i32
    %c0_i32_1 = arith.constant 0 : i32
    return %c0_i32, %c0_i32_0 : i32, i32
  }
  func.func @transform_2(%arg0: i32) -> (i32, i32) {
    %c0_i32 = arith.constant 0 : i32
    %c0_i32_0 = arith.constant 0 : i32
    %c0_i32_1 = arith.constant 0 : i32
    return %c0_i32, %c0_i32_0 : i32, i32
  }
}

</mosaic_0001>

<sc_bundles>
// kernel: kernel.4.cloned.1.call-start
scs
__scs_entry_jumppad:
0x0: {  	(pc) =	sbr.rel $0x88, $3  }
0x1: {  	(tag) =	ssettag $0x0;
	lr =	simm.s32 $0x1  }
0x2: {  	[smem:$0x3F9D] =	sst lr;
	_ =	strace $0xD0000000  }
0x3: {  	_ = 	snop  }
0x4: {  	_ = 	snop  }
0x5: {  	_ = 	snop  }
0x6: {  	_ = 	snop  }
0x7: {  	_ = 	snop  }
__scs_overlays_trampoline_lowered:
0x8: {  	[smem:$0x3FAC] =	sst s0  }
0x9: {  	[smem:$0x3FAD] =	sst s1  }
0xa: {  	[smem:$0x3FAE] =	sst s2  }
0xb: {  	[smem:$0x3FAF] =	sst s3  }
0xc: {  	[smem:$0x3FB0] =	sst s4  }
0xd: {  	[smem:$0x3FB1] =	sst s5  }
0xe: {  	[smem:$0x3FB2] =	sst s6  }
0xf: {  	[smem:$0x3FB3] =	sst s7  }
0x10: {  	[smem:$0x3FB4] =	sst s8  }
0x11: {  	[smem:$0x3FB5] =	sst s9;
	s0 =	simm.s32 @!p0 $0x0  }
0x12: {  	s1 =	sld [smem:$0x3F9B];
	s0 =	simm.s32 @p0 $0x1  }
0x13: {  	[smem:$0x3FB6] =	sst s0;
	s0 =	simm.s32 @!p1 $0x0  }
0x14: {  	s2 =	sld [smem:$0x3F9A];
	s0 =	simm.s32 @p1 $0x1  }
0x15: {  	[smem:$0x3FB7] =	sst s0;
	s0 =	simm.s32 @!p2 $0x0  }
0x16: {  	s3 =	sld [smem:$0x3FDB];
	s0 =	simm.s32 @p2 $0x1  }
0x17: {  	s4 =	simm.s32 $0x1BF5;
	[smem:$0x3FB9] =	sst s0  }
0x18: {  	s0 =	sld [smem:$0x3F9C];
	_ =	swait.ge [sflag:s4], $0x0  }
0x19: {  	s7 =	sld [smem:$0x3F9D]  }
0x1a: {  	s8 =	sadd.s32 $0xFFFFE003, lr  }
0x1b: {  	s9 =	sadd.s32 $0xFFFFFEF7, lr;
	s5 =	simm.s32 $0xFFFFFFFF;
	p2 =	slt.u32 s8, $0xFFFFF086  }
0x1c: {  	p1 =	slt.u32 s9, $0xF7A;
	s5 =	simm.s32 @!p2 $0x0  }
0x1d: {  	s5 =	simm.s32 @p1 $0x1;
	p0 =	seq.s32 s7, s2  }
0x1e: {  	s7 =	smul.u32 @!p0 $0xF7A, s2;
	p2 =	seq.s32 @!p0 s5, $0x0  }
0x1f: {  	s9 =	smul.u32 $0xF7A, s1;
	s8 =	simm.s32 @!p0 $0x1BF5;
	p2 =	por !p2, p0  }
0x20: {  	[sflag:s8] =	ssyncset.s32 @!p0 $0xFFFFF086;
	s6 =	sadd.s32 @!p0 s3, s7;
	s7 =	simm.s32 @!p0 $0x108  }
0x21: {  	s3 =	sadd.s32 s3, s9;
	s6 =	sadd.s32 @!p0 $0x88, s6;
	s7 =	simm.s32 @p2 $0x1082  }
0x22: {  	[simem:s7], [sflag:s8] =	dma.local @!p0 [hbm:s6], $0xF7A  }
0x23: {  	s9 =	sor.u32 $0xD0000000, s2;
	s6 =	simm.s32 $0x108;
	_ =	swait.ge @!p0 [sflag:s8], $0x0  }
0x24: {  	s3 =	sadd.s32 $0x88, s3;
	s6 =	simm.s32 @!p1 $0x1082;
	[sflag:s4] =	ssyncset.s32 $0xFFFFF086  }
0x25: {  	[simem:s6], [sflag:s4] =	dma.local [hbm:s3], $0xF7A  }
0x26: {  	[smem:$0x3F9D] =	sst s1;
	(tag) =	ssettag s2;
	_ =	strace s9  }
0x27: {  	s1 =	sld [smem:$0x3FAD]  }
0x28: {  	s2 =	sld [smem:$0x3FAE]  }
0x29: {  	s4 =	sld [smem:$0x3FB0]  }
0x2a: {  	p0 =	seq.s32 s5, $0x0;
	s5 =	sld [smem:$0x3FB1]  }
0x2b: {  	s6 =	sld [smem:$0x3FB2]  }
0x2c: {  	s7 =	sld [smem:$0x3FB3]  }
0x2d: {  	s3 =	simm.s32 $0x108;
	s8 =	sld [smem:$0x3FB4]  }
0x2e: {  	s3 =	simm.s32 @!p0 $0x1082;
	s9 =	sld [smem:$0x3FB5]  }
0x2f: {  	lr =	sadd.s32 s0, s3;
	s0 =	sld [smem:$0x3FAC]  }
0x30: {  	s3 =	sld [smem:$0x3FAF]  }
0x31: {  	[smem:$0x3FB8] =	sst s10  }
0x32: {  	s10 =	sld [smem:$0x3FB6];
	_ =	sdelay $0x3  }
0x33: {  	p0 =	seq.s32 s10, $0x1;
	s10 =	sld [smem:$0x3FB8];
	_ =	sdelay $0x3  }
0x34: {  	[smem:$0x3FB8] =	sst s10  }
0x35: {  	s10 =	sld [smem:$0x3FB7];
	_ =	sdelay $0x3  }
0x36: {  	p1 =	seq.s32 s10, $0x1;
	s10 =	sld [smem:$0x3FB8];
	_ =	sdelay $0x3  }
0x37: {  	[smem:$0x3FB8] =	sst s10  }
0x38: {  	s10 =	sld [smem:$0x3FB9]  }
0x39: {  	_ = 	snop;
	(pc) =	sbr.ind lr, $3  }
0x3a: {  	_ = 	snop  }
0x3b: {  	_ = 	snop  }
0x3c: {  	p2 =	seq.s32 s10, $0x1;
	s10 =	sld [smem:$0x3FB8]  }
0x3d: {  	_ =	shalt  }
0x3e: {  	_ =	shalt  }
0x3f: {  	_ =	shalt  }
0x40: {  	_ =	shalt  }
0x41: {  	_ =	shalt  }
0x42: {  	_ =	shalt  }
0x43: {  	_ =	shalt  }
0x44: {  	_ =	shalt  }
0x45: {  	_ =	shalt  }
0x46: {  	_ =	shalt  }
0x47: {  	_ =	shalt  }
0x48: {  	_ =	shalt  }
0x49: {  	_ =	shalt  }
0x4a: {  	_ =	shalt  }
0x4b: {  	_ =	shalt  }
0x4c: {  	_ =	shalt  }
0x4d: {  	_ =	shalt  }
0x4e: {  	_ =	shalt  }
0x4f: {  	_ =	shalt  }
0x50: {  	_ =	shalt  }
0x51: {  	_ =	shalt  }
0x52: {  	_ =	shalt  }
0x53: {  	_ =	shalt  }
0x54: {  	_ =	shalt  }
0x55: {  	_ =	shalt  }
0x56: {  	_ =	shalt  }
0x57: {  	_ =	shalt  }
0x58: {  	_ =	shalt  }
0x59: {  	_ =	shalt  }
0x5a: {  	_ =	shalt  }
0x5b: {  	_ =	shalt  }
0x5c: {  	_ =	shalt  }
0x5d: {  	_ =	shalt  }
0x5e: {  	_ =	shalt  }
0x5f: {  	_ =	shalt  }
0x60: {  	_ =	shalt  }
0x61: {  	_ =	shalt  }
0x62: {  	_ =	shalt  }
0x63: {  	_ =	shalt  }
0x64: {  	_ =	shalt  }
0x65: {  	_ =	shalt  }
0x66: {  	_ =	shalt  }
0x67: {  	_ =	shalt  }
0x68: {  	_ =	shalt  }
0x69: {  	_ =	shalt  }
0x6a: {  	_ =	shalt  }
0x6b: {  	_ =	shalt  }
0x6c: {  	_ =	shalt  }
0x6d: {  	_ =	shalt  }
0x6e: {  	_ =	shalt  }
0x6f: {  	_ =	shalt  }
0x70: {  	_ =	shalt  }
0x71: {  	_ =	shalt  }
0x72: {  	_ =	shalt  }
0x73: {  	_ =	shalt  }
0x74: {  	_ =	shalt  }
0x75: {  	_ =	shalt  }
0x76: {  	_ =	shalt  }
0x77: {  	_ =	shalt  }
0x78: {  	_ =	shalt  }
0x79: {  	_ =	shalt  }
0x7a: {  	_ =	shalt  }
0x7b: {  	_ =	shalt  }
0x7c: {  	_ =	shalt  }
0x7d: {  	_ =	shalt  }
0x7e: {  	_ =	shalt  }
0x7f: {  	_ =	shalt  }
0x80: {  	_ =	shalt  }
0x81: {  	_ =	shalt  }
0x82: {  	_ =	shalt  }
0x83: {  	_ =	shalt  }
0x84: {  	_ =	shalt  }
0x85: {  	_ =	shalt  }
0x86: {  	_ =	shalt  }
0x87: {  	_ =	shalt  }
.Lfunc_end0:
.L_simem_size_0:
called_computation_lowered:
.L_overlay_start_0:
0x88: {  	s2 =	sld [smem:$0x3FD9]  }
0x89: {  	s3 =	sld [smem:$0x3FFE];
	_ =	sdelay $0x1  }
0x8a: {  	s1 =	srdreg.scid  }
0x8b: {  	s0 =	sand.u32 $0x1, s1  }
0x8c: {  	s17 =	sshll.u32 s0, $0xA;
	s2 =	sadd.s32 s3, s2  }
0x8d: {  	s2 =	sadd.s32 s2, s17  }
0x8e: {  	[smem:$0x3FC4] =	sst s2  }
0x8f: {  	_ = 	snop  }
0x90: {  	s2 =	sld [smem:$0x3FD0];
	(tm) =	ssettm $0x1  }
0x91: {  	s18 =	sld [smem:$0x3FFB];
	_ =	sdelay $0x3  }
0x92: {  	_ =	strace s18  }
0x93: {  	s3 =	sld [smem:$0x3FFC];
	_ =	sdelay $0x3  }
0x94: {  	_ =	strace s3  }
0x95: {  	s3 =	sld [smem:$0x3FFD];
	_ =	sdelay $0x3  }
0x96: {  	_ =	strace s3  }
0x97: {  	_ =	strace $0x8FFFFFFF  }
0x98: {  	s19 =	sld [smem:$0x3FDB];
	_ =	sdelay $0x1  }
0x99: {  	s4 =	simm.s32 $_scs_section_size  }
0x9a: {  	s5 =	simm.s32 $_size__tile_overlayer_lowered;
	s6 =	simm.s32 $_tile_overlayer_lowered  }
0x9b: {  	s22 =	simm.s32 $0x1BFF;
	s21 =	sshll.u32 s6, $0x1;
	s3 =	sadd.s32 s4, s19  }
0x9c: {  	s7 =	simm.s32 $0x0;
	s20 =	sshll.u32 s5, $0x1;
	s5 =	sadd.s32 s21, s3  }
0x9d: {  	[timem:s7], [sflag:s22] =	dma.local [hbm:s5], s20  }
0x9e: {  	_ =	swait.ge [sflag:s22], s20  }
0x9f: {  	s4 =	ssub.s32 $0x0, s20;
	[sflag:s22] =	ssyncset.done $0x0  }
0xa0: {  	[sflag:s22] =	ssyncadd.s32 s4;
	_ =	sdelay $0x1  }
0xa1: {  	s23 =	simm.s32 $0x1B8B  }
0xa2: {  	_ =	swait.ge [sflag:s23], $0x1  }
0xa3: {  	[sflag:s23] =	ssyncset.done $0x0  }
0xa4: {  	s25 =	simm.s32 $0x1B8E;
	s24 =	sld [smem:$0x3FFE];
	[sflag:s23] =	ssyncadd.s32 $0xFFFFFFFF  }
0xa5: {  	s26 =	simm.s32 $execute0_lowered;
	[smem:$0x3FD2] =	sst s25  }
0xa6: {  	s5 =	sshll.u32 s26, $0x1;
	_ =	strace $0x80000046;
	[dreg:$0x1] =	wrdreg $0xFFFFFFFF  }
0xa7: {  	s28 =	simm.s32 $_size_execute0_lowered;
	s3 =	sadd.s32 s3, s5;
	[dreg:$0x0] =	wrdreg $0x0  }
0xa8: {  	s5 =	sshll.u32 s28, $0x1;
	[dreg:$0x2] =	wrdreg s3  }
0xa9: {  	[dreg:$0x3] =	wrdreg s5  }
0xaa: {  	[dreg:$0x4] =	wrdreg $0xC0  }
0xab: {  	_ =	task [dreg:s7], $0x5FFFF  }
0xac: {  	[dreg:$0x1] =	wrdreg $0xFFFFFFFF  }
0xad: {  	[dreg:$0x0] =	wrdreg $0x60  }
0xae: {  	[dreg:$0x2] =	wrdreg s24  }
0xaf: {  	[dreg:$0x3] =	wrdreg s2  }
0xb0: {  	[dreg:$0x4] =	wrdreg $0x9  }
0xb1: {  	_ =	task.clear_ibuf [dreg:s7], $0x5FFFF;
	_ =	strace $0x90000046  }
0xb2: {  	s29 =	simm.s32 $0x9;
	_ =	strace $0x80000048  }
0xb3: {  	_ =	swait.ge [sflag:s29], $0x1  }
0xb4: {  	[sflag:s29] =	ssyncadd.s32 $0xFFFFFFFF  }
0xb5: {  	_ =	strace $0x90000048  }
0xb6: {  	_ =	sfence  }
0xb7: {  	s30 =	sld [smem:$0x0];
	_ =	sdelay $0x2  }
0xb8: {  	s31 =	sshll.u32 s1, $0xD;
	s1 =	sshrl.u32 s1, $0x2  }
0xb9: {  	s3 =	sand.u32 $0x4000, s31;
	s1 =	sadd.s32 s1, s30  }
0xba: {  	s0 =	sor.u32 s3, s0;
	s1 =	sshll.u32 s1, $0x11  }
0xbb: {  	s0 =	sor.u32 s1, s0  }
0xbc: {  	s0 =	sadd.s32 $0x8F2B, s0  }
0xbd: {  	[sflag:s0] =	ssyncadd.remote.s32 $0x1  }
0xbe: {  	_ =	sfence.sel $0xFFFF  }
0xbf: {  	[dreg:$0x0] =	wrdreg $0xFFFFFFFF;
	(pc) =	sbr.abs _section_cstart, $3  }
0xc0: {  	[dreg:$0x1] =	wrdreg $0xFFFFFFFF  }
0xc1: {  	_ =	task.clear_ibuf [dreg:s7], $0x2FFFF;
	_ =	strace $0x9FFFFFFF  }
0xc2: {  	(tm) =	ssettm $0x7FFFFFFF  }
0xc3: {  	_ =	shalt  }
tec
execute0_lowered:
.L_overlay_start_1:
0x0: {  	(tag) =	ssettag $0x1  }
0x1: {  	s0 =	srdreg.scid;
	s1 =	rddreg [dreg:$0x0]  }
0x2: {  	s2 =	stileid.u32;
	s5 =	rddreg [dreg:$0x1];
	s8 =	simm.s32 $0x80  }
0x3: {  	s14 =	simm.s32 $0x3680;
	s15 =	simm.s32 $0x200;
	s16 =	simm.s32 $0x4680  }
0x4: {  	s17 =	simm.s32 $0x280;
	s18 =	simm.s32 $0x5680;
	s19 =	simm.s32 $0x300  }
0x5: {  	s20 =	simm.s32 $0x6680;
	s21 =	simm.s32 $0x380;
	s22 =	simm.s32 $0x7680  }
0x6: {  	s23 =	simm.s32 $0x400;
	s24 =	simm.s32 $0x8680;
	s25 =	simm.s32 $0x480  }
0x7: {  	s28 =	simm.s32 $0x500;
	s29 =	simm.s32 $0xA680;
	s30 =	simm.s32 $0x580  }
0x8: {  	s31 =	simm.s32 $0xB680;
	s9 =	simm.s32 $0x1;
	s10 =	simm.s32 $0xD680  }
0x9: {  	s11 =	simm.s32 $0x0;
	s0 =	sand.u32 $0x1, s0;
	s2 =	sshll.u32 s2, $0x1  }
0xa: {  	s4 =	sor.u32 s0, s2;
	s2 =	simm.s32 $0x0;
	s0 =	ssub.s32 $0x2, s0  }
0xb: {  	s3 =	smul.u32 $0xD0, s4;
	[smem:$0x7FF] =	sst s2;
	s26 =	sshrl.u32 s0, $0x1  }
0xc: {  	s7 =	sshll.u32 s4, $0x7;
	_ =	strace $0x80000047;
	s0 =	ssub.s32 s0, s26  }
0xd: {  	s5 =	sadd.s32 s5, s7;
	s7 =	simm.s32 $0x2;
	s26 =	simm.s32 $0x9680  }
0xe: {  	s6 =	sadd.s32 s3, s1;
	s3 =	sadd.s32 $0x3000, s1;
	s1 =	simm.s32 $0x600  }
0xf: {  	s4 =	sadd.s32 $0x1600, s6;
	s6 =	smax.u32 s0, $0x1;
	s0 =	simm.s32 $0xC680  }
.LBB2_1:
0x10: {  	[tilespmem:s2], [sflag:$0x2] =	stream.linear.gather [hbm4b:s4+s2], $0x680, $0x38;
	[tilespmem:$0xDA80] =	vst v63  }
0x11: {  	_ =	swait.ge [sflag:s7], $0x680  }
0x12: {  	[sflag:s7] =	ssyncset.done $0x0  }
0x13: {  	s12 =	simm.s32 $0x680;
	[sflag:s7] =	ssyncadd.s32 $0xFFFFF980  }
0x14: {  	[tilespmem:s12], [sflag:$0x1] =	stream.indirect.gather [hbm4b:s3+s8], $0x20, s2, s8, $0xb8;
	[tilespmem:$0xDA80] =	vst v63  }
0x15: {  	s13 =	simm.s32 $0x1680  }
0x16: {  	[tilespmem:s13], [sflag:$0x1] =	stream.indirect.gather [hbm4b:s3+s8], $0x20, s8, s8, $0xb8;
	[tilespmem:$0xDA80] =	vst v63  }
0x17: {  	s12 =	simm.s32 $0x100;
	s13 =	simm.s32 $0x2680  }
0x18: {  	[tilespmem:s13], [sflag:$0x1] =	stream.indirect.gather [hbm4b:s3+s8], $0x20, s12, s8, $0xb8;
	[tilespmem:$0xDA80] =	vst v63  }
0x19: {  	s13 =	simm.s32 $0x180  }
0x1a: {  	[tilespmem:s14], [sflag:$0x1] =	stream.indirect.gather [hbm4b:s3+s8], $0x20, s13, s8, $0xb8;
	[tilespmem:$0xDA80] =	vst v63  }
0x1b: {  	_ = 	snop  }
0x1c: {  	[tilespmem:s16], [sflag:$0x1] =	stream.indirect.gather [hbm4b:s3+s8], $0x20, s15, s8, $0xb8;
	[tilespmem:$0xDA80] =	vst v63  }
0x1d: {  	_ = 	snop  }
0x1e: {  	[tilespmem:s18], [sflag:$0x1] =	stream.indirect.gather [hbm4b:s3+s8], $0x20, s17, s8, $0xb8;
	[tilespmem:$0xDA80] =	vst v63  }
0x1f: {  	_ = 	snop  }
0x20: {  	[tilespmem:s20], [sflag:$0x1] =	stream.indirect.gather [hbm4b:s3+s8], $0x20, s19, s8, $0xb8;
	[tilespmem:$0xDA80] =	vst v63  }
0x21: {  	_ = 	snop  }
0x22: {  	[tilespmem:s22], [sflag:$0x1] =	stream.indirect.gather [hbm4b:s3+s8], $0x20, s21, s8, $0xb8;
	[tilespmem:$0xDA80] =	vst v63  }
0x23: {  	_ = 	snop  }
0x24: {  	[tilespmem:s24], [sflag:$0x1] =	stream.indirect.gather [hbm4b:s3+s8], $0x20, s23, s8, $0xb8;
	[tilespmem:$0xDA80] =	vst v63  }
0x25: {  	_ = 	snop  }
0x26: {  	[tilespmem:s26], [sflag:$0x1] =	stream.indirect.gather [hbm4b:s3+s8], $0x20, s25, s8, $0xb8;
	[tilespmem:$0xDA80] =	vst v63  }
0x27: {  	_ = 	snop  }
0x28: {  	[tilespmem:s29], [sflag:$0x1] =	stream.indirect.gather [hbm4b:s3+s8], $0x20, s28, s8, $0xb8;
	[tilespmem:$0xDA80] =	vst v63  }
0x29: {  	_ = 	snop  }
0x2a: {  	[tilespmem:s31], [sflag:$0x1] =	stream.indirect.gather [hbm4b:s3+s8], $0x20, s30, s8, $0xb8;
	[tilespmem:$0xDA80] =	vst v63  }
0x2b: {  	_ = 	snop  }
0x2c: {  	[tilespmem:s0], [sflag:$0x1] =	stream.indirect.gather [hbm4b:s3+s8], $0x20, s1, s8, $0xb8;
	[tilespmem:$0xDA80] =	vst v63  }
0x2d: {  	_ =	swait.ge [sflag:s9], $0x1000  }
0x2e: {  	[sflag:s9] =	ssyncset.done $0x0  }
0x2f: {  	[sflag:s9] =	ssyncadd.s32 $0xFFFFF000  }
0x30: {  	_ =	swait.ge [sflag:s9], $0x1000  }
0x31: {  	[sflag:s9] =	ssyncset.done $0x0  }
0x32: {  	[sflag:s9] =	ssyncadd.s32 $0xFFFFF000  }
0x33: {  	_ =	swait.ge [sflag:s9], $0x1000  }
0x34: {  	[sflag:s9] =	ssyncset.done $0x0  }
0x35: {  	[sflag:s9] =	ssyncadd.s32 $0xFFFFF000  }
0x36: {  	_ =	swait.ge [sflag:s9], $0x1000  }
0x37: {  	[sflag:s9] =	ssyncset.done $0x0  }
0x38: {  	[sflag:s9] =	ssyncadd.s32 $0xFFFFF000  }
0x39: {  	_ =	swait.ge [sflag:s9], $0x1000  }
0x3a: {  	[sflag:s9] =	ssyncset.done $0x0  }
0x3b: {  	[sflag:s9] =	ssyncadd.s32 $0xFFFFF000  }
0x3c: {  	_ =	swait.ge [sflag:s9], $0x1000  }
0x3d: {  	[sflag:s9] =	ssyncset.done $0x0  }
0x3e: {  	[sflag:s9] =	ssyncadd.s32 $0xFFFFF000  }
0x3f: {  	_ =	swait.ge [sflag:s9], $0x1000  }
0x40: {  	[sflag:s9] =	ssyncset.done $0x0  }
0x41: {  	[sflag:s9] =	ssyncadd.s32 $0xFFFFF000  }
0x42: {  	_ =	swait.ge [sflag:s9], $0x1000  }
0x43: {  	[sflag:s9] =	ssyncset.done $0x0  }
0x44: {  	[sflag:s9] =	ssyncadd.s32 $0xFFFFF000  }
0x45: {  	_ =	swait.ge [sflag:s9], $0x1000  }
0x46: {  	[sflag:s9] =	ssyncset.done $0x0  }
0x47: {  	[sflag:s9] =	ssyncadd.s32 $0xFFFFF000  }
0x48: {  	_ =	swait.ge [sflag:s9], $0x1000  }
0x49: {  	[sflag:s9] =	ssyncset.done $0x0  }
0x4a: {  	[sflag:s9] =	ssyncadd.s32 $0xFFFFF000  }
0x4b: {  	_ =	swait.ge [sflag:s9], $0x1000  }
0x4c: {  	[sflag:s9] =	ssyncset.done $0x0  }
0x4d: {  	[sflag:s9] =	ssyncadd.s32 $0xFFFFF000  }
0x4e: {  	_ =	swait.ge [sflag:s9], $0x1000  }
0x4f: {  	[sflag:s9] =	ssyncset.done $0x0  }
0x50: {  	[sflag:s9] =	ssyncadd.s32 $0xFFFFF000  }
0x51: {  	_ =	swait.ge [sflag:s9], $0x1000  }
0x52: {  	[sflag:s9] =	ssyncset.done $0x0  }
0x53: {  	s13 =	simm.s32 $0x0;
	[sflag:s9] =	ssyncadd.s32 $0xFFFFF000  }
0x54: {  	v1 =	vld [tilespmem:s13+$0x690]  }
0x55: {  	v0 =	vimm.f32 $0.0e+00;
	v2 =	vimm.f32 $0.0e+00;
	s12 =	simm.s32 $0x80;
	v3 =	vld [tilespmem:s13+$0x680]  }
.LBB2_2:
0x56: {  	p0 =	sne.s32 s12, $0x1880  }
.Ltmp0:
0x57: {  	_ = 	snop;
	(pc) =	sbr.rel @p0 .LBB2_2-.Ltmp0, $4  }
0x58: {  	_ = 	snop  }
0x59: {  	s13 =	sshra.s32 s12, $0x2;
	s12 =	sadd.s32 $0x80, s12;
	v0 =	vadd.f32 v1, v0  }
0x5a: {  	v1 =	vld [tilespmem:s13+$0x690];
	v2 =	vadd.f32 v3, v2  }
0x5b: {  	v3 =	vld [tilespmem:s13+$0x680]  }
0x5c: {  	_ =	sdelay $0x2  }
0x5d: {  	v0 =	vadd.f32 v1, v0  }
0x5e: {  	v2 =	vadd.f32 v3, v2  }
0x5f: {  	v0 =	vmul.f32 $1.999999960e-02, v0  }
0x60: {  	v1 =	vmul.f32 $1.999999960e-02, v2  }
0x61: {  	[tilespmem:$0xD690] =	vst v0  }
0x62: {  	s13 =	simm.s32 $0x0;
	[tilespmem:$0xD680] =	vst v1  }
0x63: {  	v1 =	vld [tilespmem:s13+$0xCD0]  }
0x64: {  	s12 =	simm.s32 $0x80;
	v2 =	vimm.f32 $0.0e+00;
	v0 =	vimm.f32 $0.0e+00;
	v3 =	vld [tilespmem:s13+$0xCC0]  }
.LBB2_4:
0x65: {  	p0 =	sne.s32 s12, $0x1880  }
.Ltmp1:
0x66: {  	_ = 	snop;
	(pc) =	sbr.rel @p0 .LBB2_4-.Ltmp1, $4  }
0x67: {  	_ = 	snop  }
0x68: {  	s13 =	sshra.s32 s12, $0x2;
	s12 =	sadd.s32 $0x80, s12;
	v0 =	vadd.f32 v1, v0  }
0x69: {  	v1 =	vld [tilespmem:s13+$0xCD0];
	v2 =	vadd.f32 v3, v2  }
0x6a: {  	v3 =	vld [tilespmem:s13+$0xCC0]  }
0x6b: {  	_ =	sdelay $0x2  }
0x6c: {  	v0 =	vadd.f32 v1, v0  }
0x6d: {  	v2 =	vadd.f32 v3, v2  }
0x6e: {  	v0 =	vmul.f32 $1.999999960e-02, v0  }
0x6f: {  	v1 =	vmul.f32 $1.999999960e-02, v2  }
0x70: {  	[tilespmem:$0xD6B0] =	vst v0  }
0x71: {  	s13 =	simm.s32 $0x0;
	[tilespmem:$0xD6A0] =	vst v1  }
0x72: {  	v1 =	vld [tilespmem:s13+$0x1310]  }
0x73: {  	s12 =	simm.s32 $0x80;
	v2 =	vimm.f32 $0.0e+00;
	v0 =	vimm.f32 $0.0e+00;
	v3 =	vld [tilespmem:s13+$0x1300]  }
.LBB2_6:
0x74: {  	p0 =	sne.s32 s12, $0x1880  }
.Ltmp2:
0x75: {  	_ = 	snop;
	(pc) =	sbr.rel @p0 .LBB2_6-.Ltmp2, $4  }
0x76: {  	_ = 	snop  }
0x77: {  	s13 =	sshra.s32 s12, $0x2;
	s12 =	sadd.s32 $0x80, s12;
	v0 =	vadd.f32 v1, v0  }
0x78: {  	v1 =	vld [tilespmem:s13+$0x1310];
	v2 =	vadd.f32 v3, v2  }
0x79: {  	v3 =	vld [tilespmem:s13+$0x1300]  }
0x7a: {  	_ =	sdelay $0x2  }
0x7b: {  	v0 =	vadd.f32 v1, v0  }
0x7c: {  	v2 =	vadd.f32 v3, v2  }
0x7d: {  	v0 =	vmul.f32 $1.999999960e-02, v0  }
0x7e: {  	v1 =	vmul.f32 $1.999999960e-02, v2  }
0x7f: {  	[tilespmem:$0xD6D0] =	vst v0  }
0x80: {  	s13 =	simm.s32 $0x0;
	[tilespmem:$0xD6C0] =	vst v1  }
0x81: {  	v1 =	vld [tilespmem:s13+$0x1950]  }
0x82: {  	s12 =	simm.s32 $0x80;
	v2 =	vimm.f32 $0.0e+00;
	v0 =	vimm.f32 $0.0e+00;
	v3 =	vld [tilespmem:s13+$0x1940]  }
.LBB2_8:
0x83: {  	p0 =	sne.s32 s12, $0x1880  }
.Ltmp3:
0x84: {  	_ = 	snop;
	(pc) =	sbr.rel @p0 .LBB2_8-.Ltmp3, $4  }
0x85: {  	_ = 	snop  }
0x86: {  	s13 =	sshra.s32 s12, $0x2;
	s12 =	sadd.s32 $0x80, s12;
	v0 =	vadd.f32 v1, v0  }
0x87: {  	v1 =	vld [tilespmem:s13+$0x1950];
	v2 =	vadd.f32 v3, v2  }
0x88: {  	v3 =	vld [tilespmem:s13+$0x1940]  }
0x89: {  	_ =	sdelay $0x2  }
0x8a: {  	v0 =	vadd.f32 v1, v0  }
0x8b: {  	v2 =	vadd.f32 v3, v2  }
0x8c: {  	v0 =	vmul.f32 $1.999999960e-02, v0  }
0x8d: {  	v1 =	vmul.f32 $1.999999960e-02, v2  }
0x8e: {  	[tilespmem:$0xD6F0] =	vst v0  }
0x8f: {  	s13 =	simm.s32 $0x0;
	[tilespmem:$0xD6E0] =	vst v1  }
0x90: {  	v1 =	vld [tilespmem:s13+$0x1F90]  }
0x91: {  	s12 =	simm.s32 $0x80;
	v2 =	vimm.f32 $0.0e+00;
	v0 =	vimm.f32 $0.0e+00;
	v3 =	vld [tilespmem:s13+$0x1F80]  }
.LBB2_10:
0x92: {  	p0 =	sne.s32 s12, $0x1880  }
.Ltmp4:
0x93: {  	_ = 	snop;
	(pc) =	sbr.rel @p0 .LBB2_10-.Ltmp4, $4  }
0x94: {  	_ = 	snop  }
0x95: {  	s13 =	sshra.s32 s12, $0x2;
	s12 =	sadd.s32 $0x80, s12;
	v0 =	vadd.f32 v1, v0  }
0x96: {  	v1 =	vld [tilespmem:s13+$0x1F90];
	v2 =	vadd.f32 v3, v2  }
0x97: {  	v3 =	vld [tilespmem:s13+$0x1F80]  }
0x98: {  	_ =	sdelay $0x2  }
0x99: {  	v0 =	vadd.f32 v1, v0  }
0x9a: {  	v2 =	vadd.f32 v3, v2  }
0x9b: {  	v0 =	vmul.f32 $1.999999960e-02, v0  }
0x9c: {  	v1 =	vmul.f32 $1.999999960e-02, v2  }
0x9d: {  	[tilespmem:$0xD710] =	vst v0  }
0x9e: {  	s13 =	simm.s32 $0x0;
	[tilespmem:$0xD700] =	vst v1  }
0x9f: {  	v1 =	vld [tilespmem:s13+$0x25D0]  }
0xa0: {  	s12 =	simm.s32 $0x80;
	v2 =	vimm.f32 $0.0e+00;
	v0 =	vimm.f32 $0.0e+00;
	v3 =	vld [tilespmem:s13+$0x25C0]  }
.LBB2_12:
0xa1: {  	p0 =	sne.s32 s12, $0x1880  }
.Ltmp5:
0xa2: {  	_ = 	snop;
	(pc) =	sbr.rel @p0 .LBB2_12-.Ltmp5, $4  }
0xa3: {  	_ = 	snop  }
0xa4: {  	s13 =	sshra.s32 s12, $0x2;
	s12 =	sadd.s32 $0x80, s12;
	v0 =	vadd.f32 v1, v0  }
0xa5: {  	v1 =	vld [tilespmem:s13+$0x25D0];
	v2 =	vadd.f32 v3, v2  }
0xa6: {  	v3 =	vld [tilespmem:s13+$0x25C0]  }
0xa7: {  	_ =	sdelay $0x2  }
0xa8: {  	v0 =	vadd.f32 v1, v0  }
0xa9: {  	v2 =	vadd.f32 v3, v2  }
0xaa: {  	v0 =	vmul.f32 $1.999999960e-02, v0  }
0xab: {  	v1 =	vmul.f32 $1.999999960e-02, v2  }
0xac: {  	[tilespmem:$0xD730] =	vst v0  }
0xad: {  	s13 =	simm.s32 $0x0;
	[tilespmem:$0xD720] =	vst v1  }
0xae: {  	v1 =	vld [tilespmem:s13+$0x2C10]  }
0xaf: {  	s12 =	simm.s32 $0x80;
	v2 =	vimm.f32 $0.0e+00;
	v0 =	vimm.f32 $0.0e+00;
	v3 =	vld [tilespmem:s13+$0x2C00]  }
.LBB2_14:
0xb0: {  	p0 =	sne.s32 s12, $0x1880  }
.Ltmp6:
0xb1: {  	_ = 	snop;
	(pc) =	sbr.rel @p0 .LBB2_14-.Ltmp6, $4  }
0xb2: {  	_ = 	snop  }
0xb3: {  	s13 =	sshra.s32 s12, $0x2;
	s12 =	sadd.s32 $0x80, s12;
	v0 =	vadd.f32 v1, v0  }
0xb4: {  	v1 =	vld [tilespmem:s13+$0x2C10];
	v2 =	vadd.f32 v3, v2  }
0xb5: {  	v3 =	vld [tilespmem:s13+$0x2C00]  }
0xb6: {  	_ =	sdelay $0x2  }
0xb7: {  	v0 =	vadd.f32 v1, v0  }
0xb8: {  	v2 =	vadd.f32 v3, v2  }
0xb9: {  	v0 =	vmul.f32 $1.999999960e-02, v0  }
0xba: {  	v1 =	vmul.f32 $1.999999960e-02, v2  }
0xbb: {  	[tilespmem:$0xD750] =	vst v0  }
0xbc: {  	s13 =	simm.s32 $0x0;
	[tilespmem:$0xD740] =	vst v1  }
0xbd: {  	v1 =	vld [tilespmem:s13+$0x3250]  }
0xbe: {  	s12 =	simm.s32 $0x80;
	v2 =	vimm.f32 $0.0e+00;
	v0 =	vimm.f32 $0.0e+00;
	v3 =	vld [tilespmem:s13+$0x3240]  }
.LBB2_16:
0xbf: {  	p0 =	sne.s32 s12, $0x1880  }
.Ltmp7:
0xc0: {  	_ = 	snop;
	(pc) =	sbr.rel @p0 .LBB2_16-.Ltmp7, $4  }
0xc1: {  	_ = 	snop  }
0xc2: {  	s13 =	sshra.s32 s12, $0x2;
	s12 =	sadd.s32 $0x80, s12;
	v0 =	vadd.f32 v1, v0  }
0xc3: {  	v1 =	vld [tilespmem:s13+$0x3250];
	v2 =	vadd.f32 v3, v2  }
0xc4: {  	v3 =	vld [tilespmem:s13+$0x3240]  }
0xc5: {  	_ =	sdelay $0x2  }
0xc6: {  	v0 =	vadd.f32 v1, v0  }
0xc7: {  	v2 =	vadd.f32 v3, v2  }
0xc8: {  	v0 =	vmul.f32 $1.999999960e-02, v0  }
0xc9: {  	v1 =	vmul.f32 $1.999999960e-02, v2  }
0xca: {  	[tilespmem:$0xD770] =	vst v0  }
0xcb: {  	s13 =	simm.s32 $0x0;
	[tilespmem:$0xD760] =	vst v1  }
0xcc: {  	v1 =	vld [tilespmem:s13+$0x3890]  }
0xcd: {  	s12 =	simm.s32 $0x80;
	v2 =	vimm.f32 $0.0e+00;
	v0 =	vimm.f32 $0.0e+00;
	v3 =	vld [tilespmem:s13+$0x3880]  }
.LBB2_18:
0xce: {  	p0 =	sne.s32 s12, $0x1880  }
.Ltmp8:
0xcf: {  	_ = 	snop;
	(pc) =	sbr.rel @p0 .LBB2_18-.Ltmp8, $4  }
0xd0: {  	_ = 	snop  }
0xd1: {  	s13 =	sshra.s32 s12, $0x2;
	s12 =	sadd.s32 $0x80, s12;
	v0 =	vadd.f32 v1, v0  }
0xd2: {  	v1 =	vld [tilespmem:s13+$0x3890];
	v2 =	vadd.f32 v3, v2  }
0xd3: {  	v3 =	vld [tilespmem:s13+$0x3880]  }
0xd4: {  	_ =	sdelay $0x2  }
0xd5: {  	v0 =	vadd.f32 v1, v0  }
0xd6: {  	v2 =	vadd.f32 v3, v2  }
0xd7: {  	v0 =	vmul.f32 $1.999999960e-02, v0  }
0xd8: {  	v1 =	vmul.f32 $1.999999960e-02, v2  }
0xd9: {  	[tilespmem:$0xD790] =	vst v0  }
0xda: {  	s13 =	simm.s32 $0x0;
	[tilespmem:$0xD780] =	vst v1  }
0xdb: {  	v1 =	vld [tilespmem:s13+$0x3ED0]  }
0xdc: {  	s12 =	simm.s32 $0x80;
	v2 =	vimm.f32 $0.0e+00;
	v0 =	vimm.f32 $0.0e+00;
	v3 =	vld [tilespmem:s13+$0x3EC0]  }
.LBB2_20:
0xdd: {  	p0 =	sne.s32 s12, $0x1880  }
.Ltmp9:
0xde: {  	_ = 	snop;
	(pc) =	sbr.rel @p0 .LBB2_20-.Ltmp9, $4  }
0xdf: {  	_ = 	snop  }
0xe0: {  	s13 =	sshra.s32 s12, $0x2;
	s12 =	sadd.s32 $0x80, s12;
	v0 =	vadd.f32 v1, v0  }
0xe1: {  	v1 =	vld [tilespmem:s13+$0x3ED0];
	v2 =	vadd.f32 v3, v2  }
0xe2: {  	v3 =	vld [tilespmem:s13+$0x3EC0]  }
0xe3: {  	_ =	sdelay $0x2  }
0xe4: {  	v0 =	vadd.f32 v1, v0  }
0xe5: {  	v2 =	vadd.f32 v3, v2  }
0xe6: {  	v0 =	vmul.f32 $1.999999960e-02, v0  }
0xe7: {  	v1 =	vmul.f32 $1.999999960e-02, v2  }
0xe8: {  	[tilespmem:$0xD7B0] =	vst v0  }
0xe9: {  	s13 =	simm.s32 $0x0;
	[tilespmem:$0xD7A0] =	vst v1  }
0xea: {  	v1 =	vld [tilespmem:s13+$0x4510]  }
0xeb: {  	s12 =	simm.s32 $0x80;
	v2 =	vimm.f32 $0.0e+00;
	v0 =	vimm.f32 $0.0e+00;
	v3 =	vld [tilespmem:s13+$0x4500]  }
.LBB2_22:
0xec: {  	p0 =	sne.s32 s12, $0x1880  }
.Ltmp10:
0xed: {  	_ = 	snop;
	(pc) =	sbr.rel @p0 .LBB2_22-.Ltmp10, $4  }
0xee: {  	_ = 	snop  }
0xef: {  	s13 =	sshra.s32 s12, $0x2;
	s12 =	sadd.s32 $0x80, s12;
	v0 =	vadd.f32 v1, v0  }
0xf0: {  	v1 =	vld [tilespmem:s13+$0x4510];
	v2 =	vadd.f32 v3, v2  }
0xf1: {  	v3 =	vld [tilespmem:s13+$0x4500]  }
0xf2: {  	_ =	sdelay $0x2  }
0xf3: {  	v0 =	vadd.f32 v1, v0  }
0xf4: {  	v2 =	vadd.f32 v3, v2  }
0xf5: {  	v0 =	vmul.f32 $1.999999960e-02, v0  }
0xf6: {  	v1 =	vmul.f32 $1.999999960e-02, v2  }
0xf7: {  	[tilespmem:$0xD7D0] =	vst v0  }
0xf8: {  	s13 =	simm.s32 $0x0;
	[tilespmem:$0xD7C0] =	vst v1  }
0xf9: {  	v1 =	vld [tilespmem:s13+$0x4B50]  }
0xfa: {  	s12 =	simm.s32 $0x80;
	v2 =	vimm.f32 $0.0e+00;
	v0 =	vimm.f32 $0.0e+00;
	v3 =	vld [tilespmem:s13+$0x4B40]  }
.LBB2_24:
0xfb: {  	p0 =	sne.s32 s12, $0x1880  }
.Ltmp11:
0xfc: {  	_ = 	snop;
	(pc) =	sbr.rel @p0 .LBB2_24-.Ltmp11, $4  }
0xfd: {  	_ = 	snop  }
0xfe: {  	s13 =	sshra.s32 s12, $0x2;
	s12 =	sadd.s32 $0x80, s12;
	v0 =	vadd.f32 v1, v0  }
0xff: {  	v1 =	vld [tilespmem:s13+$0x4B50];
	v2 =	vadd.f32 v3, v2  }
0x100: {  	v3 =	vld [tilespmem:s13+$0x4B40]  }
0x101: {  	_ =	sdelay $0x2  }
0x102: {  	v0 =	vadd.f32 v1, v0  }
0x103: {  	v2 =	vadd.f32 v3, v2  }
0x104: {  	v0 =	vmul.f32 $1.999999960e-02, v0  }
0x105: {  	v1 =	vmul.f32 $1.999999960e-02, v2  }
0x106: {  	[tilespmem:$0xD7F0] =	vst v0  }
0x107: {  	s13 =	simm.s32 $0x0;
	[tilespmem:$0xD7E0] =	vst v1  }
0x108: {  	v1 =	vld [tilespmem:s13+$0x5190]  }
0x109: {  	s12 =	simm.s32 $0x80;
	v2 =	vimm.f32 $0.0e+00;
	v0 =	vimm.f32 $0.0e+00;
	v3 =	vld [tilespmem:s13+$0x5180]  }
.LBB2_26:
0x10a: {  	p0 =	sne.s32 s12, $0x1880  }
.Ltmp12:
0x10b: {  	_ = 	snop;
	(pc) =	sbr.rel @p0 .LBB2_26-.Ltmp12, $4  }
0x10c: {  	_ = 	snop  }
0x10d: {  	s13 =	sshra.s32 s12, $0x2;
	s12 =	sadd.s32 $0x80, s12;
	v0 =	vadd.f32 v1, v0  }
0x10e: {  	v1 =	vld [tilespmem:s13+$0x5190];
	v2 =	vadd.f32 v3, v2  }
0x10f: {  	v3 =	vld [tilespmem:s13+$0x5180]  }
0x110: {  	_ =	sdelay $0x2  }
0x111: {  	v0 =	vadd.f32 v1, v0  }
0x112: {  	v2 =	vadd.f32 v3, v2  }
0x113: {  	v0 =	vmul.f32 $1.999999960e-02, v0  }
0x114: {  	v1 =	vmul.f32 $1.999999960e-02, v2  }
0x115: {  	[tilespmem:$0xD810] =	vst v0  }
0x116: {  	s13 =	simm.s32 $0x0;
	[tilespmem:$0xD800] =	vst v1  }
0x117: {  	v1 =	vld [tilespmem:s13+$0x57D0]  }
0x118: {  	s12 =	simm.s32 $0x80;
	v2 =	vimm.f32 $0.0e+00;
	v0 =	vimm.f32 $0.0e+00;
	v3 =	vld [tilespmem:s13+$0x57C0]  }
.LBB2_28:
0x119: {  	p0 =	sne.s32 s12, $0x1880  }
.Ltmp13:
0x11a: {  	_ = 	snop;
	(pc) =	sbr.rel @p0 .LBB2_28-.Ltmp13, $4  }
0x11b: {  	_ = 	snop  }
0x11c: {  	s13 =	sshra.s32 s12, $0x2;
	s12 =	sadd.s32 $0x80, s12;
	v0 =	vadd.f32 v1, v0  }
0x11d: {  	v1 =	vld [tilespmem:s13+$0x57D0];
	v2 =	vadd.f32 v3, v2  }
0x11e: {  	v3 =	vld [tilespmem:s13+$0x57C0]  }
0x11f: {  	_ =	sdelay $0x2  }
0x120: {  	v0 =	vadd.f32 v1, v0  }
0x121: {  	v2 =	vadd.f32 v3, v2  }
0x122: {  	v0 =	vmul.f32 $1.999999960e-02, v0  }
0x123: {  	v1 =	vmul.f32 $1.999999960e-02, v2  }
0x124: {  	[tilespmem:$0xD830] =	vst v0  }
0x125: {  	s13 =	simm.s32 $0x0;
	[tilespmem:$0xD820] =	vst v1  }
0x126: {  	v1 =	vld [tilespmem:s13+$0x5E10]  }
0x127: {  	s12 =	simm.s32 $0x80;
	v2 =	vimm.f32 $0.0e+00;
	v0 =	vimm.f32 $0.0e+00;
	v3 =	vld [tilespmem:s13+$0x5E00]  }
.LBB2_30:
0x128: {  	p0 =	sne.s32 s12, $0x1880  }
.Ltmp14:
0x129: {  	_ = 	snop;
	(pc) =	sbr.rel @p0 .LBB2_30-.Ltmp14, $4  }
0x12a: {  	_ = 	snop  }
0x12b: {  	s13 =	sshra.s32 s12, $0x2;
	s12 =	sadd.s32 $0x80, s12;
	v0 =	vadd.f32 v1, v0  }
0x12c: {  	v1 =	vld [tilespmem:s13+$0x5E10];
	v2 =	vadd.f32 v3, v2  }
0x12d: {  	v3 =	vld [tilespmem:s13+$0x5E00]  }
0x12e: {  	_ =	sdelay $0x2  }
0x12f: {  	v0 =	vadd.f32 v1, v0  }
0x130: {  	v2 =	vadd.f32 v3, v2  }
0x131: {  	v0 =	vmul.f32 $1.999999960e-02, v0  }
0x132: {  	v1 =	vmul.f32 $1.999999960e-02, v2  }
0x133: {  	[tilespmem:$0xD850] =	vst v0  }
0x134: {  	s13 =	simm.s32 $0x0;
	[tilespmem:$0xD840] =	vst v1  }
0x135: {  	v1 =	vld [tilespmem:s13+$0x6450]  }
0x136: {  	s12 =	simm.s32 $0x80;
	v2 =	vimm.f32 $0.0e+00;
	v0 =	vimm.f32 $0.0e+00;
	v3 =	vld [tilespmem:s13+$0x6440]  }
.LBB2_32:
0x137: {  	p0 =	sne.s32 s12, $0x1880  }
.Ltmp15:
0x138: {  	_ = 	snop;
	(pc) =	sbr.rel @p0 .LBB2_32-.Ltmp15, $4  }
0x139: {  	_ = 	snop  }
0x13a: {  	s13 =	sshra.s32 s12, $0x2;
	s12 =	sadd.s32 $0x80, s12;
	v0 =	vadd.f32 v1, v0  }
0x13b: {  	v1 =	vld [tilespmem:s13+$0x6450];
	v2 =	vadd.f32 v3, v2  }
0x13c: {  	v3 =	vld [tilespmem:s13+$0x6440]  }
0x13d: {  	_ =	sdelay $0x2  }
0x13e: {  	v0 =	vadd.f32 v1, v0  }
0x13f: {  	v2 =	vadd.f32 v3, v2  }
0x140: {  	v0 =	vmul.f32 $1.999999960e-02, v0  }
0x141: {  	v1 =	vmul.f32 $1.999999960e-02, v2  }
0x142: {  	[tilespmem:$0xD870] =	vst v0  }
0x143: {  	s13 =	simm.s32 $0x0;
	[tilespmem:$0xD860] =	vst v1  }
0x144: {  	v1 =	vld [tilespmem:s13+$0x6A90]  }
0x145: {  	s12 =	simm.s32 $0x80;
	v2 =	vimm.f32 $0.0e+00;
	v0 =	vimm.f32 $0.0e+00;
	v3 =	vld [tilespmem:s13+$0x6A80]  }
.LBB2_34:
0x146: {  	p0 =	sne.s32 s12, $0x1880  }
.Ltmp16:
0x147: {  	_ = 	snop;
	(pc) =	sbr.rel @p0 .LBB2_34-.Ltmp16, $4  }
0x148: {  	_ = 	snop  }
0x149: {  	s13 =	sshra.s32 s12, $0x2;
	s12 =	sadd.s32 $0x80, s12;
	v0 =	vadd.f32 v1, v0  }
0x14a: {  	v1 =	vld [tilespmem:s13+$0x6A90];
	v2 =	vadd.f32 v3, v2  }
0x14b: {  	v3 =	vld [tilespmem:s13+$0x6A80]  }
0x14c: {  	_ =	sdelay $0x2  }
0x14d: {  	v0 =	vadd.f32 v1, v0  }
0x14e: {  	v2 =	vadd.f32 v3, v2  }
0x14f: {  	v0 =	vmul.f32 $1.999999960e-02, v0  }
0x150: {  	v1 =	vmul.f32 $1.999999960e-02, v2  }
0x151: {  	[tilespmem:$0xD890] =	vst v0  }
0x152: {  	s13 =	simm.s32 $0x0;
	[tilespmem:$0xD880] =	vst v1  }
0x153: {  	v1 =	vld [tilespmem:s13+$0x70D0]  }
0x154: {  	s12 =	simm.s32 $0x80;
	v2 =	vimm.f32 $0.0e+00;
	v0 =	vimm.f32 $0.0e+00;
	v3 =	vld [tilespmem:s13+$0x70C0]  }
.LBB2_36:
0x155: {  	p0 =	sne.s32 s12, $0x1880  }
.Ltmp17:
0x156: {  	_ = 	snop;
	(pc) =	sbr.rel @p0 .LBB2_36-.Ltmp17, $4  }
0x157: {  	_ = 	snop  }
0x158: {  	s13 =	sshra.s32 s12, $0x2;
	s12 =	sadd.s32 $0x80, s12;
	v0 =	vadd.f32 v1, v0  }
0x159: {  	v1 =	vld [tilespmem:s13+$0x70D0];
	v2 =	vadd.f32 v3, v2  }
0x15a: {  	v3 =	vld [tilespmem:s13+$0x70C0]  }
0x15b: {  	_ =	sdelay $0x2  }
0x15c: {  	v0 =	vadd.f32 v1, v0  }
0x15d: {  	v2 =	vadd.f32 v3, v2  }
0x15e: {  	v0 =	vmul.f32 $1.999999960e-02, v0  }
0x15f: {  	v1 =	vmul.f32 $1.999999960e-02, v2  }
0x160: {  	[tilespmem:$0xD8B0] =	vst v0  }
0x161: {  	s13 =	simm.s32 $0x0;
	[tilespmem:$0xD8A0] =	vst v1  }
0x162: {  	v1 =	vld [tilespmem:s13+$0x7710]  }
0x163: {  	s12 =	simm.s32 $0x80;
	v2 =	vimm.f32 $0.0e+00;
	v0 =	vimm.f32 $0.0e+00;
	v3 =	vld [tilespmem:s13+$0x7700]  }
.LBB2_38:
0x164: {  	p0 =	sne.s32 s12, $0x1880  }
.Ltmp18:
0x165: {  	_ = 	snop;
	(pc) =	sbr.rel @p0 .LBB2_38-.Ltmp18, $4  }
0x166: {  	_ = 	snop  }
0x167: {  	s13 =	sshra.s32 s12, $0x2;
	s12 =	sadd.s32 $0x80, s12;
	v0 =	vadd.f32 v1, v0  }
0x168: {  	v1 =	vld [tilespmem:s13+$0x7710];
	v2 =	vadd.f32 v3, v2  }
0x169: {  	v3 =	vld [tilespmem:s13+$0x7700]  }
0x16a: {  	_ =	sdelay $0x2  }
0x16b: {  	v0 =	vadd.f32 v1, v0  }
0x16c: {  	v2 =	vadd.f32 v3, v2  }
0x16d: {  	v0 =	vmul.f32 $1.999999960e-02, v0  }
0x16e: {  	v1 =	vmul.f32 $1.999999960e-02, v2  }
0x16f: {  	[tilespmem:$0xD8D0] =	vst v0  }
0x170: {  	s13 =	simm.s32 $0x0;
	[tilespmem:$0xD8C0] =	vst v1  }
0x171: {  	v1 =	vld [tilespmem:s13+$0x7D50]  }
0x172: {  	s12 =	simm.s32 $0x80;
	v2 =	vimm.f32 $0.0e+00;
	v0 =	vimm.f32 $0.0e+00;
	v3 =	vld [tilespmem:s13+$0x7D40]  }
.LBB2_40:
0x173: {  	p0 =	sne.s32 s12, $0x1880  }
.Ltmp19:
0x174: {  	_ = 	snop;
	(pc) =	sbr.rel @p0 .LBB2_40-.Ltmp19, $4  }
0x175: {  	_ = 	snop  }
0x176: {  	s13 =	sshra.s32 s12, $0x2;
	s12 =	sadd.s32 $0x80, s12;
	v0 =	vadd.f32 v1, v0  }
0x177: {  	v1 =	vld [tilespmem:s13+$0x7D50];
	v2 =	vadd.f32 v3, v2  }
0x178: {  	v3 =	vld [tilespmem:s13+$0x7D40]  }
0x179: {  	_ =	sdelay $0x2  }
0x17a: {  	v0 =	vadd.f32 v1, v0  }
0x17b: {  	v2 =	vadd.f32 v3, v2  }
0x17c: {  	v0 =	vmul.f32 $1.999999960e-02, v0  }
0x17d: {  	v1 =	vmul.f32 $1.999999960e-02, v2  }
0x17e: {  	[tilespmem:$0xD8F0] =	vst v0  }
0x17f: {  	s13 =	simm.s32 $0x0;
	[tilespmem:$0xD8E0] =	vst v1  }
0x180: {  	v1 =	vld [tilespmem:s13+$0x8390]  }
0x181: {  	s12 =	simm.s32 $0x80;
	v2 =	vimm.f32 $0.0e+00;
	v0 =	vimm.f32 $0.0e+00;
	v3 =	vld [tilespmem:s13+$0x8380]  }
.LBB2_42:
0x182: {  	p0 =	sne.s32 s12, $0x1880  }
.Ltmp20:
0x183: {  	_ = 	snop;
	(pc) =	sbr.rel @p0 .LBB2_42-.Ltmp20, $4  }
0x184: {  	_ = 	snop  }
0x185: {  	s13 =	sshra.s32 s12, $0x2;
	s12 =	sadd.s32 $0x80, s12;
	v0 =	vadd.f32 v1, v0  }
0x186: {  	v1 =	vld [tilespmem:s13+$0x8390];
	v2 =	vadd.f32 v3, v2  }
0x187: {  	v3 =	vld [tilespmem:s13+$0x8380]  }
0x188: {  	_ =	sdelay $0x2  }
0x189: {  	v0 =	vadd.f32 v1, v0  }
0x18a: {  	v2 =	vadd.f32 v3, v2  }
0x18b: {  	v0 =	vmul.f32 $1.999999960e-02, v0  }
0x18c: {  	v1 =	vmul.f32 $1.999999960e-02, v2  }
0x18d: {  	[tilespmem:$0xD910] =	vst v0  }
0x18e: {  	s13 =	simm.s32 $0x0;
	[tilespmem:$0xD900] =	vst v1  }
0x18f: {  	v1 =	vld [tilespmem:s13+$0x89D0]  }
0x190: {  	s12 =	simm.s32 $0x80;
	v2 =	vimm.f32 $0.0e+00;
	v0 =	vimm.f32 $0.0e+00;
	v3 =	vld [tilespmem:s13+$0x89C0]  }
.LBB2_44:
0x191: {  	p0 =	sne.s32 s12, $0x1880  }
.Ltmp21:
0x192: {  	_ = 	snop;
	(pc) =	sbr.rel @p0 .LBB2_44-.Ltmp21, $4  }
0x193: {  	_ = 	snop  }
0x194: {  	s13 =	sshra.s32 s12, $0x2;
	s12 =	sadd.s32 $0x80, s12;
	v0 =	vadd.f32 v1, v0  }
0x195: {  	v1 =	vld [tilespmem:s13+$0x89D0];
	v2 =	vadd.f32 v3, v2  }
0x196: {  	v3 =	vld [tilespmem:s13+$0x89C0]  }
0x197: {  	_ =	sdelay $0x2  }
0x198: {  	v0 =	vadd.f32 v1, v0  }
0x199: {  	v2 =	vadd.f32 v3, v2  }
0x19a: {  	v0 =	vmul.f32 $1.999999960e-02, v0  }
0x19b: {  	v1 =	vmul.f32 $1.999999960e-02, v2  }
0x19c: {  	[tilespmem:$0xD930] =	vst v0  }
0x19d: {  	s13 =	simm.s32 $0x0;
	[tilespmem:$0xD920] =	vst v1  }
0x19e: {  	v1 =	vld [tilespmem:s13+$0x9010]  }
0x19f: {  	s12 =	simm.s32 $0x80;
	v2 =	vimm.f32 $0.0e+00;
	v0 =	vimm.f32 $0.0e+00;
	v3 =	vld [tilespmem:s13+$0x9000]  }
.LBB2_46:
0x1a0: {  	p0 =	sne.s32 s12, $0x1880  }
.Ltmp22:
0x1a1: {  	_ = 	snop;
	(pc) =	sbr.rel @p0 .LBB2_46-.Ltmp22, $4  }
0x1a2: {  	_ = 	snop  }
0x1a3: {  	s13 =	sshra.s32 s12, $0x2;
	s12 =	sadd.s32 $0x80, s12;
	v0 =	vadd.f32 v1, v0  }
0x1a4: {  	v1 =	vld [tilespmem:s13+$0x9010];
	v2 =	vadd.f32 v3, v2  }
0x1a5: {  	v3 =	vld [tilespmem:s13+$0x9000]  }
0x1a6: {  	_ =	sdelay $0x2  }
0x1a7: {  	v0 =	vadd.f32 v1, v0  }
0x1a8: {  	v2 =	vadd.f32 v3, v2  }
0x1a9: {  	v0 =	vmul.f32 $1.999999960e-02, v0  }
0x1aa: {  	v1 =	vmul.f32 $1.999999960e-02, v2  }
0x1ab: {  	[tilespmem:$0xD950] =	vst v0  }
0x1ac: {  	s13 =	simm.s32 $0x0;
	[tilespmem:$0xD940] =	vst v1  }
0x1ad: {  	v1 =	vld [tilespmem:s13+$0x9650]  }
0x1ae: {  	s12 =	simm.s32 $0x80;
	v2 =	vimm.f32 $0.0e+00;
	v0 =	vimm.f32 $0.0e+00;
	v3 =	vld [tilespmem:s13+$0x9640]  }
.LBB2_48:
0x1af: {  	p0 =	sne.s32 s12, $0x1880  }
.Ltmp23:
0x1b0: {  	_ = 	snop;
	(pc) =	sbr.rel @p0 .LBB2_48-.Ltmp23, $4  }
0x1b1: {  	_ = 	snop  }
0x1b2: {  	s13 =	sshra.s32 s12, $0x2;
	s12 =	sadd.s32 $0x80, s12;
	v0 =	vadd.f32 v1, v0  }
0x1b3: {  	v1 =	vld [tilespmem:s13+$0x9650];
	v2 =	vadd.f32 v3, v2  }
0x1b4: {  	v3 =	vld [tilespmem:s13+$0x9640]  }
0x1b5: {  	_ =	sdelay $0x2  }
0x1b6: {  	v0 =	vadd.f32 v1, v0  }
0x1b7: {  	v2 =	vadd.f32 v3, v2  }
0x1b8: {  	v0 =	vmul.f32 $1.999999960e-02, v0  }
0x1b9: {  	v1 =	vmul.f32 $1.999999960e-02, v2  }
0x1ba: {  	[tilespmem:$0xD970] =	vst v0  }
0x1bb: {  	s13 =	simm.s32 $0x0;
	[tilespmem:$0xD960] =	vst v1  }
0x1bc: {  	v1 =	vld [tilespmem:s13+$0x9C90]  }
0x1bd: {  	s12 =	simm.s32 $0x80;
	v2 =	vimm.f32 $0.0e+00;
	v0 =	vimm.f32 $0.0e+00;
	v3 =	vld [tilespmem:s13+$0x9C80]  }
.LBB2_50:
0x1be: {  	p0 =	sne.s32 s12, $0x1880  }
.Ltmp24:
0x1bf: {  	_ = 	snop;
	(pc) =	sbr.rel @p0 .LBB2_50-.Ltmp24, $4  }
0x1c0: {  	_ = 	snop  }
0x1c1: {  	s13 =	sshra.s32 s12, $0x2;
	s12 =	sadd.s32 $0x80, s12;
	v0 =	vadd.f32 v1, v0  }
0x1c2: {  	v1 =	vld [tilespmem:s13+$0x9C90];
	v2 =	vadd.f32 v3, v2  }
0x1c3: {  	v3 =	vld [tilespmem:s13+$0x9C80]  }
0x1c4: {  	_ =	sdelay $0x2  }
0x1c5: {  	v0 =	vadd.f32 v1, v0  }
0x1c6: {  	v2 =	vadd.f32 v3, v2  }
0x1c7: {  	v0 =	vmul.f32 $1.999999960e-02, v0  }
0x1c8: {  	v1 =	vmul.f32 $1.999999960e-02, v2  }
0x1c9: {  	[tilespmem:$0xD990] =	vst v0  }
0x1ca: {  	s13 =	simm.s32 $0x0;
	[tilespmem:$0xD980] =	vst v1  }
0x1cb: {  	v1 =	vld [tilespmem:s13+$0xA2D0]  }
0x1cc: {  	s12 =	simm.s32 $0x80;
	v2 =	vimm.f32 $0.0e+00;
	v0 =	vimm.f32 $0.0e+00;
	v3 =	vld [tilespmem:s13+$0xA2C0]  }
.LBB2_52:
0x1cd: {  	p0 =	sne.s32 s12, $0x1880  }
.Ltmp25:
0x1ce: {  	_ = 	snop;
	(pc) =	sbr.rel @p0 .LBB2_52-.Ltmp25, $4  }
0x1cf: {  	_ = 	snop  }
0x1d0: {  	s13 =	sshra.s32 s12, $0x2;
	s12 =	sadd.s32 $0x80, s12;
	v0 =	vadd.f32 v1, v0  }
0x1d1: {  	v1 =	vld [tilespmem:s13+$0xA2D0];
	v2 =	vadd.f32 v3, v2  }
0x1d2: {  	v3 =	vld [tilespmem:s13+$0xA2C0]  }
0x1d3: {  	_ =	sdelay $0x2  }
0x1d4: {  	v0 =	vadd.f32 v1, v0  }
0x1d5: {  	v2 =	vadd.f32 v3, v2  }
0x1d6: {  	v0 =	vmul.f32 $1.999999960e-02, v0  }
0x1d7: {  	v1 =	vmul.f32 $1.999999960e-02, v2  }
0x1d8: {  	[tilespmem:$0xD9B0] =	vst v0  }
0x1d9: {  	s13 =	simm.s32 $0x0;
	[tilespmem:$0xD9A0] =	vst v1  }
0x1da: {  	v1 =	vld [tilespmem:s13+$0xA910]  }
0x1db: {  	s12 =	simm.s32 $0x80;
	v2 =	vimm.f32 $0.0e+00;
	v0 =	vimm.f32 $0.0e+00;
	v3 =	vld [tilespmem:s13+$0xA900]  }
.LBB2_54:
0x1dc: {  	p0 =	sne.s32 s12, $0x1880  }
.Ltmp26:
0x1dd: {  	_ = 	snop;
	(pc) =	sbr.rel @p0 .LBB2_54-.Ltmp26, $4  }
0x1de: {  	_ = 	snop  }
0x1df: {  	s13 =	sshra.s32 s12, $0x2;
	s12 =	sadd.s32 $0x80, s12;
	v0 =	vadd.f32 v1, v0  }
0x1e0: {  	v1 =	vld [tilespmem:s13+$0xA910];
	v2 =	vadd.f32 v3, v2  }
0x1e1: {  	v3 =	vld [tilespmem:s13+$0xA900]  }
0x1e2: {  	_ =	sdelay $0x2  }
0x1e3: {  	v0 =	vadd.f32 v1, v0  }
0x1e4: {  	v2 =	vadd.f32 v3, v2  }
0x1e5: {  	v0 =	vmul.f32 $1.999999960e-02, v0  }
0x1e6: {  	v1 =	vmul.f32 $1.999999960e-02, v2  }
0x1e7: {  	[tilespmem:$0xD9D0] =	vst v0  }
0x1e8: {  	s13 =	simm.s32 $0x0;
	[tilespmem:$0xD9C0] =	vst v1  }
0x1e9: {  	v1 =	vld [tilespmem:s13+$0xAF50]  }
0x1ea: {  	s12 =	simm.s32 $0x80;
	v2 =	vimm.f32 $0.0e+00;
	v0 =	vimm.f32 $0.0e+00;
	v3 =	vld [tilespmem:s13+$0xAF40]  }
.LBB2_56:
0x1eb: {  	p0 =	sne.s32 s12, $0x1880  }
.Ltmp27:
0x1ec: {  	_ = 	snop;
	(pc) =	sbr.rel @p0 .LBB2_56-.Ltmp27, $4  }
0x1ed: {  	_ = 	snop  }
0x1ee: {  	s13 =	sshra.s32 s12, $0x2;
	s12 =	sadd.s32 $0x80, s12;
	v0 =	vadd.f32 v1, v0  }
0x1ef: {  	v1 =	vld [tilespmem:s13+$0xAF50];
	v2 =	vadd.f32 v3, v2  }
0x1f0: {  	v3 =	vld [tilespmem:s13+$0xAF40]  }
0x1f1: {  	_ =	sdelay $0x2  }
0x1f2: {  	v0 =	vadd.f32 v1, v0  }
0x1f3: {  	v2 =	vadd.f32 v3, v2  }
0x1f4: {  	v0 =	vmul.f32 $1.999999960e-02, v0  }
0x1f5: {  	v1 =	vmul.f32 $1.999999960e-02, v2  }
0x1f6: {  	[tilespmem:$0xD9F0] =	vst v0  }
0x1f7: {  	s13 =	simm.s32 $0x0;
	[tilespmem:$0xD9E0] =	vst v1  }
0x1f8: {  	v1 =	vld [tilespmem:s13+$0xB590]  }
0x1f9: {  	s12 =	simm.s32 $0x80;
	v2 =	vimm.f32 $0.0e+00;
	v0 =	vimm.f32 $0.0e+00;
	v3 =	vld [tilespmem:s13+$0xB580]  }
.LBB2_58:
0x1fa: {  	p0 =	sne.s32 s12, $0x1880  }
.Ltmp28:
0x1fb: {  	_ = 	snop;
	(pc) =	sbr.rel @p0 .LBB2_58-.Ltmp28, $4  }
0x1fc: {  	_ = 	snop  }
0x1fd: {  	s13 =	sshra.s32 s12, $0x2;
	s12 =	sadd.s32 $0x80, s12;
	v0 =	vadd.f32 v1, v0  }
0x1fe: {  	v1 =	vld [tilespmem:s13+$0xB590];
	v2 =	vadd.f32 v3, v2  }
0x1ff: {  	v3 =	vld [tilespmem:s13+$0xB580]  }
0x200: {  	_ =	sdelay $0x2  }
0x201: {  	v0 =	vadd.f32 v1, v0  }
0x202: {  	v2 =	vadd.f32 v3, v2  }
0x203: {  	v0 =	vmul.f32 $1.999999960e-02, v0  }
0x204: {  	v1 =	vmul.f32 $1.999999960e-02, v2  }
0x205: {  	[tilespmem:$0xDA10] =	vst v0  }
0x206: {  	s13 =	simm.s32 $0x0;
	[tilespmem:$0xDA00] =	vst v1  }
0x207: {  	v1 =	vld [tilespmem:s13+$0xBBD0]  }
0x208: {  	s12 =	simm.s32 $0x80;
	v2 =	vimm.f32 $0.0e+00;
	v0 =	vimm.f32 $0.0e+00;
	v3 =	vld [tilespmem:s13+$0xBBC0]  }
.LBB2_60:
0x209: {  	p0 =	sne.s32 s12, $0x1880  }
.Ltmp29:
0x20a: {  	_ = 	snop;
	(pc) =	sbr.rel @p0 .LBB2_60-.Ltmp29, $4  }
0x20b: {  	_ = 	snop  }
0x20c: {  	s13 =	sshra.s32 s12, $0x2;
	s12 =	sadd.s32 $0x80, s12;
	v0 =	vadd.f32 v1, v0  }
0x20d: {  	v1 =	vld [tilespmem:s13+$0xBBD0];
	v2 =	vadd.f32 v3, v2  }
0x20e: {  	v3 =	vld [tilespmem:s13+$0xBBC0]  }
0x20f: {  	_ =	sdelay $0x2  }
0x210: {  	v0 =	vadd.f32 v1, v0  }
0x211: {  	v2 =	vadd.f32 v3, v2  }
0x212: {  	v0 =	vmul.f32 $1.999999960e-02, v0  }
0x213: {  	v1 =	vmul.f32 $1.999999960e-02, v2  }
0x214: {  	[tilespmem:$0xDA30] =	vst v0  }
0x215: {  	s13 =	simm.s32 $0x0;
	[tilespmem:$0xDA20] =	vst v1  }
0x216: {  	v1 =	vld [tilespmem:s13+$0xC210]  }
0x217: {  	s12 =	simm.s32 $0x80;
	v2 =	vimm.f32 $0.0e+00;
	v0 =	vimm.f32 $0.0e+00;
	v3 =	vld [tilespmem:s13+$0xC200]  }
.LBB2_62:
0x218: {  	p0 =	sne.s32 s12, $0x1880  }
.Ltmp30:
0x219: {  	_ = 	snop;
	(pc) =	sbr.rel @p0 .LBB2_62-.Ltmp30, $4  }
0x21a: {  	_ = 	snop  }
0x21b: {  	s13 =	sshra.s32 s12, $0x2;
	s12 =	sadd.s32 $0x80, s12;
	v0 =	vadd.f32 v1, v0  }
0x21c: {  	v1 =	vld [tilespmem:s13+$0xC210];
	v2 =	vadd.f32 v3, v2  }
0x21d: {  	v3 =	vld [tilespmem:s13+$0xC200]  }
0x21e: {  	_ =	sdelay $0x2  }
0x21f: {  	v0 =	vadd.f32 v1, v0  }
0x220: {  	v2 =	vadd.f32 v3, v2  }
0x221: {  	v0 =	vmul.f32 $1.999999960e-02, v0  }
0x222: {  	v1 =	vmul.f32 $1.999999960e-02, v2  }
0x223: {  	[tilespmem:$0xDA50] =	vst v0  }
0x224: {  	s13 =	simm.s32 $0x0;
	[tilespmem:$0xDA40] =	vst v1  }
0x225: {  	v1 =	vld [tilespmem:s13+$0xC850]  }
0x226: {  	s12 =	simm.s32 $0x80;
	v2 =	vimm.f32 $0.0e+00;
	v0 =	vimm.f32 $0.0e+00;
	v3 =	vld [tilespmem:s13+$0xC840]  }
.LBB2_64:
0x227: {  	p0 =	sne.s32 s12, $0x1880  }
.Ltmp31:
0x228: {  	_ = 	snop;
	(pc) =	sbr.rel @p0 .LBB2_64-.Ltmp31, $4  }
0x229: {  	_ = 	snop  }
0x22a: {  	s13 =	sshra.s32 s12, $0x2;
	s12 =	sadd.s32 $0x80, s12;
	v0 =	vadd.f32 v1, v0  }
0x22b: {  	v1 =	vld [tilespmem:s13+$0xC850];
	v2 =	vadd.f32 v3, v2  }
0x22c: {  	v3 =	vld [tilespmem:s13+$0xC840]  }
0x22d: {  	_ =	sdelay $0x2  }
0x22e: {  	v0 =	vadd.f32 v1, v0  }
0x22f: {  	v2 =	vadd.f32 v3, v2  }
0x230: {  	v0 =	vmul.f32 $1.999999960e-02, v0  }
0x231: {  	s11 =	sadd.s32 $0x1, s11;
	v63 =	vmul.f32 $1.999999960e-02, v2  }
0x232: {  	p0 =	sne.s32 s11, s6;
	[tilespmem:$0xDA70] =	vst v0  }
.Ltmp32:
0x233: {  	[tilespmem:$0xDA60] =	vst v63;
	(pc) =	sbr.rel @p0 .LBB2_1-.Ltmp32, $4  }
0x234: {  	[hbm4b:s5+s2] =	stream.linear.scatter [tilespmem:s10], [sflag:$0x2], $0x400, $0x38;
	[tilespmem:$0xDA80] =	vst v63  }
0x235: {  	_ =	swait.ge [sflag:s7], $0x400  }
0x236: {  	[sflag:s7] =	ssyncset.done $0x0  }
0x237: {  	[sflag:s7] =	ssyncadd.s32 $0xFFFFFC00  }
0x238: {  	_ =	sfence.sel $0x180000  }
0x239: {  	[bflag:$0x0] =	sbarrier.arrive $0xFFFF  }
0x23a: {  	_ =	strace $0x90000047  }
0x23b: {  	s0 =	stileid.u32;
	[bflag:$0x2] =	sbarrier.arrive $0xFFFF  }
0x23c: {  	p0 =	sne.s32 s0, $0x0;
	s0 =	rddreg [dreg:$0x2]  }
0x23d: {  	s0 =	sadd.s32 @!p0 $0x100000, s0  }
0x23e: {  	[sflag:s0] =	ssyncadd.tile.s32 @!p0 $0x1;
	_ =	shalt  }
.Lfunc_end2:
_tile_overlayer_lowered:
.L_overlay_start_2:
0x23f: {  	(tag) =	ssettag $0x2  }
0x240: {  	s0 =	rddreg [dreg:$0x0];
	s2 =	stileid.u32  }
0x241: {  	s1 =	rddreg [dreg:$0x1];
	p0 =	sne.s32 s2, $0x0  }
0x242: {  	s3 =	rddreg [dreg:$0x2];
	[bflag:$0x3] =	sbarrier.arrive $0xFFFF;
	s2 =	simm.s32 @!p0 $0x1C02  }
0x243: {  	[timem:s3], [sflag:s2] =	dma.local @!p0 [hbm:s0], s1  }
0x244: {  	s0 =	simm.s32 @!p0 $0x2  }
0x245: {  	_ =	swait.ge @!p0 [sflag:s0], s1  }
0x246: {  	s1 =	ssub.s32 @!p0 $0x0, s1;
	[sflag:s0] =	ssyncset.done @!p0 $0x0  }
0x247: {  	[sflag:s0] =	ssyncadd.s32 @!p0 s1  }
0x248: {  	[bflag:$0x3] =	sbarrier.arrive $0xFFFF  }
0x249: {  	_ =	shalt  }

</sc_bundles>
